<compile_context>
chip_gen: v7x
topology: tpu7x:2x2x1
jax: 0.10.2.dev20260603
libtpu: 0.0.44.dev20260713+nightly
codegen_flags: <defaults>
</compile_context>

<pallas_src>
import jax
import jax.numpy as jnp
from jax import lax
from jax.experimental import pallas as pl
from jax.experimental.pallas import tpu as pltpu
from jax.experimental.pallas import tpu_sc as plsc

N = 2048
C = 64
F = 256
NSUB = 16
NCORE = 2
CPT = 4
RPT = 2
PG = 16
NR = 3328
NRX = NR + 32
PPT = NR // (NSUB * NCORE)
MYCAP = 2304
TM = 128
CPG = 8


def _route_body(ids_hbm, x_hbm, perm_hbm, off_hbm, nblk_hbm, tot_hbm, xr_hbm,
                ids_v, mypx_v, mypy_v, cntg_v, off_v, nblk_v, pcnt_v,
                tmp16_v, gidx_v, idx16_v, rows_v, rows16_v,
                cnt_sh, sem, sem2):
    cid = lax.axis_index("c")
    sid = lax.axis_index("s")
    lane = lax.iota(jnp.int32, 16)
    zeros16 = jnp.zeros((16,), jnp.int32)
    c0 = CPT * sid
    r0 = CPT * sid + RPT * cid

    pltpu.sync_copy(ids_hbm, ids_v)

    def cnt_body(k, acc):
        ids = ids_v[pl.ds(k * 16, 16)]
        return tuple(
            acc[j] + plsc.all_reduce_population_count(ids == (c0 + j))
            for j in range(CPT))

    accs = lax.fori_loop(0, N // 16, cnt_body,
                         tuple(zeros16 for _ in range(CPT)))
    row = zeros16
    for j in range(CPT):
        row = jnp.where(lane == j, accs[j], row)
    tmp16_v[...] = row
    pltpu.sync_copy(tmp16_v, cnt_sh.at[pl.ds(sid * 16, 16)])
    plsc.subcore_barrier()

    pltpu.sync_copy(cnt_sh, cntg_v)
    carry = jnp.int32(0)
    for g in range(C // 16):
        flat_idx = ((4 * g + jnp.right_shift(lane, 2)) * 16
                    + jnp.bitwise_and(lane, 3))
        cnt = plsc.load_gather(cntg_v, [flat_idx])
        pcnt = jnp.bitwise_and(cnt + (PG - 1), jnp.int32(-PG))
        cum = plsc.cumsum(pcnt)
        off = cum - pcnt + carry
        nblk = jnp.right_shift(cnt + (TM - 1), 7)
        off_v[pl.ds(16 * g, 16)] = off
        nblk_v[pl.ds(16 * g, 16)] = nblk
        pcnt_v[pl.ds(16 * g, 16)] = pcnt
        carry = carry + jnp.sum(pcnt)

    @pl.when(jnp.logical_and(sid == 0, cid == 0))
    def _write_meta():
        pltpu.sync_copy(off_v, off_hbm)
        pltpu.sync_copy(nblk_v, nblk_hbm)
        tmp16_v[...] = zeros16 + carry
        pltpu.sync_copy(tmp16_v, tot_hbm)

    bases0 = tuple(plsc.load_gather(off_v, [zeros16 + (r0 + j)])
                   for j in range(RPT))
    my_pc = [plsc.load_gather(pcnt_v, [zeros16 + (r0 + j)])
             for j in range(RPT)]
    b0 = pl.multiple_of(jnp.sum(jnp.where(lane == 0, bases0[0], 0)), PG)

    def pos_body(k, bases):
        ids = ids_v[pl.ds(k * 16, 16)]
        tok = k * 16 + lane
        new_bases = []
        for j in range(RPT):
            m = ids == (r0 + j)
            incl = plsc.cumsum(jnp.where(m, 1, 0))
            rel = (bases[j] - b0) + incl - 1
            plsc.store_scatter(mypx_v, [rel], tok, mask=m)
            plsc.store_scatter(mypy_v, [rel], tok, mask=m)
            new_bases.append(bases[j] + plsc.all_reduce_population_count(m))
        return tuple(new_bases)

    ends = lax.fori_loop(0, N // 16, pos_body, bases0)

    for j in range(RPT):
        rel = (ends[j] - b0) + lane
        npad = (bases0[j] + my_pc[j]) - ends[j]
        plsc.store_scatter(mypx_v, [rel], zeros16, mask=lane < npad)
        plsc.store_scatter(mypy_v, [rel], zeros16 + N + sid * NCORE + cid,
                           mask=lane < npad)

    mylen = jnp.sum(jnp.where(lane == 0, my_pc[0] + my_pc[1], 0))
    nfull = jnp.right_shift(mylen, 7)
    ntail = jnp.right_shift(jnp.bitwise_and(mylen, TM - 1), 4)

    def full_body(i, _):
        s = pl.multiple_of(i * TM, PG)
        t = pl.multiple_of(b0 + s, PG)
        for q in range(TM // 16):
            gidx_v[pl.ds(q * 16, 16)] = mypx_v[pl.ds(s + q * 16, 16)]
        pltpu.async_copy(x_hbm.at[gidx_v], rows_v, sem).wait()
        pltpu.sync_copy(rows_v, xr_hbm.at[pl.ds(t, TM)])
        pltpu.async_copy(mypy_v.at[pl.ds(s, TM)],
                         perm_hbm.at[pl.ds(t, TM)], sem2).wait()
        return 0

    lax.fori_loop(0, nfull, full_body, 0)

    def tail_body(i, _):
        s = pl.multiple_of(nfull * TM + i * PG, PG)
        t = pl.multiple_of(b0 + s, PG)
        idx16_v[...] = mypx_v[pl.ds(s, 16)]
        pltpu.async_copy(x_hbm.at[idx16_v], rows16_v, sem).wait()
        pltpu.sync_copy(rows16_v, xr_hbm.at[pl.ds(t, PG)])
        pltpu.async_copy(mypy_v.at[pl.ds(s, 16)],
                         perm_hbm.at[pl.ds(t, 16)], sem2).wait()
        return 0

    lax.fori_loop(0, ntail, tail_body, 0)


def _unroute_body(perm_hbm, tot_hbm, yr_hbm, y_hbm, idx_v, tot_v, rows_v, sem):
    cid = lax.axis_index("c")
    sid = lax.axis_index("s")
    lane = lax.iota(jnp.int32, 16)
    wid = sid * NCORE + cid
    trash = N + wid
    base = pl.multiple_of(wid * PPT, 8)
    pltpu.sync_copy(perm_hbm.at[pl.ds(base, PPT)], idx_v)
    pltpu.sync_copy(tot_hbm, tot_v)
    tot = tot_v[...]
    for o in (0, 16, 32, 48, 64, 80, 88):
        sl = pl.ds(o, 16)
        v = idx_v[sl]
        bad = jnp.logical_or(base + o + lane >= tot,
                             jnp.logical_or(v < 0, v >= N))
        idx_v[sl] = jnp.where(bad, trash, v)
    pltpu.sync_copy(yr_hbm.at[pl.ds(base, PPT)], rows_v)
    pltpu.async_copy(rows_v, y_hbm.at[idx_v], sem).wait()


def _mm_body(off_ref, nblk_ref, xr_ref, w_ref, b_ref, o_ref):
    g = pl.program_id(0)
    wcats = [w_ref[j].astype(jnp.bfloat16) for j in range(CPG)]
    starts = [pl.multiple_of(off_ref[g * CPG + j], 8) for j in range(CPG)]
    for j in range(CPG):
        rows = xr_ref[pl.ds(starts[j], TM), :]
        acc = jnp.dot(rows.astype(jnp.bfloat16), wcats[j],
                      preferred_element_type=jnp.float32)
        o_ref[pl.ds(starts[j], TM), :] = acc + b_ref[j]
    for j in range(CPG):
        def ebody(i, _, j=j):
            s = pl.multiple_of(starts[j] + (i + 1) * TM, 8)
            rows = xr_ref[pl.ds(s, TM), :]
            acc = jnp.dot(rows.astype(jnp.bfloat16), wcats[j],
                          preferred_element_type=jnp.float32)
            o_ref[pl.ds(s, TM), :] = acc + b_ref[j]
            return 0

        lax.fori_loop(0, nblk_ref[g * CPG + j] - 1, ebody, 0)


def _sc_mesh():
    return plsc.VectorSubcoreMesh(core_axis_name="c", subcore_axis_name="s",
                                  num_cores=NCORE)


def kernel(x, cat_ids, W, b):
    ids = cat_ids.astype(jnp.int32)

    route = pl.kernel(
        _route_body,
        out_type=[
            jax.ShapeDtypeStruct((NR,), jnp.int32),
            jax.ShapeDtypeStruct((C,), jnp.int32),
            jax.ShapeDtypeStruct((C,), jnp.int32),
            jax.ShapeDtypeStruct((16,), jnp.int32),
            jax.ShapeDtypeStruct((NRX, F), jnp.float32),
        ],
        mesh=_sc_mesh(),
        compiler_params=pltpu.CompilerParams(needs_layout_passes=False),
        scratch_types=[
            pltpu.VMEM((N,), jnp.int32),
            pltpu.VMEM((MYCAP,), jnp.int32),
            pltpu.VMEM((MYCAP,), jnp.int32),
            pltpu.VMEM((NSUB * 16,), jnp.int32),
            pltpu.VMEM((C,), jnp.int32),
            pltpu.VMEM((C,), jnp.int32),
            pltpu.VMEM((C,), jnp.int32),
            pltpu.VMEM((16,), jnp.int32),
            pltpu.VMEM((TM,), jnp.int32),
            pltpu.VMEM((16,), jnp.int32),
            pltpu.VMEM((TM, F), jnp.float32),
            pltpu.VMEM((PG, F), jnp.float32),
            pltpu.VMEM_SHARED((NSUB * 16,), jnp.int32),
            pltpu.SemaphoreType.DMA,
            pltpu.SemaphoreType.DMA,
        ],
    )
    perm, off, nblk, tot, xr = route(ids, x)

    yr = pl.pallas_call(
        _mm_body,
        grid_spec=pltpu.PrefetchScalarGridSpec(
            num_scalar_prefetch=2,
            grid=(C // CPG,),
            in_specs=[
                pl.BlockSpec((NRX, F), lambda g, o, nb: (0, 0)),
                pl.BlockSpec((CPG, F, F), lambda g, o, nb: (g, 0, 0)),
                pl.BlockSpec((CPG, 1, F), lambda g, o, nb: (g, 0, 0)),
            ],
            out_specs=pl.BlockSpec((NRX, F), lambda g, o, nb: (0, 0)),
        ),
        out_shape=jax.ShapeDtypeStruct((NRX, F), jnp.float32),
    )(off, nblk, xr, W, b.reshape(C, 1, F))

    unroute = pl.kernel(
        _unroute_body,
        out_type=jax.ShapeDtypeStruct((N + 32, F), jnp.float32),
        mesh=_sc_mesh(),
        compiler_params=pltpu.CompilerParams(needs_layout_passes=False),
        scratch_types=[
            pltpu.VMEM((PPT,), jnp.int32),
            pltpu.VMEM((16,), jnp.int32),
            pltpu.VMEM((PPT, F), jnp.float32),
            pltpu.SemaphoreType.DMA,
        ],
    )
    ypad = unroute(perm, tot, yr)
    return ypad[:N]

# --- scband reference (transcript-rebuilt; emitter-appended) ---
"""Pipeline reference for scband-category-specific-linear-24962349924929 (READ-ONLY COPY).

The authoritative reference and input builder live on the scoring server;
editing this copy changes nothing except your own understanding.
"""

import jax, jax.numpy as jnp
import numpy as np

NUM_CATEGORIES = 64
IN_FEATURES = 256
OUT_FEATURES = 256
N_TOKENS = 2048


def setup_inputs(seed: int = 0) -> dict:
    key = jax.random.key(seed)
    k_x, k_ids, k_w = jax.random.split(key, 3)
    x = jax.random.normal(k_x, (N_TOKENS, IN_FEATURES), dtype=jnp.float32)
    cat_ids = jax.random.randint(k_ids, (N_TOKENS,), 0, NUM_CATEGORIES, dtype=jnp.int64 if jax.config.jax_enable_x64 else jnp.int32)
    W = 0.02 * jax.random.normal(k_w, (NUM_CATEGORIES, IN_FEATURES, OUT_FEATURES), dtype=jnp.float32)
    b = jnp.zeros((NUM_CATEGORIES, OUT_FEATURES), dtype=jnp.float32)
    return {"x": x, "cat_ids": cat_ids, "W": W, "b": b}


def reference(x, cat_ids, W, b):
    # Per-category affine: y = x @ W[cat_id] + b[cat_id]
    selected_W = jnp.take(W, cat_ids, axis=0)  # [N, in, out] gather (memory-bound)
    selected_b = jnp.take(b, cat_ids, axis=0)  # [N, out]
    if x.ndim == 2:
        return jnp.einsum('bi,bio->bo', x, selected_W) + selected_b
    return jnp.einsum('bti,bio->bto', x, selected_W) + selected_b[:, None, :]


if False:  # reference __main__ guard neutralized (emitter)
    inp = setup_inputs()
    out = reference(**inp)
    print(out.shape, out.dtype)

if __name__ == "__main__":
    import jax
    _d = setup_inputs()
    print(jax.jit(kernel)(*tuple(_d.values())))

</pallas_src>

<mosaic_0001>
#map = affine_map<(d0, d1) -> (0)>
#map1 = affine_map<(d0, d1) -> (0, 0)>
module attributes {stable_mosaic.version = 14 : i64} {
  func.func @_unroute_body(%arg0: i32, %arg1: i32, %arg2: memref<3328xi32, #tpu.memory_space<hbm>>, %arg3: memref<16xi32, #tpu.memory_space<hbm>>, %arg4: memref<3360x256xf32, #tpu.memory_space<hbm>>, %arg5: memref<2080x256xf32, #tpu.memory_space<hbm>>, %arg6: memref<104xi32, #tpu.memory_space<vmem>>, %arg7: memref<16xi32, #tpu.memory_space<vmem>>, %arg8: memref<104x256xf32, #tpu.memory_space<vmem>>, %arg9: memref<!tpu.dma_semaphore, #tpu.memory_space<semaphore_mem>>) attributes {dimension_semantics = [#tpu.dimension_semantics<core_parallel>, #tpu.dimension_semantics<subcore_parallel>], iteration_bounds = array<i64: 2, 16>, scalar_prefetch = 0 : i64, scratch_operands = 4 : i64, tpu.core_type = #tpu.core_type<sc_vector_subcore>, window_params = [{transform_indices = #map}, {transform_indices = #map}, {transform_indices = #map1}, {transform_indices = #map1}]} {
    %iota3A = tpu.iota {dimensions = array<i32: 0>} : vector<16xi32>
    %mul3A = arith.constant 2 : i32
    %mul3A_0 = arith.muli %arg1, %mul3A : i32
    %add3A = arith.addi %mul3A_0, %arg0 : i32
    %add3A_1 = arith.constant 2048 : i32
    %add3A_2 = arith.addi %add3A_1, %add3A : i32
    %mul3A_3 = arith.constant 104 : i32
    %mul3A_4 = arith.muli %add3A, %mul3A_3 : i32
    %multiple_of3A = tpu.assume_multiple %mul3A_4, 8 : i32
    "tpu.region"() ({
      %run_scoped3A = tpu.sem_alloc : memref<!tpu.dma_semaphore, #tpu.memory_space<semaphore_mem>>
      %dma_start3A_137 = tpu.memref_slice %arg2[%multiple_of3A] : memref<3328xi32, #tpu.memory_space<hbm>> -> memref<104xi32, #tpu.memory_space<hbm>>
      %dma_start3A_138 = tpu.memref_slice %arg2[%multiple_of3A] : memref<3328xi32, #tpu.memory_space<hbm>> -> memref<104xi32, #tpu.memory_space<hbm>>
      tpu.enqueue_dma source(%dma_start3A_138 : memref<104xi32, #tpu.memory_space<hbm>>) target(%arg6 : memref<104xi32, #tpu.memory_space<vmem>>) target_semaphore(%run_scoped3A : memref<!tpu.dma_semaphore, #tpu.memory_space<semaphore_mem>>)
      %dma_wait3A_139 = tpu.memref_slice %arg2[%multiple_of3A] : memref<3328xi32, #tpu.memory_space<hbm>> -> memref<104xi32, #tpu.memory_space<hbm>>
      %dma_wait3A_140 = tpu.memref_slice %arg2[%multiple_of3A] : memref<3328xi32, #tpu.memory_space<hbm>> -> memref<104xi32, #tpu.memory_space<hbm>>
      tpu.wait_dma2 semaphore(%run_scoped3A : memref<!tpu.dma_semaphore, #tpu.memory_space<semaphore_mem>>) src(%dma_wait3A_140 : memref<104xi32, #tpu.memory_space<hbm>>) dst(%arg6 : memref<104xi32, #tpu.memory_space<vmem>>)
      tpu.yield
    }) : () -> ()
    "tpu.region"() ({
      %run_scoped3A = tpu.sem_alloc : memref<!tpu.dma_semaphore, #tpu.memory_space<semaphore_mem>>
      tpu.enqueue_dma source(%arg3 : memref<16xi32, #tpu.memory_space<hbm>>) target(%arg7 : memref<16xi32, #tpu.memory_space<vmem>>) target_semaphore(%run_scoped3A : memref<!tpu.dma_semaphore, #tpu.memory_space<semaphore_mem>>)
      tpu.wait_dma2 semaphore(%run_scoped3A : memref<!tpu.dma_semaphore, #tpu.memory_space<semaphore_mem>>) src(%arg3 : memref<16xi32, #tpu.memory_space<hbm>>) dst(%arg7 : memref<16xi32, #tpu.memory_space<vmem>>)
      tpu.yield
    }) : () -> ()
    %get3A = arith.constant 0 : index
    %get3A_5 = tpu.vector_load %arg7[%get3A] {strides = array<i32>} : memref<16xi32, #tpu.memory_space<vmem>>, vector<16xi32>,
    %get3A_6 = arith.constant 0 : index
    %get3A_7 = tpu.vector_load %arg6[%get3A_6] {strides = array<i32>} : memref<104xi32, #tpu.memory_space<vmem>>, vector<16xi32>,
    %add3A_8 = arith.constant 0 : i32
    %add3A_9 = arith.addi %multiple_of3A, %add3A_8 : i32
    %add3A_10 = vector.broadcast %add3A_9 : i32 to vector<16xi32>
    %add3A_11 = arith.addi %add3A_10, %iota3A : vector<16xi32>
    %ge3A = arith.cmpi sge, %add3A_11, %get3A_5 : vector<16xi32>
    %lt3A = arith.constant 0 : i32
    %lt3A_12 = vector.broadcast %lt3A : i32 to vector<16xi32>
    %lt3A_13 = arith.cmpi slt, %get3A_7, %lt3A_12 : vector<16xi32>
    %ge3A_14 = arith.constant 2048 : i32
    %ge3A_15 = vector.broadcast %ge3A_14 : i32 to vector<16xi32>
    %ge3A_16 = arith.cmpi sge, %get3A_7, %ge3A_15 : vector<16xi32>
    %or3A = arith.ori %lt3A_13, %ge3A_16 : vector<16xi1>
    %or3A_17 = arith.ori %ge3A, %or3A : vector<16xi1>
    %broadcast_in_dim3A = vector.broadcast %add3A_2 : i32 to vector<16xi32>
    %select_n3A = arith.select %or3A_17, %broadcast_in_dim3A, %get3A_7 : vector<16xi1>, vector<16xi32>
    %swap3A = arith.constant 0 : index
    %swap3A_18 = tpu.vector_load %arg6[%swap3A] {strides = array<i32>} : memref<104xi32, #tpu.memory_space<vmem>>, vector<16xi32>,
    tpu.vector_store %arg6[%swap3A], %select_n3A {strides = array<i32>} : memref<104xi32, #tpu.memory_space<vmem>>, vector<16xi32>,
    %get3A_19 = arith.constant 16 : index
    %get3A_20 = tpu.vector_load %arg6[%get3A_19] {strides = array<i32>} : memref<104xi32, #tpu.memory_space<vmem>>, vector<16xi32>,
    %add3A_21 = arith.constant 16 : i32
    %add3A_22 = arith.addi %multiple_of3A, %add3A_21 : i32
    %add3A_23 = vector.broadcast %add3A_22 : i32 to vector<16xi32>
    %add3A_24 = arith.addi %add3A_23, %iota3A : vector<16xi32>
    %ge3A_25 = arith.cmpi sge, %add3A_24, %get3A_5 : vector<16xi32>
    %lt3A_26 = arith.constant 0 : i32
    %lt3A_27 = vector.broadcast %lt3A_26 : i32 to vector<16xi32>
    %lt3A_28 = arith.cmpi slt, %get3A_20, %lt3A_27 : vector<16xi32>
    %ge3A_29 = arith.constant 2048 : i32
    %ge3A_30 = vector.broadcast %ge3A_29 : i32 to vector<16xi32>
    %ge3A_31 = arith.cmpi sge, %get3A_20, %ge3A_30 : vector<16xi32>
    %or3A_32 = arith.ori %lt3A_28, %ge3A_31 : vector<16xi1>
    %or3A_33 = arith.ori %ge3A_25, %or3A_32 : vector<16xi1>
    %broadcast_in_dim3A_34 = vector.broadcast %add3A_2 : i32 to vector<16xi32>
    %select_n3A_35 = arith.select %or3A_33, %broadcast_in_dim3A_34, %get3A_20 : vector<16xi1>, vector<16xi32>
    %swap3A_36 = arith.constant 16 : index
    %swap3A_37 = tpu.vector_load %arg6[%swap3A_36] {strides = array<i32>} : memref<104xi32, #tpu.memory_space<vmem>>, vector<16xi32>,
    tpu.vector_store %arg6[%swap3A_36], %select_n3A_35 {strides = array<i32>} : memref<104xi32, #tpu.memory_space<vmem>>, vector<16xi32>,
    %get3A_38 = arith.constant 32 : index
    %get3A_39 = tpu.vector_load %arg6[%get3A_38] {strides = array<i32>} : memref<104xi32, #tpu.memory_space<vmem>>, vector<16xi32>,
    %add3A_40 = arith.constant 32 : i32
    %add3A_41 = arith.addi %multiple_of3A, %add3A_40 : i32
    %add3A_42 = vector.broadcast %add3A_41 : i32 to vector<16xi32>
    %add3A_43 = arith.addi %add3A_42, %iota3A : vector<16xi32>
    %ge3A_44 = arith.cmpi sge, %add3A_43, %get3A_5 : vector<16xi32>
    %lt3A_45 = arith.constant 0 : i32
    %lt3A_46 = vector.broadcast %lt3A_45 : i32 to vector<16xi32>
    %lt3A_47 = arith.cmpi slt, %get3A_39, %lt3A_46 : vector<16xi32>
    %ge3A_48 = arith.constant 2048 : i32
    %ge3A_49 = vector.broadcast %ge3A_48 : i32 to vector<16xi32>
    %ge3A_50 = arith.cmpi sge, %get3A_39, %ge3A_49 : vector<16xi32>
    %or3A_51 = arith.ori %lt3A_47, %ge3A_50 : vector<16xi1>
    %or3A_52 = arith.ori %ge3A_44, %or3A_51 : vector<16xi1>
    %broadcast_in_dim3A_53 = vector.broadcast %add3A_2 : i32 to vector<16xi32>
    %select_n3A_54 = arith.select %or3A_52, %broadcast_in_dim3A_53, %get3A_39 : vector<16xi1>, vector<16xi32>
    %swap3A_55 = arith.constant 32 : index
    %swap3A_56 = tpu.vector_load %arg6[%swap3A_55] {strides = array<i32>} : memref<104xi32, #tpu.memory_space<vmem>>, vector<16xi32>,
    tpu.vector_store %arg6[%swap3A_55], %select_n3A_54 {strides = array<i32>} : memref<104xi32, #tpu.memory_space<vmem>>, vector<16xi32>,
    %get3A_57 = arith.constant 48 : index
    %get3A_58 = tpu.vector_load %arg6[%get3A_57] {strides = array<i32>} : memref<104xi32, #tpu.memory_space<vmem>>, vector<16xi32>,
    %add3A_59 = arith.constant 48 : i32
    %add3A_60 = arith.addi %multiple_of3A, %add3A_59 : i32
    %add3A_61 = vector.broadcast %add3A_60 : i32 to vector<16xi32>
    %add3A_62 = arith.addi %add3A_61, %iota3A : vector<16xi32>
    %ge3A_63 = arith.cmpi sge, %add3A_62, %get3A_5 : vector<16xi32>
    %lt3A_64 = arith.constant 0 : i32
    %lt3A_65 = vector.broadcast %lt3A_64 : i32 to vector<16xi32>
    %lt3A_66 = arith.cmpi slt, %get3A_58, %lt3A_65 : vector<16xi32>
    %ge3A_67 = arith.constant 2048 : i32
    %ge3A_68 = vector.broadcast %ge3A_67 : i32 to vector<16xi32>
    %ge3A_69 = arith.cmpi sge, %get3A_58, %ge3A_68 : vector<16xi32>
    %or3A_70 = arith.ori %lt3A_66, %ge3A_69 : vector<16xi1>
    %or3A_71 = arith.ori %ge3A_63, %or3A_70 : vector<16xi1>
    %broadcast_in_dim3A_72 = vector.broadcast %add3A_2 : i32 to vector<16xi32>
    %select_n3A_73 = arith.select %or3A_71, %broadcast_in_dim3A_72, %get3A_58 : vector<16xi1>, vector<16xi32>
    %swap3A_74 = arith.constant 48 : index
    %swap3A_75 = tpu.vector_load %arg6[%swap3A_74] {strides = array<i32>} : memref<104xi32, #tpu.memory_space<vmem>>, vector<16xi32>,
    tpu.vector_store %arg6[%swap3A_74], %select_n3A_73 {strides = array<i32>} : memref<104xi32, #tpu.memory_space<vmem>>, vector<16xi32>,
    %get3A_76 = arith.constant 64 : index
    %get3A_77 = tpu.vector_load %arg6[%get3A_76] {strides = array<i32>} : memref<104xi32, #tpu.memory_space<vmem>>, vector<16xi32>,
    %add3A_78 = arith.constant 64 : i32
    %add3A_79 = arith.addi %multiple_of3A, %add3A_78 : i32
    %add3A_80 = vector.broadcast %add3A_79 : i32 to vector<16xi32>
    %add3A_81 = arith.addi %add3A_80, %iota3A : vector<16xi32>
    %ge3A_82 = arith.cmpi sge, %add3A_81, %get3A_5 : vector<16xi32>
    %lt3A_83 = arith.constant 0 : i32
    %lt3A_84 = vector.broadcast %lt3A_83 : i32 to vector<16xi32>
    %lt3A_85 = arith.cmpi slt, %get3A_77, %lt3A_84 : vector<16xi32>
    %ge3A_86 = arith.constant 2048 : i32
    %ge3A_87 = vector.broadcast %ge3A_86 : i32 to vector<16xi32>
    %ge3A_88 = arith.cmpi sge, %get3A_77, %ge3A_87 : vector<16xi32>
    %or3A_89 = arith.ori %lt3A_85, %ge3A_88 : vector<16xi1>
    %or3A_90 = arith.ori %ge3A_82, %or3A_89 : vector<16xi1>
    %broadcast_in_dim3A_91 = vector.broadcast %add3A_2 : i32 to vector<16xi32>
    %select_n3A_92 = arith.select %or3A_90, %broadcast_in_dim3A_91, %get3A_77 : vector<16xi1>, vector<16xi32>
    %swap3A_93 = arith.constant 64 : index
    %swap3A_94 = tpu.vector_load %arg6[%swap3A_93] {strides = array<i32>} : memref<104xi32, #tpu.memory_space<vmem>>, vector<16xi32>,
    tpu.vector_store %arg6[%swap3A_93], %select_n3A_92 {strides = array<i32>} : memref<104xi32, #tpu.memory_space<vmem>>, vector<16xi32>,
    %get3A_95 = arith.constant 80 : index
    %get3A_96 = tpu.vector_load %arg6[%get3A_95] {strides = array<i32>} : memref<104xi32, #tpu.memory_space<vmem>>, vector<16xi32>,
    %add3A_97 = arith.constant 80 : i32
    %add3A_98 = arith.addi %multiple_of3A, %add3A_97 : i32
    %add3A_99 = vector.broadcast %add3A_98 : i32 to vector<16xi32>
    %add3A_100 = arith.addi %add3A_99, %iota3A : vector<16xi32>
    %ge3A_101 = arith.cmpi sge, %add3A_100, %get3A_5 : vector<16xi32>
    %lt3A_102 = arith.constant 0 : i32
    %lt3A_103 = vector.broadcast %lt3A_102 : i32 to vector<16xi32>
    %lt3A_104 = arith.cmpi slt, %get3A_96, %lt3A_103 : vector<16xi32>
    %ge3A_105 = arith.constant 2048 : i32
    %ge3A_106 = vector.broadcast %ge3A_105 : i32 to vector<16xi32>
    %ge3A_107 = arith.cmpi sge, %get3A_96, %ge3A_106 : vector<16xi32>
    %or3A_108 = arith.ori %lt3A_104, %ge3A_107 : vector<16xi1>
    %or3A_109 = arith.ori %ge3A_101, %or3A_108 : vector<16xi1>
    %broadcast_in_dim3A_110 = vector.broadcast %add3A_2 : i32 to vector<16xi32>
    %select_n3A_111 = arith.select %or3A_109, %broadcast_in_dim3A_110, %get3A_96 : vector<16xi1>, vector<16xi32>
    %swap3A_112 = arith.constant 80 : index
    %swap3A_113 = tpu.vector_load %arg6[%swap3A_112] {strides = array<i32>} : memref<104xi32, #tpu.memory_space<vmem>>, vector<16xi32>,
    tpu.vector_store %arg6[%swap3A_112], %select_n3A_111 {strides = array<i32>} : memref<104xi32, #tpu.memory_space<vmem>>, vector<16xi32>,
    %get3A_114 = arith.constant 88 : index
    %get3A_115 = tpu.vector_load %arg6[%get3A_114] {strides = array<i32>} : memref<104xi32, #tpu.memory_space<vmem>>, vector<16xi32>,
    %add3A_116 = arith.constant 88 : i32
    %add3A_117 = arith.addi %multiple_of3A, %add3A_116 : i32
    %add3A_118 = vector.broadcast %add3A_117 : i32 to vector<16xi32>
    %add3A_119 = arith.addi %add3A_118, %iota3A : vector<16xi32>
    %ge3A_120 = arith.cmpi sge, %add3A_119, %get3A_5 : vector<16xi32>
    %lt3A_121 = arith.constant 0 : i32
    %lt3A_122 = vector.broadcast %lt3A_121 : i32 to vector<16xi32>
    %lt3A_123 = arith.cmpi slt, %get3A_115, %lt3A_122 : vector<16xi32>
    %ge3A_124 = arith.constant 2048 : i32
    %ge3A_125 = vector.broadcast %ge3A_124 : i32 to vector<16xi32>
    %ge3A_126 = arith.cmpi sge, %get3A_115, %ge3A_125 : vector<16xi32>
    %or3A_127 = arith.ori %lt3A_123, %ge3A_126 : vector<16xi1>
    %or3A_128 = arith.ori %ge3A_120, %or3A_127 : vector<16xi1>
    %broadcast_in_dim3A_129 = vector.broadcast %add3A_2 : i32 to vector<16xi32>
    %select_n3A_130 = arith.select %or3A_128, %broadcast_in_dim3A_129, %get3A_115 : vector<16xi1>, vector<16xi32>
    %swap3A_131 = arith.constant 88 : index
    %swap3A_132 = tpu.vector_load %arg6[%swap3A_131] {strides = array<i32>} : memref<104xi32, #tpu.memory_space<vmem>>, vector<16xi32>,
    tpu.vector_store %arg6[%swap3A_131], %select_n3A_130 {strides = array<i32>} : memref<104xi32, #tpu.memory_space<vmem>>, vector<16xi32>,
    "tpu.region"() ({
      %run_scoped3A = tpu.sem_alloc : memref<!tpu.dma_semaphore, #tpu.memory_space<semaphore_mem>>
      %dma_start3A_137 = arith.constant 0 : i32
      %dma_start3A_138 = tpu.memref_slice %arg4[%multiple_of3A, %dma_start3A_137] : memref<3360x256xf32, #tpu.memory_space<hbm>> -> memref<104x256xf32, #tpu.memory_space<hbm>>
      %dma_start3A_139 = arith.constant 0 : i32
      %dma_start3A_140 = tpu.memref_slice %arg4[%multiple_of3A, %dma_start3A_139] : memref<3360x256xf32, #tpu.memory_space<hbm>> -> memref<104x256xf32, #tpu.memory_space<hbm>>
      tpu.enqueue_dma source(%dma_start3A_140 : memref<104x256xf32, #tpu.memory_space<hbm>>) target(%arg8 : memref<104x256xf32, #tpu.memory_space<vmem>>) target_semaphore(%run_scoped3A : memref<!tpu.dma_semaphore, #tpu.memory_space<semaphore_mem>>)
      %dma_wait3A_141 = arith.constant 0 : i32
      %dma_wait3A_142 = tpu.memref_slice %arg4[%multiple_of3A, %dma_wait3A_141] : memref<3360x256xf32, #tpu.memory_space<hbm>> -> memref<104x256xf32, #tpu.memory_space<hbm>>
      %dma_wait3A_143 = arith.constant 0 : i32
      %dma_wait3A_144 = tpu.memref_slice %arg4[%multiple_of3A, %dma_wait3A_143] : memref<3360x256xf32, #tpu.memory_space<hbm>> -> memref<104x256xf32, #tpu.memory_space<hbm>>
      tpu.wait_dma2 semaphore(%run_scoped3A : memref<!tpu.dma_semaphore, #tpu.memory_space<semaphore_mem>>) src(%dma_wait3A_144 : memref<104x256xf32, #tpu.memory_space<hbm>>) dst(%arg8 : memref<104x256xf32, #tpu.memory_space<vmem>>)
      tpu.yield
    }) : () -> ()
    %dma_start3A = arith.constant 0 : i32
    %dma_start3A_133 = arith.constant 0 : i32
    %dma_start3A_134 = tpu.memref_slice %arg5[%dma_start3A, %dma_start3A_133] : memref<2080x256xf32, #tpu.memory_space<hbm>> -> memref<2080x256xf32, #tpu.memory_space<hbm>>
    tpu.enqueue_indirect_dma source(%arg8 : memref<104x256xf32, #tpu.memory_space<vmem>>) target(%dma_start3A_134 : memref<2080x256xf32, #tpu.memory_space<hbm>>) offsets(%arg6 : memref<104xi32, #tpu.memory_space<vmem>>) semaphore(%arg9 : memref<!tpu.dma_semaphore, #tpu.memory_space<semaphore_mem>>)
    %dma_wait3A = arith.constant 0 : i32
    %dma_wait3A_135 = arith.constant 0 : i32
    %dma_wait3A_136 = tpu.memref_slice %arg5[%dma_wait3A, %dma_wait3A_135] : memref<2080x256xf32, #tpu.memory_space<hbm>> -> memref<2080x256xf32, #tpu.memory_space<hbm>>
    tpu.wait_indirect_dma semaphore(%arg9 : memref<!tpu.dma_semaphore, #tpu.memory_space<semaphore_mem>>) src(%arg8 : memref<104x256xf32, #tpu.memory_space<vmem>>) dst(%dma_wait3A_136 : memref<2080x256xf32, #tpu.memory_space<hbm>>)
    return
  }
}

#map = affine_map<(d0, d1) -> (0)>
#map1 = affine_map<(d0, d1) -> (0, 0)>
module attributes {stable_mosaic.version = 14 : i64} {
  func.func @_route_body(%arg0: i32, %arg1: i32, %arg2: memref<2048xi32, #tpu.memory_space<hbm>>, %arg3: memref<2048x256xf32, #tpu.memory_space<hbm>>, %arg4: memref<3328xi32, #tpu.memory_space<hbm>>, %arg5: memref<64xi32, #tpu.memory_space<hbm>>, %arg6: memref<64xi32, #tpu.memory_space<hbm>>, %arg7: memref<16xi32, #tpu.memory_space<hbm>>, %arg8: memref<3360x256xf32, #tpu.memory_space<hbm>>, %arg9: memref<2048xi32, #tpu.memory_space<vmem>>, %arg10: memref<2304xi32, #tpu.memory_space<vmem>>, %arg11: memref<2304xi32, #tpu.memory_space<vmem>>, %arg12: memref<256xi32, #tpu.memory_space<vmem>>, %arg13: memref<64xi32, #tpu.memory_space<vmem>>, %arg14: memref<64xi32, #tpu.memory_space<vmem>>, %arg15: memref<64xi32, #tpu.memory_space<vmem>>, %arg16: memref<16xi32, #tpu.memory_space<vmem>>, %arg17: memref<128xi32, #tpu.memory_space<vmem>>, %arg18: memref<16xi32, #tpu.memory_space<vmem>>, %arg19: memref<128x256xf32, #tpu.memory_space<vmem>>, %arg20: memref<16x256xf32, #tpu.memory_space<vmem>>, %arg21: memref<256xi32, #tpu.memory_space<vmem_shared>>, %arg22: memref<!tpu.dma_semaphore, #tpu.memory_space<semaphore_mem>>, %arg23: memref<!tpu.dma_semaphore, #tpu.memory_space<semaphore_mem>>) attributes {dimension_semantics = [#tpu.dimension_semantics<core_parallel>, #tpu.dimension_semantics<subcore_parallel>], iteration_bounds = array<i64: 2, 16>, scalar_prefetch = 0 : i64, scratch_operands = 15 : i64, tpu.core_type = #tpu.core_type<sc_vector_subcore>, window_params = [{transform_indices = #map}, {transform_indices = #map1}, {transform_indices = #map}, {transform_indices = #map}, {transform_indices = #map}, {transform_indices = #map}, {transform_indices = #map1}]} {
    %iota3A = tpu.iota {dimensions = array<i32: 0>} : vector<16xi32>
    %broadcast_in_dim3A = arith.constant 0 : i32
    %broadcast_in_dim3A_0 = vector.broadcast %broadcast_in_dim3A : i32 to vector<16xi32>
    %mul3A = arith.constant 4 : i32
    %mul3A_1 = arith.muli %mul3A, %arg1 : i32
    %mul3A_2 = arith.constant 4 : i32
    %mul3A_3 = arith.muli %mul3A_2, %arg1 : i32
    %mul3A_4 = arith.constant 2 : i32
    %mul3A_5 = arith.muli %mul3A_4, %arg0 : i32
    %add3A = arith.addi %mul3A_3, %mul3A_5 : i32
    "tpu.region"() ({
      %run_scoped3A = tpu.sem_alloc : memref<!tpu.dma_semaphore, #tpu.memory_space<semaphore_mem>>
      tpu.enqueue_dma source(%arg2 : memref<2048xi32, #tpu.memory_space<hbm>>) target(%arg9 : memref<2048xi32, #tpu.memory_space<vmem>>) target_semaphore(%run_scoped3A : memref<!tpu.dma_semaphore, #tpu.memory_space<semaphore_mem>>)
      tpu.wait_dma2 semaphore(%run_scoped3A : memref<!tpu.dma_semaphore, #tpu.memory_space<semaphore_mem>>) src(%arg2 : memref<2048xi32, #tpu.memory_space<hbm>>) dst(%arg9 : memref<2048xi32, #tpu.memory_space<vmem>>)
      tpu.yield
    }) : () -> ()
    %scan3A = arith.constant 0 : i32
    %scan3A_6 = arith.constant 128 : i32
    %scan3A_7 = arith.addi %scan3A, %scan3A_6 : i32
    %scan3A_8 = arith.constant 1 : i32
    %scan3A_9:4 = scf.for %scan3A_308 = %scan3A to %scan3A_7 step %scan3A_8 iter_args(%scan3A_309 = %broadcast_in_dim3A_0, %scan3A_310 = %broadcast_in_dim3A_0, %scan3A_311 = %broadcast_in_dim3A_0, %scan3A_312 = %broadcast_in_dim3A_0) -> (vector<16xi32>, vector<16xi32>, vector<16xi32>, vector<16xi32>)  : i32 {
      %mul3A_313 = arith.constant 16 : i32
      %mul3A_314 = arith.muli %scan3A_308, %mul3A_313 : i32
      %get3A = arith.index_cast %mul3A_314 : i32 to index
      %get3A_315 = tpu.vector_load %arg9[%get3A] {strides = array<i32>} : memref<2048xi32, #tpu.memory_space<vmem>>, vector<16xi32>,
      %add3A_316 = arith.constant 0 : i32
      %add3A_317 = arith.addi %mul3A_1, %add3A_316 : i32
      %eq3A_318 = vector.broadcast %add3A_317 : i32 to vector<16xi32>
      %eq3A_319 = arith.cmpi eq, %get3A_315, %eq3A_318 : vector<16xi32>
      %all_reduce_population_count3A = tpu.all_reduce %eq3A_319 {dim = 0 : i64, kind = #tpu.reduction_kind<sum>} : vector<16xi1> -> vector<16xi32>
      %add3A_320 = arith.addi %scan3A_309, %all_reduce_population_count3A : vector<16xi32>
      %add3A_321 = arith.constant 1 : i32
      %add3A_322 = arith.addi %mul3A_1, %add3A_321 : i32
      %eq3A_323 = vector.broadcast %add3A_322 : i32 to vector<16xi32>
      %eq3A_324 = arith.cmpi eq, %get3A_315, %eq3A_323 : vector<16xi32>
      %all_reduce_population_count3A_325 = tpu.all_reduce %eq3A_324 {dim = 0 : i64, kind = #tpu.reduction_kind<sum>} : vector<16xi1> -> vector<16xi32>
      %add3A_326 = arith.addi %scan3A_310, %all_reduce_population_count3A_325 : vector<16xi32>
      %add3A_327 = arith.constant 2 : i32
      %add3A_328 = arith.addi %mul3A_1, %add3A_327 : i32
      %eq3A_329 = vector.broadcast %add3A_328 : i32 to vector<16xi32>
      %eq3A_330 = arith.cmpi eq, %get3A_315, %eq3A_329 : vector<16xi32>
      %all_reduce_population_count3A_331 = tpu.all_reduce %eq3A_330 {dim = 0 : i64, kind = #tpu.reduction_kind<sum>} : vector<16xi1> -> vector<16xi32>
      %add3A_332 = arith.addi %scan3A_311, %all_reduce_population_count3A_331 : vector<16xi32>
      %add3A_333 = arith.constant 3 : i32
      %add3A_334 = arith.addi %mul3A_1, %add3A_333 : i32
      %eq3A_335 = vector.broadcast %add3A_334 : i32 to vector<16xi32>
      %eq3A_336 = arith.cmpi eq, %get3A_315, %eq3A_335 : vector<16xi32>
      %all_reduce_population_count3A_337 = tpu.all_reduce %eq3A_336 {dim = 0 : i64, kind = #tpu.reduction_kind<sum>} : vector<16xi1> -> vector<16xi32>
      %add3A_338 = arith.addi %scan3A_312, %all_reduce_population_count3A_337 : vector<16xi32>
      scf.yield %add3A_320, %add3A_326, %add3A_332, %add3A_338 : vector<16xi32>, vector<16xi32>, vector<16xi32>, vector<16xi32>
    }
    %scan3A_10 = arith.constant 128 : i32
    %eq3A = arith.constant 0 : i32
    %eq3A_11 = vector.broadcast %eq3A : i32 to vector<16xi32>
    %eq3A_12 = arith.cmpi eq, %iota3A, %eq3A_11 : vector<16xi32>
    %select_n3A = arith.select %eq3A_12, %scan3A_9#0, %broadcast_in_dim3A_0 : vector<16xi1>, vector<16xi32>
    %eq3A_13 = arith.constant 1 : i32
    %eq3A_14 = vector.broadcast %eq3A_13 : i32 to vector<16xi32>
    %eq3A_15 = arith.cmpi eq, %iota3A, %eq3A_14 : vector<16xi32>
    %select_n3A_16 = arith.select %eq3A_15, %scan3A_9#1, %select_n3A : vector<16xi1>, vector<16xi32>
    %eq3A_17 = arith.constant 2 : i32
    %eq3A_18 = vector.broadcast %eq3A_17 : i32 to vector<16xi32>
    %eq3A_19 = arith.cmpi eq, %iota3A, %eq3A_18 : vector<16xi32>
    %select_n3A_20 = arith.select %eq3A_19, %scan3A_9#2, %select_n3A_16 : vector<16xi1>, vector<16xi32>
    %eq3A_21 = arith.constant 3 : i32
    %eq3A_22 = vector.broadcast %eq3A_21 : i32 to vector<16xi32>
    %eq3A_23 = arith.cmpi eq, %iota3A, %eq3A_22 : vector<16xi32>
    %select_n3A_24 = arith.select %eq3A_23, %scan3A_9#3, %select_n3A_20 : vector<16xi1>, vector<16xi32>
    %swap3A = arith.constant 0 : index
    %swap3A_25 = tpu.vector_load %arg16[%swap3A] {strides = array<i32>} : memref<16xi32, #tpu.memory_space<vmem>>, vector<16xi32>,
    tpu.vector_store %arg16[%swap3A], %select_n3A_24 {strides = array<i32>} : memref<16xi32, #tpu.memory_space<vmem>>, vector<16xi32>,
    %mul3A_26 = arith.constant 16 : i32
    %mul3A_27 = arith.muli %arg1, %mul3A_26 : i32
    "tpu.region"() ({
      %run_scoped3A = tpu.sem_alloc : memref<!tpu.dma_semaphore, #tpu.memory_space<semaphore_mem>>
      %dma_start3A = tpu.memref_slice %arg21[%mul3A_27] : memref<256xi32, #tpu.memory_space<vmem_shared>> -> memref<16xi32, #tpu.memory_space<vmem_shared>>
      %dma_start3A_308 = tpu.memref_slice %arg21[%mul3A_27] : memref<256xi32, #tpu.memory_space<vmem_shared>> -> memref<16xi32, #tpu.memory_space<vmem_shared>>
      tpu.enqueue_dma source(%arg16 : memref<16xi32, #tpu.memory_space<vmem>>) target(%dma_start3A_308 : memref<16xi32, #tpu.memory_space<vmem_shared>>) target_semaphore(%run_scoped3A : memref<!tpu.dma_semaphore, #tpu.memory_space<semaphore_mem>>)
      %dma_wait3A = tpu.memref_slice %arg21[%mul3A_27] : memref<256xi32, #tpu.memory_space<vmem_shared>> -> memref<16xi32, #tpu.memory_space<vmem_shared>>
      %dma_wait3A_309 = tpu.memref_slice %arg21[%mul3A_27] : memref<256xi32, #tpu.memory_space<vmem_shared>> -> memref<16xi32, #tpu.memory_space<vmem_shared>>
      tpu.wait_dma2 semaphore(%run_scoped3A : memref<!tpu.dma_semaphore, #tpu.memory_space<semaphore_mem>>) src(%arg16 : memref<16xi32, #tpu.memory_space<vmem>>) dst(%dma_wait3A_309 : memref<16xi32, #tpu.memory_space<vmem_shared>>)
      tpu.yield
    }) : () -> ()
    %barrier3A = arith.constant 0 : index
    tpu.barrier barrier_id(%barrier3A)
    "tpu.region"() ({
      %run_scoped3A = tpu.sem_alloc : memref<!tpu.dma_semaphore, #tpu.memory_space<semaphore_mem>>
      tpu.enqueue_dma source(%arg21 : memref<256xi32, #tpu.memory_space<vmem_shared>>) target(%arg12 : memref<256xi32, #tpu.memory_space<vmem>>) target_semaphore(%run_scoped3A : memref<!tpu.dma_semaphore, #tpu.memory_space<semaphore_mem>>)
      tpu.wait_dma2 semaphore(%run_scoped3A : memref<!tpu.dma_semaphore, #tpu.memory_space<semaphore_mem>>) src(%arg21 : memref<256xi32, #tpu.memory_space<vmem_shared>>) dst(%arg12 : memref<256xi32, #tpu.memory_space<vmem>>)
      tpu.yield
    }) : () -> ()
    %shift_right_arithmetic3A = arith.constant 2 : i32
    %shift_right_arithmetic3A_28 = vector.broadcast %shift_right_arithmetic3A : i32 to vector<16xi32>
    %shift_right_arithmetic3A_29 = arith.shrsi %iota3A, %shift_right_arithmetic3A_28 : vector<16xi32>
    %add3A_30 = arith.constant 0 : i32
    %add3A_31 = vector.broadcast %add3A_30 : i32 to vector<16xi32>
    %add3A_32 = arith.addi %add3A_31, %shift_right_arithmetic3A_29 : vector<16xi32>
    %mul3A_33 = arith.constant 16 : i32
    %mul3A_34 = vector.broadcast %mul3A_33 : i32 to vector<16xi32>
    %mul3A_35 = arith.muli %add3A_32, %mul3A_34 : vector<16xi32>
    %and3A = arith.constant 3 : i32
    %and3A_36 = vector.broadcast %and3A : i32 to vector<16xi32>
    %and3A_37 = arith.andi %iota3A, %and3A_36 : vector<16xi32>
    %add3A_38 = arith.addi %mul3A_35, %and3A_37 : vector<16xi32>
    %gather3A = tpu.vector_load_idx %arg12[%add3A_38] : memref<256xi32, #tpu.memory_space<vmem>>[vector<16xi32>], vector<16xi32>,
    %add3A_39 = arith.constant 15 : i32
    %add3A_40 = vector.broadcast %add3A_39 : i32 to vector<16xi32>
    %add3A_41 = arith.addi %gather3A, %add3A_40 : vector<16xi32>
    %and3A_42 = arith.constant -16 : i32
    %and3A_43 = vector.broadcast %and3A_42 : i32 to vector<16xi32>
    %and3A_44 = arith.andi %add3A_41, %and3A_43 : vector<16xi32>
    %broadcast_in_dim3A_45 = arith.constant true
    %broadcast_in_dim3A_46 = vector.broadcast %broadcast_in_dim3A_45 : i1 to vector<16xi1>
    %masked_cumsum3A = tpu.scan <sum>, %and3A_44 masked %broadcast_in_dim3A_46 : vector<16xi32>, vector<16xi1> -> vector<16xi32>
    %sub3A = arith.subi %masked_cumsum3A, %and3A_44 : vector<16xi32>
    %add3A_47 = arith.constant 0 : i32
    %add3A_48 = vector.broadcast %add3A_47 : i32 to vector<16xi32>
    %add3A_49 = arith.addi %sub3A, %add3A_48 : vector<16xi32>
    %add3A_50 = arith.constant 127 : i32
    %add3A_51 = vector.broadcast %add3A_50 : i32 to vector<16xi32>
    %add3A_52 = arith.addi %gather3A, %add3A_51 : vector<16xi32>
    %shift_right_arithmetic3A_53 = arith.constant 7 : i32
    %shift_right_arithmetic3A_54 = vector.broadcast %shift_right_arithmetic3A_53 : i32 to vector<16xi32>
    %shift_right_arithmetic3A_55 = arith.shrsi %add3A_52, %shift_right_arithmetic3A_54 : vector<16xi32>
    %swap3A_56 = arith.constant 0 : index
    %swap3A_57 = tpu.vector_load %arg13[%swap3A_56] {strides = array<i32>} : memref<64xi32, #tpu.memory_space<vmem>>, vector<16xi32>,
    tpu.vector_store %arg13[%swap3A_56], %add3A_49 {strides = array<i32>} : memref<64xi32, #tpu.memory_space<vmem>>, vector<16xi32>,
    %swap3A_58 = arith.constant 0 : index
    %swap3A_59 = tpu.vector_load %arg14[%swap3A_58] {strides = array<i32>} : memref<64xi32, #tpu.memory_space<vmem>>, vector<16xi32>,
    tpu.vector_store %arg14[%swap3A_58], %shift_right_arithmetic3A_55 {strides = array<i32>} : memref<64xi32, #tpu.memory_space<vmem>>, vector<16xi32>,
    %swap3A_60 = arith.constant 0 : index
    %swap3A_61 = tpu.vector_load %arg15[%swap3A_60] {strides = array<i32>} : memref<64xi32, #tpu.memory_space<vmem>>, vector<16xi32>,
    tpu.vector_store %arg15[%swap3A_60], %and3A_44 {strides = array<i32>} : memref<64xi32, #tpu.memory_space<vmem>>, vector<16xi32>,
    %reduce_sum3A = arith.constant true
    %reduce_sum3A_62 = vector.broadcast %reduce_sum3A : i1 to vector<16xi1>
    %reduce_sum3A_63 = tpu.scan <sum>, %and3A_44 masked %reduce_sum3A_62 : vector<16xi32>, vector<16xi1> -> vector<16xi32>
    %reduce_sum3A_64 = vector.extract %reduce_sum3A_63[15] : i32 from vector<16xi32>
    %add3A_65 = arith.constant 0 : i32
    %add3A_66 = arith.addi %add3A_65, %reduce_sum3A_64 : i32
    %shift_right_arithmetic3A_67 = arith.constant 2 : i32
    %shift_right_arithmetic3A_68 = vector.broadcast %shift_right_arithmetic3A_67 : i32 to vector<16xi32>
    %shift_right_arithmetic3A_69 = arith.shrsi %iota3A, %shift_right_arithmetic3A_68 : vector<16xi32>
    %add3A_70 = arith.constant 4 : i32
    %add3A_71 = vector.broadcast %add3A_70 : i32 to vector<16xi32>
    %add3A_72 = arith.addi %add3A_71, %shift_right_arithmetic3A_69 : vector<16xi32>
    %mul3A_73 = arith.constant 16 : i32
    %mul3A_74 = vector.broadcast %mul3A_73 : i32 to vector<16xi32>
    %mul3A_75 = arith.muli %add3A_72, %mul3A_74 : vector<16xi32>
    %and3A_76 = arith.constant 3 : i32
    %and3A_77 = vector.broadcast %and3A_76 : i32 to vector<16xi32>
    %and3A_78 = arith.andi %iota3A, %and3A_77 : vector<16xi32>
    %add3A_79 = arith.addi %mul3A_75, %and3A_78 : vector<16xi32>
    %gather3A_80 = tpu.vector_load_idx %arg12[%add3A_79] : memref<256xi32, #tpu.memory_space<vmem>>[vector<16xi32>], vector<16xi32>,
    %add3A_81 = arith.constant 15 : i32
    %add3A_82 = vector.broadcast %add3A_81 : i32 to vector<16xi32>
    %add3A_83 = arith.addi %gather3A_80, %add3A_82 : vector<16xi32>
    %and3A_84 = arith.constant -16 : i32
    %and3A_85 = vector.broadcast %and3A_84 : i32 to vector<16xi32>
    %and3A_86 = arith.andi %add3A_83, %and3A_85 : vector<16xi32>
    %broadcast_in_dim3A_87 = arith.constant true
    %broadcast_in_dim3A_88 = vector.broadcast %broadcast_in_dim3A_87 : i1 to vector<16xi1>
    %masked_cumsum3A_89 = tpu.scan <sum>, %and3A_86 masked %broadcast_in_dim3A_88 : vector<16xi32>, vector<16xi1> -> vector<16xi32>
    %sub3A_90 = arith.subi %masked_cumsum3A_89, %and3A_86 : vector<16xi32>
    %add3A_91 = vector.broadcast %add3A_66 : i32 to vector<16xi32>
    %add3A_92 = arith.addi %sub3A_90, %add3A_91 : vector<16xi32>
    %add3A_93 = arith.constant 127 : i32
    %add3A_94 = vector.broadcast %add3A_93 : i32 to vector<16xi32>
    %add3A_95 = arith.addi %gather3A_80, %add3A_94 : vector<16xi32>
    %shift_right_arithmetic3A_96 = arith.constant 7 : i32
    %shift_right_arithmetic3A_97 = vector.broadcast %shift_right_arithmetic3A_96 : i32 to vector<16xi32>
    %shift_right_arithmetic3A_98 = arith.shrsi %add3A_95, %shift_right_arithmetic3A_97 : vector<16xi32>
    %swap3A_99 = arith.constant 16 : index
    %swap3A_100 = tpu.vector_load %arg13[%swap3A_99] {strides = array<i32>} : memref<64xi32, #tpu.memory_space<vmem>>, vector<16xi32>,
    tpu.vector_store %arg13[%swap3A_99], %add3A_92 {strides = array<i32>} : memref<64xi32, #tpu.memory_space<vmem>>, vector<16xi32>,
    %swap3A_101 = arith.constant 16 : index
    %swap3A_102 = tpu.vector_load %arg14[%swap3A_101] {strides = array<i32>} : memref<64xi32, #tpu.memory_space<vmem>>, vector<16xi32>,
    tpu.vector_store %arg14[%swap3A_101], %shift_right_arithmetic3A_98 {strides = array<i32>} : memref<64xi32, #tpu.memory_space<vmem>>, vector<16xi32>,
    %swap3A_103 = arith.constant 16 : index
    %swap3A_104 = tpu.vector_load %arg15[%swap3A_103] {strides = array<i32>} : memref<64xi32, #tpu.memory_space<vmem>>, vector<16xi32>,
    tpu.vector_store %arg15[%swap3A_103], %and3A_86 {strides = array<i32>} : memref<64xi32, #tpu.memory_space<vmem>>, vector<16xi32>,
    %reduce_sum3A_105 = arith.constant true
    %reduce_sum3A_106 = vector.broadcast %reduce_sum3A_105 : i1 to vector<16xi1>
    %reduce_sum3A_107 = tpu.scan <sum>, %and3A_86 masked %reduce_sum3A_106 : vector<16xi32>, vector<16xi1> -> vector<16xi32>
    %reduce_sum3A_108 = vector.extract %reduce_sum3A_107[15] : i32 from vector<16xi32>
    %add3A_109 = arith.addi %add3A_66, %reduce_sum3A_108 : i32
    %shift_right_arithmetic3A_110 = arith.constant 2 : i32
    %shift_right_arithmetic3A_111 = vector.broadcast %shift_right_arithmetic3A_110 : i32 to vector<16xi32>
    %shift_right_arithmetic3A_112 = arith.shrsi %iota3A, %shift_right_arithmetic3A_111 : vector<16xi32>
    %add3A_113 = arith.constant 8 : i32
    %add3A_114 = vector.broadcast %add3A_113 : i32 to vector<16xi32>
    %add3A_115 = arith.addi %add3A_114, %shift_right_arithmetic3A_112 : vector<16xi32>
    %mul3A_116 = arith.constant 16 : i32
    %mul3A_117 = vector.broadcast %mul3A_116 : i32 to vector<16xi32>
    %mul3A_118 = arith.muli %add3A_115, %mul3A_117 : vector<16xi32>
    %and3A_119 = arith.constant 3 : i32
    %and3A_120 = vector.broadcast %and3A_119 : i32 to vector<16xi32>
    %and3A_121 = arith.andi %iota3A, %and3A_120 : vector<16xi32>
    %add3A_122 = arith.addi %mul3A_118, %and3A_121 : vector<16xi32>
    %gather3A_123 = tpu.vector_load_idx %arg12[%add3A_122] : memref<256xi32, #tpu.memory_space<vmem>>[vector<16xi32>], vector<16xi32>,
    %add3A_124 = arith.constant 15 : i32
    %add3A_125 = vector.broadcast %add3A_124 : i32 to vector<16xi32>
    %add3A_126 = arith.addi %gather3A_123, %add3A_125 : vector<16xi32>
    %and3A_127 = arith.constant -16 : i32
    %and3A_128 = vector.broadcast %and3A_127 : i32 to vector<16xi32>
    %and3A_129 = arith.andi %add3A_126, %and3A_128 : vector<16xi32>
    %broadcast_in_dim3A_130 = arith.constant true
    %broadcast_in_dim3A_131 = vector.broadcast %broadcast_in_dim3A_130 : i1 to vector<16xi1>
    %masked_cumsum3A_132 = tpu.scan <sum>, %and3A_129 masked %broadcast_in_dim3A_131 : vector<16xi32>, vector<16xi1> -> vector<16xi32>
    %sub3A_133 = arith.subi %masked_cumsum3A_132, %and3A_129 : vector<16xi32>
    %add3A_134 = vector.broadcast %add3A_109 : i32 to vector<16xi32>
    %add3A_135 = arith.addi %sub3A_133, %add3A_134 : vector<16xi32>
    %add3A_136 = arith.constant 127 : i32
    %add3A_137 = vector.broadcast %add3A_136 : i32 to vector<16xi32>
    %add3A_138 = arith.addi %gather3A_123, %add3A_137 : vector<16xi32>
    %shift_right_arithmetic3A_139 = arith.constant 7 : i32
    %shift_right_arithmetic3A_140 = vector.broadcast %shift_right_arithmetic3A_139 : i32 to vector<16xi32>
    %shift_right_arithmetic3A_141 = arith.shrsi %add3A_138, %shift_right_arithmetic3A_140 : vector<16xi32>
    %swap3A_142 = arith.constant 32 : index
    %swap3A_143 = tpu.vector_load %arg13[%swap3A_142] {strides = array<i32>} : memref<64xi32, #tpu.memory_space<vmem>>, vector<16xi32>,
    tpu.vector_store %arg13[%swap3A_142], %add3A_135 {strides = array<i32>} : memref<64xi32, #tpu.memory_space<vmem>>, vector<16xi32>,
    %swap3A_144 = arith.constant 32 : index
    %swap3A_145 = tpu.vector_load %arg14[%swap3A_144] {strides = array<i32>} : memref<64xi32, #tpu.memory_space<vmem>>, vector<16xi32>,
    tpu.vector_store %arg14[%swap3A_144], %shift_right_arithmetic3A_141 {strides = array<i32>} : memref<64xi32, #tpu.memory_space<vmem>>, vector<16xi32>,
    %swap3A_146 = arith.constant 32 : index
    %swap3A_147 = tpu.vector_load %arg15[%swap3A_146] {strides = array<i32>} : memref<64xi32, #tpu.memory_space<vmem>>, vector<16xi32>,
    tpu.vector_store %arg15[%swap3A_146], %and3A_129 {strides = array<i32>} : memref<64xi32, #tpu.memory_space<vmem>>, vector<16xi32>,
    %reduce_sum3A_148 = arith.constant true
    %reduce_sum3A_149 = vector.broadcast %reduce_sum3A_148 : i1 to vector<16xi1>
    %reduce_sum3A_150 = tpu.scan <sum>, %and3A_129 masked %reduce_sum3A_149 : vector<16xi32>, vector<16xi1> -> vector<16xi32>
    %reduce_sum3A_151 = vector.extract %reduce_sum3A_150[15] : i32 from vector<16xi32>
    %add3A_152 = arith.addi %add3A_109, %reduce_sum3A_151 : i32
    %shift_right_arithmetic3A_153 = arith.constant 2 : i32
    %shift_right_arithmetic3A_154 = vector.broadcast %shift_right_arithmetic3A_153 : i32 to vector<16xi32>
    %shift_right_arithmetic3A_155 = arith.shrsi %iota3A, %shift_right_arithmetic3A_154 : vector<16xi32>
    %add3A_156 = arith.constant 12 : i32
    %add3A_157 = vector.broadcast %add3A_156 : i32 to vector<16xi32>
    %add3A_158 = arith.addi %add3A_157, %shift_right_arithmetic3A_155 : vector<16xi32>
    %mul3A_159 = arith.constant 16 : i32
    %mul3A_160 = vector.broadcast %mul3A_159 : i32 to vector<16xi32>
    %mul3A_161 = arith.muli %add3A_158, %mul3A_160 : vector<16xi32>
    %and3A_162 = arith.constant 3 : i32
    %and3A_163 = vector.broadcast %and3A_162 : i32 to vector<16xi32>
    %and3A_164 = arith.andi %iota3A, %and3A_163 : vector<16xi32>
    %add3A_165 = arith.addi %mul3A_161, %and3A_164 : vector<16xi32>
    %gather3A_166 = tpu.vector_load_idx %arg12[%add3A_165] : memref<256xi32, #tpu.memory_space<vmem>>[vector<16xi32>], vector<16xi32>,
    %add3A_167 = arith.constant 15 : i32
    %add3A_168 = vector.broadcast %add3A_167 : i32 to vector<16xi32>
    %add3A_169 = arith.addi %gather3A_166, %add3A_168 : vector<16xi32>
    %and3A_170 = arith.constant -16 : i32
    %and3A_171 = vector.broadcast %and3A_170 : i32 to vector<16xi32>
    %and3A_172 = arith.andi %add3A_169, %and3A_171 : vector<16xi32>
    %broadcast_in_dim3A_173 = arith.constant true
    %broadcast_in_dim3A_174 = vector.broadcast %broadcast_in_dim3A_173 : i1 to vector<16xi1>
    %masked_cumsum3A_175 = tpu.scan <sum>, %and3A_172 masked %broadcast_in_dim3A_174 : vector<16xi32>, vector<16xi1> -> vector<16xi32>
    %sub3A_176 = arith.subi %masked_cumsum3A_175, %and3A_172 : vector<16xi32>
    %add3A_177 = vector.broadcast %add3A_152 : i32 to vector<16xi32>
    %add3A_178 = arith.addi %sub3A_176, %add3A_177 : vector<16xi32>
    %add3A_179 = arith.constant 127 : i32
    %add3A_180 = vector.broadcast %add3A_179 : i32 to vector<16xi32>
    %add3A_181 = arith.addi %gather3A_166, %add3A_180 : vector<16xi32>
    %shift_right_arithmetic3A_182 = arith.constant 7 : i32
    %shift_right_arithmetic3A_183 = vector.broadcast %shift_right_arithmetic3A_182 : i32 to vector<16xi32>
    %shift_right_arithmetic3A_184 = arith.shrsi %add3A_181, %shift_right_arithmetic3A_183 : vector<16xi32>
    %swap3A_185 = arith.constant 48 : index
    %swap3A_186 = tpu.vector_load %arg13[%swap3A_185] {strides = array<i32>} : memref<64xi32, #tpu.memory_space<vmem>>, vector<16xi32>,
    tpu.vector_store %arg13[%swap3A_185], %add3A_178 {strides = array<i32>} : memref<64xi32, #tpu.memory_space<vmem>>, vector<16xi32>,
    %swap3A_187 = arith.constant 48 : index
    %swap3A_188 = tpu.vector_load %arg14[%swap3A_187] {strides = array<i32>} : memref<64xi32, #tpu.memory_space<vmem>>, vector<16xi32>,
    tpu.vector_store %arg14[%swap3A_187], %shift_right_arithmetic3A_184 {strides = array<i32>} : memref<64xi32, #tpu.memory_space<vmem>>, vector<16xi32>,
    %swap3A_189 = arith.constant 48 : index
    %swap3A_190 = tpu.vector_load %arg15[%swap3A_189] {strides = array<i32>} : memref<64xi32, #tpu.memory_space<vmem>>, vector<16xi32>,
    tpu.vector_store %arg15[%swap3A_189], %and3A_172 {strides = array<i32>} : memref<64xi32, #tpu.memory_space<vmem>>, vector<16xi32>,
    %reduce_sum3A_191 = arith.constant true
    %reduce_sum3A_192 = vector.broadcast %reduce_sum3A_191 : i1 to vector<16xi1>
    %reduce_sum3A_193 = tpu.scan <sum>, %and3A_172 masked %reduce_sum3A_192 : vector<16xi32>, vector<16xi1> -> vector<16xi32>
    %reduce_sum3A_194 = vector.extract %reduce_sum3A_193[15] : i32 from vector<16xi32>
    %add3A_195 = arith.addi %add3A_152, %reduce_sum3A_194 : i32
    %eq3A_196 = arith.constant 0 : i32
    %eq3A_197 = arith.cmpi eq, %arg1, %eq3A_196 : i32
    %eq3A_198 = arith.constant 0 : i32
    %eq3A_199 = arith.cmpi eq, %arg0, %eq3A_198 : i32
    %and3A_200 = arith.andi %eq3A_197, %eq3A_199 : i1
    %convert_element_type3A = arith.extui %and3A_200 : i1 to i32
    %cond3A = arith.constant 0 : i32
    %cond3A_201 = arith.cmpi ne, %convert_element_type3A, %cond3A : i32
    scf.if %cond3A_201 {
      "tpu.region"() ({
        %run_scoped3A = tpu.sem_alloc : memref<!tpu.dma_semaphore, #tpu.memory_space<semaphore_mem>>
        tpu.enqueue_dma source(%arg13 : memref<64xi32, #tpu.memory_space<vmem>>) target(%arg5 : memref<64xi32, #tpu.memory_space<hbm>>) target_semaphore(%run_scoped3A : memref<!tpu.dma_semaphore, #tpu.memory_space<semaphore_mem>>)
        tpu.wait_dma2 semaphore(%run_scoped3A : memref<!tpu.dma_semaphore, #tpu.memory_space<semaphore_mem>>) src(%arg13 : memref<64xi32, #tpu.memory_space<vmem>>) dst(%arg5 : memref<64xi32, #tpu.memory_space<hbm>>)
        tpu.yield
      }) : () -> ()
      "tpu.region"() ({
        %run_scoped3A = tpu.sem_alloc : memref<!tpu.dma_semaphore, #tpu.memory_space<semaphore_mem>>
        tpu.enqueue_dma source(%arg14 : memref<64xi32, #tpu.memory_space<vmem>>) target(%arg6 : memref<64xi32, #tpu.memory_space<hbm>>) target_semaphore(%run_scoped3A : memref<!tpu.dma_semaphore, #tpu.memory_space<semaphore_mem>>)
        tpu.wait_dma2 semaphore(%run_scoped3A : memref<!tpu.dma_semaphore, #tpu.memory_space<semaphore_mem>>) src(%arg14 : memref<64xi32, #tpu.memory_space<vmem>>) dst(%arg6 : memref<64xi32, #tpu.memory_space<hbm>>)
        tpu.yield
      }) : () -> ()
      %add3A_308 = vector.broadcast %add3A_195 : i32 to vector<16xi32>
      %add3A_309 = arith.addi %broadcast_in_dim3A_0, %add3A_308 : vector<16xi32>
      %swap3A_310 = arith.constant 0 : index
      %swap3A_311 = tpu.vector_load %arg16[%swap3A_310] {strides = array<i32>} : memref<16xi32, #tpu.memory_space<vmem>>, vector<16xi32>,
      tpu.vector_store %arg16[%swap3A_310], %add3A_309 {strides = array<i32>} : memref<16xi32, #tpu.memory_space<vmem>>, vector<16xi32>,
      "tpu.region"() ({
        %run_scoped3A = tpu.sem_alloc : memref<!tpu.dma_semaphore, #tpu.memory_space<semaphore_mem>>
        tpu.enqueue_dma source(%arg16 : memref<16xi32, #tpu.memory_space<vmem>>) target(%arg7 : memref<16xi32, #tpu.memory_space<hbm>>) target_semaphore(%run_scoped3A : memref<!tpu.dma_semaphore, #tpu.memory_space<semaphore_mem>>)
        tpu.wait_dma2 semaphore(%run_scoped3A : memref<!tpu.dma_semaphore, #tpu.memory_space<semaphore_mem>>) src(%arg16 : memref<16xi32, #tpu.memory_space<vmem>>) dst(%arg7 : memref<16xi32, #tpu.memory_space<hbm>>)
        tpu.yield
      }) : () -> ()
    } else {
    }
    %add3A_202 = arith.constant 0 : i32
    %add3A_203 = arith.addi %add3A, %add3A_202 : i32
    %add3A_204 = vector.broadcast %add3A_203 : i32 to vector<16xi32>
    %add3A_205 = arith.addi %broadcast_in_dim3A_0, %add3A_204 : vector<16xi32>
    %gather3A_206 = tpu.vector_load_idx %arg13[%add3A_205] : memref<64xi32, #tpu.memory_space<vmem>>[vector<16xi32>], vector<16xi32>,
    %add3A_207 = arith.constant 1 : i32
    %add3A_208 = arith.addi %add3A, %add3A_207 : i32
    %add3A_209 = vector.broadcast %add3A_208 : i32 to vector<16xi32>
    %add3A_210 = arith.addi %broadcast_in_dim3A_0, %add3A_209 : vector<16xi32>
    %gather3A_211 = tpu.vector_load_idx %arg13[%add3A_210] : memref<64xi32, #tpu.memory_space<vmem>>[vector<16xi32>], vector<16xi32>,
    %add3A_212 = arith.constant 0 : i32
    %add3A_213 = arith.addi %add3A, %add3A_212 : i32
    %add3A_214 = vector.broadcast %add3A_213 : i32 to vector<16xi32>
    %add3A_215 = arith.addi %broadcast_in_dim3A_0, %add3A_214 : vector<16xi32>
    %gather3A_216 = tpu.vector_load_idx %arg15[%add3A_215] : memref<64xi32, #tpu.memory_space<vmem>>[vector<16xi32>], vector<16xi32>,
    %add3A_217 = arith.constant 1 : i32
    %add3A_218 = arith.addi %add3A, %add3A_217 : i32
    %add3A_219 = vector.broadcast %add3A_218 : i32 to vector<16xi32>
    %add3A_220 = arith.addi %broadcast_in_dim3A_0, %add3A_219 : vector<16xi32>
    %gather3A_221 = tpu.vector_load_idx %arg15[%add3A_220] : memref<64xi32, #tpu.memory_space<vmem>>[vector<16xi32>], vector<16xi32>,
    %eq3A_222 = arith.constant 0 : i32
    %eq3A_223 = vector.broadcast %eq3A_222 : i32 to vector<16xi32>
    %eq3A_224 = arith.cmpi eq, %iota3A, %eq3A_223 : vector<16xi32>
    %jit3A = arith.constant 0 : i32
    %broadcast_in_dim3A_225 = vector.broadcast %jit3A : i32 to vector<16xi32>
    %select_n3A_226 = arith.select %eq3A_224, %gather3A_206, %broadcast_in_dim3A_225 : vector<16xi1>, vector<16xi32>
    %reduce_sum3A_227 = arith.constant true
    %reduce_sum3A_228 = vector.broadcast %reduce_sum3A_227 : i1 to vector<16xi1>
    %reduce_sum3A_229 = tpu.scan <sum>, %select_n3A_226 masked %reduce_sum3A_228 : vector<16xi32>, vector<16xi1> -> vector<16xi32>
    %reduce_sum3A_230 = vector.extract %reduce_sum3A_229[15] : i32 from vector<16xi32>
    %multiple_of3A = tpu.assume_multiple %reduce_sum3A_230, 16 : i32
    %scan3A_231 = arith.constant 0 : i32
    %scan3A_232 = arith.constant 128 : i32
    %scan3A_233 = arith.addi %scan3A_231, %scan3A_232 : i32
    %scan3A_234 = arith.constant 1 : i32
    %scan3A_235:2 = scf.for %scan3A_308 = %scan3A_231 to %scan3A_233 step %scan3A_234 iter_args(%scan3A_309 = %gather3A_206, %scan3A_310 = %gather3A_211) -> (vector<16xi32>, vector<16xi32>)  : i32 {
      %mul3A_311 = arith.constant 16 : i32
      %mul3A_312 = arith.muli %scan3A_308, %mul3A_311 : i32
      %get3A = arith.index_cast %mul3A_312 : i32 to index
      %get3A_313 = tpu.vector_load %arg9[%get3A] {strides = array<i32>} : memref<2048xi32, #tpu.memory_space<vmem>>, vector<16xi32>,
      %mul3A_314 = arith.constant 16 : i32
      %mul3A_315 = arith.muli %scan3A_308, %mul3A_314 : i32
      %add3A_316 = vector.broadcast %mul3A_315 : i32 to vector<16xi32>
      %add3A_317 = arith.addi %add3A_316, %iota3A : vector<16xi32>
      %add3A_318 = arith.constant 0 : i32
      %add3A_319 = arith.addi %add3A, %add3A_318 : i32
      %eq3A_320 = vector.broadcast %add3A_319 : i32 to vector<16xi32>
      %eq3A_321 = arith.cmpi eq, %get3A_313, %eq3A_320 : vector<16xi32>
      %jit3A_322 = arith.constant 1 : i32
      %jit3A_323 = arith.constant 0 : i32
      %broadcast_in_dim3A_324 = vector.broadcast %jit3A_322 : i32 to vector<16xi32>
      %broadcast_in_dim3A_325 = vector.broadcast %jit3A_323 : i32 to vector<16xi32>
      %select_n3A_326 = arith.select %eq3A_321, %broadcast_in_dim3A_324, %broadcast_in_dim3A_325 : vector<16xi1>, vector<16xi32>
      %broadcast_in_dim3A_327 = arith.constant true
      %broadcast_in_dim3A_328 = vector.broadcast %broadcast_in_dim3A_327 : i1 to vector<16xi1>
      %masked_cumsum3A_329 = tpu.scan <sum>, %select_n3A_326 masked %broadcast_in_dim3A_328 : vector<16xi32>, vector<16xi1> -> vector<16xi32>
      %sub3A_330 = vector.broadcast %multiple_of3A : i32 to vector<16xi32>
      %sub3A_331 = arith.subi %scan3A_309, %sub3A_330 : vector<16xi32>
      %add3A_332 = arith.addi %sub3A_331, %masked_cumsum3A_329 : vector<16xi32>
      %sub3A_333 = arith.constant 1 : i32
      %sub3A_334 = vector.broadcast %sub3A_333 : i32 to vector<16xi32>
      %sub3A_335 = arith.subi %add3A_332, %sub3A_334 : vector<16xi32>
      tpu.vector_store_idx %arg10[%sub3A_335], %add3A_317 masked %eq3A_321 : memref<2304xi32, #tpu.memory_space<vmem>>[vector<16xi32>], vector<16xi32>, vector<16xi1>
      tpu.vector_store_idx %arg11[%sub3A_335], %add3A_317 masked %eq3A_321 : memref<2304xi32, #tpu.memory_space<vmem>>[vector<16xi32>], vector<16xi32>, vector<16xi1>
      %all_reduce_population_count3A = tpu.all_reduce %eq3A_321 {dim = 0 : i64, kind = #tpu.reduction_kind<sum>} : vector<16xi1> -> vector<16xi32>
      %add3A_336 = arith.addi %scan3A_309, %all_reduce_population_count3A : vector<16xi32>
      %add3A_337 = arith.constant 1 : i32
      %add3A_338 = arith.addi %add3A, %add3A_337 : i32
      %eq3A_339 = vector.broadcast %add3A_338 : i32 to vector<16xi32>
      %eq3A_340 = arith.cmpi eq, %get3A_313, %eq3A_339 : vector<16xi32>
      %jit3A_341 = arith.constant 1 : i32
      %jit3A_342 = arith.constant 0 : i32
      %broadcast_in_dim3A_343 = vector.broadcast %jit3A_341 : i32 to vector<16xi32>
      %broadcast_in_dim3A_344 = vector.broadcast %jit3A_342 : i32 to vector<16xi32>
      %select_n3A_345 = arith.select %eq3A_340, %broadcast_in_dim3A_343, %broadcast_in_dim3A_344 : vector<16xi1>, vector<16xi32>
      %broadcast_in_dim3A_346 = arith.constant true
      %broadcast_in_dim3A_347 = vector.broadcast %broadcast_in_dim3A_346 : i1 to vector<16xi1>
      %masked_cumsum3A_348 = tpu.scan <sum>, %select_n3A_345 masked %broadcast_in_dim3A_347 : vector<16xi32>, vector<16xi1> -> vector<16xi32>
      %sub3A_349 = vector.broadcast %multiple_of3A : i32 to vector<16xi32>
      %sub3A_350 = arith.subi %scan3A_310, %sub3A_349 : vector<16xi32>
      %add3A_351 = arith.addi %sub3A_350, %masked_cumsum3A_348 : vector<16xi32>
      %sub3A_352 = arith.constant 1 : i32
      %sub3A_353 = vector.broadcast %sub3A_352 : i32 to vector<16xi32>
      %sub3A_354 = arith.subi %add3A_351, %sub3A_353 : vector<16xi32>
      tpu.vector_store_idx %arg10[%sub3A_354], %add3A_317 masked %eq3A_340 : memref<2304xi32, #tpu.memory_space<vmem>>[vector<16xi32>], vector<16xi32>, vector<16xi1>
      tpu.vector_store_idx %arg11[%sub3A_354], %add3A_317 masked %eq3A_340 : memref<2304xi32, #tpu.memory_space<vmem>>[vector<16xi32>], vector<16xi32>, vector<16xi1>
      %all_reduce_population_count3A_355 = tpu.all_reduce %eq3A_340 {dim = 0 : i64, kind = #tpu.reduction_kind<sum>} : vector<16xi1> -> vector<16xi32>
      %add3A_356 = arith.addi %scan3A_310, %all_reduce_population_count3A_355 : vector<16xi32>
      scf.yield %add3A_336, %add3A_356 : vector<16xi32>, vector<16xi32>
    }
    %scan3A_236 = arith.constant 128 : i32
    %sub3A_237 = vector.broadcast %multiple_of3A : i32 to vector<16xi32>
    %sub3A_238 = arith.subi %scan3A_235#0, %sub3A_237 : vector<16xi32>
    %add3A_239 = arith.addi %sub3A_238, %iota3A : vector<16xi32>
    %add3A_240 = arith.addi %gather3A_206, %gather3A_216 : vector<16xi32>
    %sub3A_241 = arith.subi %add3A_240, %scan3A_235#0 : vector<16xi32>
    %lt3A = arith.cmpi slt, %iota3A, %sub3A_241 : vector<16xi32>
    tpu.vector_store_idx %arg10[%add3A_239], %broadcast_in_dim3A_0 masked %lt3A : memref<2304xi32, #tpu.memory_space<vmem>>[vector<16xi32>], vector<16xi32>, vector<16xi1>
    %add3A_242 = arith.constant 2048 : i32
    %add3A_243 = vector.broadcast %add3A_242 : i32 to vector<16xi32>
    %add3A_244 = arith.addi %broadcast_in_dim3A_0, %add3A_243 : vector<16xi32>
    %mul3A_245 = arith.constant 2 : i32
    %mul3A_246 = arith.muli %arg1, %mul3A_245 : i32
    %add3A_247 = vector.broadcast %mul3A_246 : i32 to vector<16xi32>
    %add3A_248 = arith.addi %add3A_244, %add3A_247 : vector<16xi32>
    %add3A_249 = vector.broadcast %arg0 : i32 to vector<16xi32>
    %add3A_250 = arith.addi %add3A_248, %add3A_249 : vector<16xi32>
    %lt3A_251 = arith.cmpi slt, %iota3A, %sub3A_241 : vector<16xi32>
    tpu.vector_store_idx %arg11[%add3A_239], %add3A_250 masked %lt3A_251 : memref<2304xi32, #tpu.memory_space<vmem>>[vector<16xi32>], vector<16xi32>, vector<16xi1>
    %sub3A_252 = vector.broadcast %multiple_of3A : i32 to vector<16xi32>
    %sub3A_253 = arith.subi %scan3A_235#1, %sub3A_252 : vector<16xi32>
    %add3A_254 = arith.addi %sub3A_253, %iota3A : vector<16xi32>
    %add3A_255 = arith.addi %gather3A_211, %gather3A_221 : vector<16xi32>
    %sub3A_256 = arith.subi %add3A_255, %scan3A_235#1 : vector<16xi32>
    %lt3A_257 = arith.cmpi slt, %iota3A, %sub3A_256 : vector<16xi32>
    tpu.vector_store_idx %arg10[%add3A_254], %broadcast_in_dim3A_0 masked %lt3A_257 : memref<2304xi32, #tpu.memory_space<vmem>>[vector<16xi32>], vector<16xi32>, vector<16xi1>
    %add3A_258 = arith.constant 2048 : i32
    %add3A_259 = vector.broadcast %add3A_258 : i32 to vector<16xi32>
    %add3A_260 = arith.addi %broadcast_in_dim3A_0, %add3A_259 : vector<16xi32>
    %mul3A_261 = arith.constant 2 : i32
    %mul3A_262 = arith.muli %arg1, %mul3A_261 : i32
    %add3A_263 = vector.broadcast %mul3A_262 : i32 to vector<16xi32>
    %add3A_264 = arith.addi %add3A_260, %add3A_263 : vector<16xi32>
    %add3A_265 = vector.broadcast %arg0 : i32 to vector<16xi32>
    %add3A_266 = arith.addi %add3A_264, %add3A_265 : vector<16xi32>
    %lt3A_267 = arith.cmpi slt, %iota3A, %sub3A_256 : vector<16xi32>
    tpu.vector_store_idx %arg11[%add3A_254], %add3A_266 masked %lt3A_267 : memref<2304xi32, #tpu.memory_space<vmem>>[vector<16xi32>], vector<16xi32>, vector<16xi1>
    %eq3A_268 = arith.constant 0 : i32
    %eq3A_269 = vector.broadcast %eq3A_268 : i32 to vector<16xi32>
    %eq3A_270 = arith.cmpi eq, %iota3A, %eq3A_269 : vector<16xi32>
    %add3A_271 = arith.addi %gather3A_216, %gather3A_221 : vector<16xi32>
    %jit3A_272 = arith.constant 0 : i32
    %broadcast_in_dim3A_273 = vector.broadcast %jit3A_272 : i32 to vector<16xi32>
    %select_n3A_274 = arith.select %eq3A_270, %add3A_271, %broadcast_in_dim3A_273 : vector<16xi1>, vector<16xi32>
    %reduce_sum3A_275 = arith.constant true
    %reduce_sum3A_276 = vector.broadcast %reduce_sum3A_275 : i1 to vector<16xi1>
    %reduce_sum3A_277 = tpu.scan <sum>, %select_n3A_274 masked %reduce_sum3A_276 : vector<16xi32>, vector<16xi1> -> vector<16xi32>
    %reduce_sum3A_278 = vector.extract %reduce_sum3A_277[15] : i32 from vector<16xi32>
    %shift_right_arithmetic3A_279 = arith.constant 7 : i32
    %shift_right_arithmetic3A_280 = arith.shrsi %reduce_sum3A_278, %shift_right_arithmetic3A_279 : i32
    %and3A_281 = arith.constant 127 : i32
    %and3A_282 = arith.andi %reduce_sum3A_278, %and3A_281 : i32
    %shift_right_arithmetic3A_283 = arith.constant 4 : i32
    %shift_right_arithmetic3A_284 = arith.shrsi %and3A_282, %shift_right_arithmetic3A_283 : i32
    %while3A = arith.constant 0 : i32
    %while3A_285 = arith.constant 0 : i32
    %while3A_286 = arith.subi %shift_right_arithmetic3A_280, %while3A : i32
    %while3A_287 = arith.addi %while3A, %while3A_286 : i32
    %while3A_288 = arith.constant 1 : i32
    %while3A_289 = arith.divsi %while3A_286, %while3A_288 : i32
    %while3A_290 = arith.muli %while3A_289, %while3A_288 : i32
    %while3A_291 = arith.addi %while3A, %while3A_290 : i32
    %while3A_292 = arith.constant 1 : i32
    %while3A_293 = scf.for %while3A_308 = %while3A to %while3A_291 step %while3A_292 iter_args(%while3A_309 = %while3A_285) -> (i32)  : i32 {
      %mul3A_310 = arith.constant 128 : i32
      %mul3A_311 = arith.muli %while3A_308, %mul3A_310 : i32
      %multiple_of3A_312 = tpu.assume_multiple %mul3A_311, 16 : i32
      %add3A_313 = arith.addi %multiple_of3A, %multiple_of3A_312 : i32
      %multiple_of3A_314 = tpu.assume_multiple %add3A_313, 16 : i32
      %add3A_315 = arith.constant 0 : i32
      %add3A_316 = arith.addi %multiple_of3A_312, %add3A_315 : i32
      %get3A = arith.index_cast %add3A_316 : i32 to index
      %get3A_317 = tpu.vector_load %arg10[%get3A] {strides = array<i32>} : memref<2304xi32, #tpu.memory_space<vmem>>, vector<16xi32>,
      %swap3A_318 = arith.constant 0 : index
      %swap3A_319 = tpu.vector_load %arg17[%swap3A_318] {strides = array<i32>} : memref<128xi32, #tpu.memory_space<vmem>>, vector<16xi32>,
      tpu.vector_store %arg17[%swap3A_318], %get3A_317 {strides = array<i32>} : memref<128xi32, #tpu.memory_space<vmem>>, vector<16xi32>,
      %add3A_320 = arith.constant 16 : i32
      %add3A_321 = arith.addi %multiple_of3A_312, %add3A_320 : i32
      %get3A_322 = arith.index_cast %add3A_321 : i32 to index
      %get3A_323 = tpu.vector_load %arg10[%get3A_322] {strides = array<i32>} : memref<2304xi32, #tpu.memory_space<vmem>>, vector<16xi32>,
      %swap3A_324 = arith.constant 16 : index
      %swap3A_325 = tpu.vector_load %arg17[%swap3A_324] {strides = array<i32>} : memref<128xi32, #tpu.memory_space<vmem>>, vector<16xi32>,
      tpu.vector_store %arg17[%swap3A_324], %get3A_323 {strides = array<i32>} : memref<128xi32, #tpu.memory_space<vmem>>, vector<16xi32>,
      %add3A_326 = arith.constant 32 : i32
      %add3A_327 = arith.addi %multiple_of3A_312, %add3A_326 : i32
      %get3A_328 = arith.index_cast %add3A_327 : i32 to index
      %get3A_329 = tpu.vector_load %arg10[%get3A_328] {strides = array<i32>} : memref<2304xi32, #tpu.memory_space<vmem>>, vector<16xi32>,
      %swap3A_330 = arith.constant 32 : index
      %swap3A_331 = tpu.vector_load %arg17[%swap3A_330] {strides = array<i32>} : memref<128xi32, #tpu.memory_space<vmem>>, vector<16xi32>,
      tpu.vector_store %arg17[%swap3A_330], %get3A_329 {strides = array<i32>} : memref<128xi32, #tpu.memory_space<vmem>>, vector<16xi32>,
      %add3A_332 = arith.constant 48 : i32
      %add3A_333 = arith.addi %multiple_of3A_312, %add3A_332 : i32
      %get3A_334 = arith.index_cast %add3A_333 : i32 to index
      %get3A_335 = tpu.vector_load %arg10[%get3A_334] {strides = array<i32>} : memref<2304xi32, #tpu.memory_space<vmem>>, vector<16xi32>,
      %swap3A_336 = arith.constant 48 : index
      %swap3A_337 = tpu.vector_load %arg17[%swap3A_336] {strides = array<i32>} : memref<128xi32, #tpu.memory_space<vmem>>, vector<16xi32>,
      tpu.vector_store %arg17[%swap3A_336], %get3A_335 {strides = array<i32>} : memref<128xi32, #tpu.memory_space<vmem>>, vector<16xi32>,
      %add3A_338 = arith.constant 64 : i32
      %add3A_339 = arith.addi %multiple_of3A_312, %add3A_338 : i32
      %get3A_340 = arith.index_cast %add3A_339 : i32 to index
      %get3A_341 = tpu.vector_load %arg10[%get3A_340] {strides = array<i32>} : memref<2304xi32, #tpu.memory_space<vmem>>, vector<16xi32>,
      %swap3A_342 = arith.constant 64 : index
      %swap3A_343 = tpu.vector_load %arg17[%swap3A_342] {strides = array<i32>} : memref<128xi32, #tpu.memory_space<vmem>>, vector<16xi32>,
      tpu.vector_store %arg17[%swap3A_342], %get3A_341 {strides = array<i32>} : memref<128xi32, #tpu.memory_space<vmem>>, vector<16xi32>,
      %add3A_344 = arith.constant 80 : i32
      %add3A_345 = arith.addi %multiple_of3A_312, %add3A_344 : i32
      %get3A_346 = arith.index_cast %add3A_345 : i32 to index
      %get3A_347 = tpu.vector_load %arg10[%get3A_346] {strides = array<i32>} : memref<2304xi32, #tpu.memory_space<vmem>>, vector<16xi32>,
      %swap3A_348 = arith.constant 80 : index
      %swap3A_349 = tpu.vector_load %arg17[%swap3A_348] {strides = array<i32>} : memref<128xi32, #tpu.memory_space<vmem>>, vector<16xi32>,
      tpu.vector_store %arg17[%swap3A_348], %get3A_347 {strides = array<i32>} : memref<128xi32, #tpu.memory_space<vmem>>, vector<16xi32>,
      %add3A_350 = arith.constant 96 : i32
      %add3A_351 = arith.addi %multiple_of3A_312, %add3A_350 : i32
      %get3A_352 = arith.index_cast %add3A_351 : i32 to index
      %get3A_353 = tpu.vector_load %arg10[%get3A_352] {strides = array<i32>} : memref<2304xi32, #tpu.memory_space<vmem>>, vector<16xi32>,
      %swap3A_354 = arith.constant 96 : index
      %swap3A_355 = tpu.vector_load %arg17[%swap3A_354] {strides = array<i32>} : memref<128xi32, #tpu.memory_space<vmem>>, vector<16xi32>,
      tpu.vector_store %arg17[%swap3A_354], %get3A_353 {strides = array<i32>} : memref<128xi32, #tpu.memory_space<vmem>>, vector<16xi32>,
      %add3A_356 = arith.constant 112 : i32
      %add3A_357 = arith.addi %multiple_of3A_312, %add3A_356 : i32
      %get3A_358 = arith.index_cast %add3A_357 : i32 to index
      %get3A_359 = tpu.vector_load %arg10[%get3A_358] {strides = array<i32>} : memref<2304xi32, #tpu.memory_space<vmem>>, vector<16xi32>,
      %swap3A_360 = arith.constant 112 : index
      %swap3A_361 = tpu.vector_load %arg17[%swap3A_360] {strides = array<i32>} : memref<128xi32, #tpu.memory_space<vmem>>, vector<16xi32>,
      tpu.vector_store %arg17[%swap3A_360], %get3A_359 {strides = array<i32>} : memref<128xi32, #tpu.memory_space<vmem>>, vector<16xi32>,
      %dma_start3A = arith.constant 0 : i32
      %dma_start3A_362 = arith.constant 0 : i32
      %dma_start3A_363 = tpu.memref_slice %arg3[%dma_start3A, %dma_start3A_362] : memref<2048x256xf32, #tpu.memory_space<hbm>> -> memref<2048x256xf32, #tpu.memory_space<hbm>>
      tpu.enqueue_indirect_dma source(%dma_start3A_363 : memref<2048x256xf32, #tpu.memory_space<hbm>>) target(%arg19 : memref<128x256xf32, #tpu.memory_space<vmem>>) offsets(%arg17 : memref<128xi32, #tpu.memory_space<vmem>>) semaphore(%arg22 : memref<!tpu.dma_semaphore, #tpu.memory_space<semaphore_mem>>)
      %dma_wait3A = arith.constant 0 : i32
      %dma_wait3A_364 = arith.constant 0 : i32
      %dma_wait3A_365 = tpu.memref_slice %arg3[%dma_wait3A, %dma_wait3A_364] : memref<2048x256xf32, #tpu.memory_space<hbm>> -> memref<2048x256xf32, #tpu.memory_space<hbm>>
      tpu.wait_indirect_dma semaphore(%arg22 : memref<!tpu.dma_semaphore, #tpu.memory_space<semaphore_mem>>) src(%dma_wait3A_365 : memref<2048x256xf32, #tpu.memory_space<hbm>>) dst(%arg19 : memref<128x256xf32, #tpu.memory_space<vmem>>)
      "tpu.region"() ({
        %run_scoped3A = tpu.sem_alloc : memref<!tpu.dma_semaphore, #tpu.memory_space<semaphore_mem>>
        %dma_start3A_375 = arith.constant 0 : i32
        %dma_start3A_376 = tpu.memref_slice %arg8[%multiple_of3A_314, %dma_start3A_375] : memref<3360x256xf32, #tpu.memory_space<hbm>> -> memref<128x256xf32, #tpu.memory_space<hbm>>
        %dma_start3A_377 = arith.constant 0 : i32
        %dma_start3A_378 = tpu.memref_slice %arg8[%multiple_of3A_314, %dma_start3A_377] : memref<3360x256xf32, #tpu.memory_space<hbm>> -> memref<128x256xf32, #tpu.memory_space<hbm>>
        tpu.enqueue_dma source(%arg19 : memref<128x256xf32, #tpu.memory_space<vmem>>) target(%dma_start3A_378 : memref<128x256xf32, #tpu.memory_space<hbm>>) target_semaphore(%run_scoped3A : memref<!tpu.dma_semaphore, #tpu.memory_space<semaphore_mem>>)
        %dma_wait3A_379 = arith.constant 0 : i32
        %dma_wait3A_380 = tpu.memref_slice %arg8[%multiple_of3A_314, %dma_wait3A_379] : memref<3360x256xf32, #tpu.memory_space<hbm>> -> memref<128x256xf32, #tpu.memory_space<hbm>>
        %dma_wait3A_381 = arith.constant 0 : i32
        %dma_wait3A_382 = tpu.memref_slice %arg8[%multiple_of3A_314, %dma_wait3A_381] : memref<3360x256xf32, #tpu.memory_space<hbm>> -> memref<128x256xf32, #tpu.memory_space<hbm>>
        tpu.wait_dma2 semaphore(%run_scoped3A : memref<!tpu.dma_semaphore, #tpu.memory_space<semaphore_mem>>) src(%arg19 : memref<128x256xf32, #tpu.memory_space<vmem>>) dst(%dma_wait3A_382 : memref<128x256xf32, #tpu.memory_space<hbm>>)
        tpu.yield
      }) : () -> ()
      %dma_start3A_366 = tpu.memref_slice %arg11[%multiple_of3A_312] : memref<2304xi32, #tpu.memory_space<vmem>> -> memref<128xi32, #tpu.memory_space<vmem>>
      %dma_start3A_367 = tpu.memref_slice %arg4[%multiple_of3A_314] : memref<3328xi32, #tpu.memory_space<hbm>> -> memref<128xi32, #tpu.memory_space<hbm>>
      %dma_start3A_368 = tpu.memref_slice %arg4[%multiple_of3A_314] : memref<3328xi32, #tpu.memory_space<hbm>> -> memref<128xi32, #tpu.memory_space<hbm>>
      %dma_start3A_369 = tpu.memref_slice %arg11[%multiple_of3A_312] : memref<2304xi32, #tpu.memory_space<vmem>> -> memref<128xi32, #tpu.memory_space<vmem>>
      tpu.enqueue_dma source(%dma_start3A_369 : memref<128xi32, #tpu.memory_space<vmem>>) target(%dma_start3A_368 : memref<128xi32, #tpu.memory_space<hbm>>) target_semaphore(%arg23 : memref<!tpu.dma_semaphore, #tpu.memory_space<semaphore_mem>>)
      %dma_wait3A_370 = tpu.memref_slice %arg11[%multiple_of3A_312] : memref<2304xi32, #tpu.memory_space<vmem>> -> memref<128xi32, #tpu.memory_space<vmem>>
      %dma_wait3A_371 = tpu.memref_slice %arg4[%multiple_of3A_314] : memref<3328xi32, #tpu.memory_space<hbm>> -> memref<128xi32, #tpu.memory_space<hbm>>
      %dma_wait3A_372 = tpu.memref_slice %arg4[%multiple_of3A_314] : memref<3328xi32, #tpu.memory_space<hbm>> -> memref<128xi32, #tpu.memory_space<hbm>>
      %dma_wait3A_373 = tpu.memref_slice %arg11[%multiple_of3A_312] : memref<2304xi32, #tpu.memory_space<vmem>> -> memref<128xi32, #tpu.memory_space<vmem>>
      tpu.wait_dma2 semaphore(%arg23 : memref<!tpu.dma_semaphore, #tpu.memory_space<semaphore_mem>>) src(%dma_wait3A_373 : memref<128xi32, #tpu.memory_space<vmem>>) dst(%dma_wait3A_372 : memref<128xi32, #tpu.memory_space<hbm>>)
      %while3A_374 = arith.constant 0 : i32
      scf.yield %while3A_374 : i32
    }
    %while3A_294 = arith.constant 1 : i32
    %while3A_295 = scf.for %while3A_308 = %while3A_291 to %while3A_287 step %while3A_294 iter_args(%while3A_309 = %while3A_293) -> (i32)  : i32 {
      %mul3A_310 = arith.constant 128 : i32
      %mul3A_311 = arith.muli %while3A_308, %mul3A_310 : i32
      %multiple_of3A_312 = tpu.assume_multiple %mul3A_311, 16 : i32
      %add3A_313 = arith.addi %multiple_of3A, %multiple_of3A_312 : i32
      %multiple_of3A_314 = tpu.assume_multiple %add3A_313, 16 : i32
      %add3A_315 = arith.constant 0 : i32
      %add3A_316 = arith.addi %multiple_of3A_312, %add3A_315 : i32
      %get3A = arith.index_cast %add3A_316 : i32 to index
      %get3A_317 = tpu.vector_load %arg10[%get3A] {strides = array<i32>} : memref<2304xi32, #tpu.memory_space<vmem>>, vector<16xi32>,
      %swap3A_318 = arith.constant 0 : index
      %swap3A_319 = tpu.vector_load %arg17[%swap3A_318] {strides = array<i32>} : memref<128xi32, #tpu.memory_space<vmem>>, vector<16xi32>,
      tpu.vector_store %arg17[%swap3A_318], %get3A_317 {strides = array<i32>} : memref<128xi32, #tpu.memory_space<vmem>>, vector<16xi32>,
      %add3A_320 = arith.constant 16 : i32
      %add3A_321 = arith.addi %multiple_of3A_312, %add3A_320 : i32
      %get3A_322 = arith.index_cast %add3A_321 : i32 to index
      %get3A_323 = tpu.vector_load %arg10[%get3A_322] {strides = array<i32>} : memref<2304xi32, #tpu.memory_space<vmem>>, vector<16xi32>,
      %swap3A_324 = arith.constant 16 : index
      %swap3A_325 = tpu.vector_load %arg17[%swap3A_324] {strides = array<i32>} : memref<128xi32, #tpu.memory_space<vmem>>, vector<16xi32>,
      tpu.vector_store %arg17[%swap3A_324], %get3A_323 {strides = array<i32>} : memref<128xi32, #tpu.memory_space<vmem>>, vector<16xi32>,
      %add3A_326 = arith.constant 32 : i32
      %add3A_327 = arith.addi %multiple_of3A_312, %add3A_326 : i32
      %get3A_328 = arith.index_cast %add3A_327 : i32 to index
      %get3A_329 = tpu.vector_load %arg10[%get3A_328] {strides = array<i32>} : memref<2304xi32, #tpu.memory_space<vmem>>, vector<16xi32>,
      %swap3A_330 = arith.constant 32 : index
      %swap3A_331 = tpu.vector_load %arg17[%swap3A_330] {strides = array<i32>} : memref<128xi32, #tpu.memory_space<vmem>>, vector<16xi32>,
      tpu.vector_store %arg17[%swap3A_330], %get3A_329 {strides = array<i32>} : memref<128xi32, #tpu.memory_space<vmem>>, vector<16xi32>,
      %add3A_332 = arith.constant 48 : i32
      %add3A_333 = arith.addi %multiple_of3A_312, %add3A_332 : i32
      %get3A_334 = arith.index_cast %add3A_333 : i32 to index
      %get3A_335 = tpu.vector_load %arg10[%get3A_334] {strides = array<i32>} : memref<2304xi32, #tpu.memory_space<vmem>>, vector<16xi32>,
      %swap3A_336 = arith.constant 48 : index
      %swap3A_337 = tpu.vector_load %arg17[%swap3A_336] {strides = array<i32>} : memref<128xi32, #tpu.memory_space<vmem>>, vector<16xi32>,
      tpu.vector_store %arg17[%swap3A_336], %get3A_335 {strides = array<i32>} : memref<128xi32, #tpu.memory_space<vmem>>, vector<16xi32>,
      %add3A_338 = arith.constant 64 : i32
      %add3A_339 = arith.addi %multiple_of3A_312, %add3A_338 : i32
      %get3A_340 = arith.index_cast %add3A_339 : i32 to index
      %get3A_341 = tpu.vector_load %arg10[%get3A_340] {strides = array<i32>} : memref<2304xi32, #tpu.memory_space<vmem>>, vector<16xi32>,
      %swap3A_342 = arith.constant 64 : index
      %swap3A_343 = tpu.vector_load %arg17[%swap3A_342] {strides = array<i32>} : memref<128xi32, #tpu.memory_space<vmem>>, vector<16xi32>,
      tpu.vector_store %arg17[%swap3A_342], %get3A_341 {strides = array<i32>} : memref<128xi32, #tpu.memory_space<vmem>>, vector<16xi32>,
      %add3A_344 = arith.constant 80 : i32
      %add3A_345 = arith.addi %multiple_of3A_312, %add3A_344 : i32
      %get3A_346 = arith.index_cast %add3A_345 : i32 to index
      %get3A_347 = tpu.vector_load %arg10[%get3A_346] {strides = array<i32>} : memref<2304xi32, #tpu.memory_space<vmem>>, vector<16xi32>,
      %swap3A_348 = arith.constant 80 : index
      %swap3A_349 = tpu.vector_load %arg17[%swap3A_348] {strides = array<i32>} : memref<128xi32, #tpu.memory_space<vmem>>, vector<16xi32>,
      tpu.vector_store %arg17[%swap3A_348], %get3A_347 {strides = array<i32>} : memref<128xi32, #tpu.memory_space<vmem>>, vector<16xi32>,
      %add3A_350 = arith.constant 96 : i32
      %add3A_351 = arith.addi %multiple_of3A_312, %add3A_350 : i32
      %get3A_352 = arith.index_cast %add3A_351 : i32 to index
      %get3A_353 = tpu.vector_load %arg10[%get3A_352] {strides = array<i32>} : memref<2304xi32, #tpu.memory_space<vmem>>, vector<16xi32>,
      %swap3A_354 = arith.constant 96 : index
      %swap3A_355 = tpu.vector_load %arg17[%swap3A_354] {strides = array<i32>} : memref<128xi32, #tpu.memory_space<vmem>>, vector<16xi32>,
      tpu.vector_store %arg17[%swap3A_354], %get3A_353 {strides = array<i32>} : memref<128xi32, #tpu.memory_space<vmem>>, vector<16xi32>,
      %add3A_356 = arith.constant 112 : i32
      %add3A_357 = arith.addi %multiple_of3A_312, %add3A_356 : i32
      %get3A_358 = arith.index_cast %add3A_357 : i32 to index
      %get3A_359 = tpu.vector_load %arg10[%get3A_358] {strides = array<i32>} : memref<2304xi32, #tpu.memory_space<vmem>>, vector<16xi32>,
      %swap3A_360 = arith.constant 112 : index
      %swap3A_361 = tpu.vector_load %arg17[%swap3A_360] {strides = array<i32>} : memref<128xi32, #tpu.memory_space<vmem>>, vector<16xi32>,
      tpu.vector_store %arg17[%swap3A_360], %get3A_359 {strides = array<i32>} : memref<128xi32, #tpu.memory_space<vmem>>, vector<16xi32>,
      %dma_start3A = arith.constant 0 : i32
      %dma_start3A_362 = arith.constant 0 : i32
      %dma_start3A_363 = tpu.memref_slice %arg3[%dma_start3A, %dma_start3A_362] : memref<2048x256xf32, #tpu.memory_space<hbm>> -> memref<2048x256xf32, #tpu.memory_space<hbm>>
      tpu.enqueue_indirect_dma source(%dma_start3A_363 : memref<2048x256xf32, #tpu.memory_space<hbm>>) target(%arg19 : memref<128x256xf32, #tpu.memory_space<vmem>>) offsets(%arg17 : memref<128xi32, #tpu.memory_space<vmem>>) semaphore(%arg22 : memref<!tpu.dma_semaphore, #tpu.memory_space<semaphore_mem>>)
      %dma_wait3A = arith.constant 0 : i32
      %dma_wait3A_364 = arith.constant 0 : i32
      %dma_wait3A_365 = tpu.memref_slice %arg3[%dma_wait3A, %dma_wait3A_364] : memref<2048x256xf32, #tpu.memory_space<hbm>> -> memref<2048x256xf32, #tpu.memory_space<hbm>>
      tpu.wait_indirect_dma semaphore(%arg22 : memref<!tpu.dma_semaphore, #tpu.memory_space<semaphore_mem>>) src(%dma_wait3A_365 : memref<2048x256xf32, #tpu.memory_space<hbm>>) dst(%arg19 : memref<128x256xf32, #tpu.memory_space<vmem>>)
      "tpu.region"() ({
        %run_scoped3A = tpu.sem_alloc : memref<!tpu.dma_semaphore, #tpu.memory_space<semaphore_mem>>
        %dma_start3A_375 = arith.constant 0 : i32
        %dma_start3A_376 = tpu.memref_slice %arg8[%multiple_of3A_314, %dma_start3A_375] : memref<3360x256xf32, #tpu.memory_space<hbm>> -> memref<128x256xf32, #tpu.memory_space<hbm>>
        %dma_start3A_377 = arith.constant 0 : i32
        %dma_start3A_378 = tpu.memref_slice %arg8[%multiple_of3A_314, %dma_start3A_377] : memref<3360x256xf32, #tpu.memory_space<hbm>> -> memref<128x256xf32, #tpu.memory_space<hbm>>
        tpu.enqueue_dma source(%arg19 : memref<128x256xf32, #tpu.memory_space<vmem>>) target(%dma_start3A_378 : memref<128x256xf32, #tpu.memory_space<hbm>>) target_semaphore(%run_scoped3A : memref<!tpu.dma_semaphore, #tpu.memory_space<semaphore_mem>>)
        %dma_wait3A_379 = arith.constant 0 : i32
        %dma_wait3A_380 = tpu.memref_slice %arg8[%multiple_of3A_314, %dma_wait3A_379] : memref<3360x256xf32, #tpu.memory_space<hbm>> -> memref<128x256xf32, #tpu.memory_space<hbm>>
        %dma_wait3A_381 = arith.constant 0 : i32
        %dma_wait3A_382 = tpu.memref_slice %arg8[%multiple_of3A_314, %dma_wait3A_381] : memref<3360x256xf32, #tpu.memory_space<hbm>> -> memref<128x256xf32, #tpu.memory_space<hbm>>
        tpu.wait_dma2 semaphore(%run_scoped3A : memref<!tpu.dma_semaphore, #tpu.memory_space<semaphore_mem>>) src(%arg19 : memref<128x256xf32, #tpu.memory_space<vmem>>) dst(%dma_wait3A_382 : memref<128x256xf32, #tpu.memory_space<hbm>>)
        tpu.yield
      }) : () -> ()
      %dma_start3A_366 = tpu.memref_slice %arg11[%multiple_of3A_312] : memref<2304xi32, #tpu.memory_space<vmem>> -> memref<128xi32, #tpu.memory_space<vmem>>
      %dma_start3A_367 = tpu.memref_slice %arg4[%multiple_of3A_314] : memref<3328xi32, #tpu.memory_space<hbm>> -> memref<128xi32, #tpu.memory_space<hbm>>
      %dma_start3A_368 = tpu.memref_slice %arg4[%multiple_of3A_314] : memref<3328xi32, #tpu.memory_space<hbm>> -> memref<128xi32, #tpu.memory_space<hbm>>
      %dma_start3A_369 = tpu.memref_slice %arg11[%multiple_of3A_312] : memref<2304xi32, #tpu.memory_space<vmem>> -> memref<128xi32, #tpu.memory_space<vmem>>
      tpu.enqueue_dma source(%dma_start3A_369 : memref<128xi32, #tpu.memory_space<vmem>>) target(%dma_start3A_368 : memref<128xi32, #tpu.memory_space<hbm>>) target_semaphore(%arg23 : memref<!tpu.dma_semaphore, #tpu.memory_space<semaphore_mem>>)
      %dma_wait3A_370 = tpu.memref_slice %arg11[%multiple_of3A_312] : memref<2304xi32, #tpu.memory_space<vmem>> -> memref<128xi32, #tpu.memory_space<vmem>>
      %dma_wait3A_371 = tpu.memref_slice %arg4[%multiple_of3A_314] : memref<3328xi32, #tpu.memory_space<hbm>> -> memref<128xi32, #tpu.memory_space<hbm>>
      %dma_wait3A_372 = tpu.memref_slice %arg4[%multiple_of3A_314] : memref<3328xi32, #tpu.memory_space<hbm>> -> memref<128xi32, #tpu.memory_space<hbm>>
      %dma_wait3A_373 = tpu.memref_slice %arg11[%multiple_of3A_312] : memref<2304xi32, #tpu.memory_space<vmem>> -> memref<128xi32, #tpu.memory_space<vmem>>
      tpu.wait_dma2 semaphore(%arg23 : memref<!tpu.dma_semaphore, #tpu.memory_space<semaphore_mem>>) src(%dma_wait3A_373 : memref<128xi32, #tpu.memory_space<vmem>>) dst(%dma_wait3A_372 : memref<128xi32, #tpu.memory_space<hbm>>)
      %while3A_374 = arith.constant 0 : i32
      scf.yield %while3A_374 : i32
    }
    %while3A_296 = arith.constant 0 : i32
    %while3A_297 = arith.constant 0 : i32
    %while3A_298 = arith.subi %shift_right_arithmetic3A_284, %while3A_296 : i32
    %while3A_299 = arith.addi %while3A_296, %while3A_298 : i32
    %while3A_300 = arith.constant 1 : i32
    %while3A_301 = arith.divsi %while3A_298, %while3A_300 : i32
    %while3A_302 = arith.muli %while3A_301, %while3A_300 : i32
    %while3A_303 = arith.addi %while3A_296, %while3A_302 : i32
    %while3A_304 = arith.constant 1 : i32
    %while3A_305 = scf.for %while3A_308 = %while3A_296 to %while3A_303 step %while3A_304 iter_args(%while3A_309 = %while3A_297) -> (i32)  : i32 {
      %mul3A_310 = arith.constant 128 : i32
      %mul3A_311 = arith.muli %shift_right_arithmetic3A_280, %mul3A_310 : i32
      %mul3A_312 = arith.constant 16 : i32
      %mul3A_313 = arith.muli %while3A_308, %mul3A_312 : i32
      %add3A_314 = arith.addi %mul3A_311, %mul3A_313 : i32
      %multiple_of3A_315 = tpu.assume_multiple %add3A_314, 16 : i32
      %add3A_316 = arith.addi %multiple_of3A, %multiple_of3A_315 : i32
      %multiple_of3A_317 = tpu.assume_multiple %add3A_316, 16 : i32
      %get3A = arith.index_cast %multiple_of3A_315 : i32 to index
      %get3A_318 = tpu.vector_load %arg10[%get3A] {strides = array<i32>} : memref<2304xi32, #tpu.memory_space<vmem>>, vector<16xi32>,
      %swap3A_319 = arith.constant 0 : index
      %swap3A_320 = tpu.vector_load %arg18[%swap3A_319] {strides = array<i32>} : memref<16xi32, #tpu.memory_space<vmem>>, vector<16xi32>,
      tpu.vector_store %arg18[%swap3A_319], %get3A_318 {strides = array<i32>} : memref<16xi32, #tpu.memory_space<vmem>>, vector<16xi32>,
      %dma_start3A = arith.constant 0 : i32
      %dma_start3A_321 = arith.constant 0 : i32
      %dma_start3A_322 = tpu.memref_slice %arg3[%dma_start3A, %dma_start3A_321] : memref<2048x256xf32, #tpu.memory_space<hbm>> -> memref<2048x256xf32, #tpu.memory_space<hbm>>
      tpu.enqueue_indirect_dma source(%dma_start3A_322 : memref<2048x256xf32, #tpu.memory_space<hbm>>) target(%arg20 : memref<16x256xf32, #tpu.memory_space<vmem>>) offsets(%arg18 : memref<16xi32, #tpu.memory_space<vmem>>) semaphore(%arg22 : memref<!tpu.dma_semaphore, #tpu.memory_space<semaphore_mem>>)
      %dma_wait3A = arith.constant 0 : i32
      %dma_wait3A_323 = arith.constant 0 : i32
      %dma_wait3A_324 = tpu.memref_slice %arg3[%dma_wait3A, %dma_wait3A_323] : memref<2048x256xf32, #tpu.memory_space<hbm>> -> memref<2048x256xf32, #tpu.memory_space<hbm>>
      tpu.wait_indirect_dma semaphore(%arg22 : memref<!tpu.dma_semaphore, #tpu.memory_space<semaphore_mem>>) src(%dma_wait3A_324 : memref<2048x256xf32, #tpu.memory_space<hbm>>) dst(%arg20 : memref<16x256xf32, #tpu.memory_space<vmem>>)
      "tpu.region"() ({
        %run_scoped3A = tpu.sem_alloc : memref<!tpu.dma_semaphore, #tpu.memory_space<semaphore_mem>>
        %dma_start3A_334 = arith.constant 0 : i32
        %dma_start3A_335 = tpu.memref_slice %arg8[%multiple_of3A_317, %dma_start3A_334] : memref<3360x256xf32, #tpu.memory_space<hbm>> -> memref<16x256xf32, #tpu.memory_space<hbm>>
        %dma_start3A_336 = arith.constant 0 : i32
        %dma_start3A_337 = tpu.memref_slice %arg8[%multiple_of3A_317, %dma_start3A_336] : memref<3360x256xf32, #tpu.memory_space<hbm>> -> memref<16x256xf32, #tpu.memory_space<hbm>>
        tpu.enqueue_dma source(%arg20 : memref<16x256xf32, #tpu.memory_space<vmem>>) target(%dma_start3A_337 : memref<16x256xf32, #tpu.memory_space<hbm>>) target_semaphore(%run_scoped3A : memref<!tpu.dma_semaphore, #tpu.memory_space<semaphore_mem>>)
        %dma_wait3A_338 = arith.constant 0 : i32
        %dma_wait3A_339 = tpu.memref_slice %arg8[%multiple_of3A_317, %dma_wait3A_338] : memref<3360x256xf32, #tpu.memory_space<hbm>> -> memref<16x256xf32, #tpu.memory_space<hbm>>
        %dma_wait3A_340 = arith.constant 0 : i32
        %dma_wait3A_341 = tpu.memref_slice %arg8[%multiple_of3A_317, %dma_wait3A_340] : memref<3360x256xf32, #tpu.memory_space<hbm>> -> memref<16x256xf32, #tpu.memory_space<hbm>>
        tpu.wait_dma2 semaphore(%run_scoped3A : memref<!tpu.dma_semaphore, #tpu.memory_space<semaphore_mem>>) src(%arg20 : memref<16x256xf32, #tpu.memory_space<vmem>>) dst(%dma_wait3A_341 : memref<16x256xf32, #tpu.memory_space<hbm>>)
        tpu.yield
      }) : () -> ()
      %dma_start3A_325 = tpu.memref_slice %arg11[%multiple_of3A_315] : memref<2304xi32, #tpu.memory_space<vmem>> -> memref<16xi32, #tpu.memory_space<vmem>>
      %dma_start3A_326 = tpu.memref_slice %arg4[%multiple_of3A_317] : memref<3328xi32, #tpu.memory_space<hbm>> -> memref<16xi32, #tpu.memory_space<hbm>>
      %dma_start3A_327 = tpu.memref_slice %arg4[%multiple_of3A_317] : memref<3328xi32, #tpu.memory_space<hbm>> -> memref<16xi32, #tpu.memory_space<hbm>>
      %dma_start3A_328 = tpu.memref_slice %arg11[%multiple_of3A_315] : memref<2304xi32, #tpu.memory_space<vmem>> -> memref<16xi32, #tpu.memory_space<vmem>>
      tpu.enqueue_dma source(%dma_start3A_328 : memref<16xi32, #tpu.memory_space<vmem>>) target(%dma_start3A_327 : memref<16xi32, #tpu.memory_space<hbm>>) target_semaphore(%arg23 : memref<!tpu.dma_semaphore, #tpu.memory_space<semaphore_mem>>)
      %dma_wait3A_329 = tpu.memref_slice %arg11[%multiple_of3A_315] : memref<2304xi32, #tpu.memory_space<vmem>> -> memref<16xi32, #tpu.memory_space<vmem>>
      %dma_wait3A_330 = tpu.memref_slice %arg4[%multiple_of3A_317] : memref<3328xi32, #tpu.memory_space<hbm>> -> memref<16xi32, #tpu.memory_space<hbm>>
      %dma_wait3A_331 = tpu.memref_slice %arg4[%multiple_of3A_317] : memref<3328xi32, #tpu.memory_space<hbm>> -> memref<16xi32, #tpu.memory_space<hbm>>
      %dma_wait3A_332 = tpu.memref_slice %arg11[%multiple_of3A_315] : memref<2304xi32, #tpu.memory_space<vmem>> -> memref<16xi32, #tpu.memory_space<vmem>>
      tpu.wait_dma2 semaphore(%arg23 : memref<!tpu.dma_semaphore, #tpu.memory_space<semaphore_mem>>) src(%dma_wait3A_332 : memref<16xi32, #tpu.memory_space<vmem>>) dst(%dma_wait3A_331 : memref<16xi32, #tpu.memory_space<hbm>>)
      %while3A_333 = arith.constant 0 : i32
      scf.yield %while3A_333 : i32
    }
    %while3A_306 = arith.constant 1 : i32
    %while3A_307 = scf.for %while3A_308 = %while3A_303 to %while3A_299 step %while3A_306 iter_args(%while3A_309 = %while3A_305) -> (i32)  : i32 {
      %mul3A_310 = arith.constant 128 : i32
      %mul3A_311 = arith.muli %shift_right_arithmetic3A_280, %mul3A_310 : i32
      %mul3A_312 = arith.constant 16 : i32
      %mul3A_313 = arith.muli %while3A_308, %mul3A_312 : i32
      %add3A_314 = arith.addi %mul3A_311, %mul3A_313 : i32
      %multiple_of3A_315 = tpu.assume_multiple %add3A_314, 16 : i32
      %add3A_316 = arith.addi %multiple_of3A, %multiple_of3A_315 : i32
      %multiple_of3A_317 = tpu.assume_multiple %add3A_316, 16 : i32
      %get3A = arith.index_cast %multiple_of3A_315 : i32 to index
      %get3A_318 = tpu.vector_load %arg10[%get3A] {strides = array<i32>} : memref<2304xi32, #tpu.memory_space<vmem>>, vector<16xi32>,
      %swap3A_319 = arith.constant 0 : index
      %swap3A_320 = tpu.vector_load %arg18[%swap3A_319] {strides = array<i32>} : memref<16xi32, #tpu.memory_space<vmem>>, vector<16xi32>,
      tpu.vector_store %arg18[%swap3A_319], %get3A_318 {strides = array<i32>} : memref<16xi32, #tpu.memory_space<vmem>>, vector<16xi32>,
      %dma_start3A = arith.constant 0 : i32
      %dma_start3A_321 = arith.constant 0 : i32
      %dma_start3A_322 = tpu.memref_slice %arg3[%dma_start3A, %dma_start3A_321] : memref<2048x256xf32, #tpu.memory_space<hbm>> -> memref<2048x256xf32, #tpu.memory_space<hbm>>
      tpu.enqueue_indirect_dma source(%dma_start3A_322 : memref<2048x256xf32, #tpu.memory_space<hbm>>) target(%arg20 : memref<16x256xf32, #tpu.memory_space<vmem>>) offsets(%arg18 : memref<16xi32, #tpu.memory_space<vmem>>) semaphore(%arg22 : memref<!tpu.dma_semaphore, #tpu.memory_space<semaphore_mem>>)
      %dma_wait3A = arith.constant 0 : i32
      %dma_wait3A_323 = arith.constant 0 : i32
      %dma_wait3A_324 = tpu.memref_slice %arg3[%dma_wait3A, %dma_wait3A_323] : memref<2048x256xf32, #tpu.memory_space<hbm>> -> memref<2048x256xf32, #tpu.memory_space<hbm>>
      tpu.wait_indirect_dma semaphore(%arg22 : memref<!tpu.dma_semaphore, #tpu.memory_space<semaphore_mem>>) src(%dma_wait3A_324 : memref<2048x256xf32, #tpu.memory_space<hbm>>) dst(%arg20 : memref<16x256xf32, #tpu.memory_space<vmem>>)
      "tpu.region"() ({
        %run_scoped3A = tpu.sem_alloc : memref<!tpu.dma_semaphore, #tpu.memory_space<semaphore_mem>>
        %dma_start3A_334 = arith.constant 0 : i32
        %dma_start3A_335 = tpu.memref_slice %arg8[%multiple_of3A_317, %dma_start3A_334] : memref<3360x256xf32, #tpu.memory_space<hbm>> -> memref<16x256xf32, #tpu.memory_space<hbm>>
        %dma_start3A_336 = arith.constant 0 : i32
        %dma_start3A_337 = tpu.memref_slice %arg8[%multiple_of3A_317, %dma_start3A_336] : memref<3360x256xf32, #tpu.memory_space<hbm>> -> memref<16x256xf32, #tpu.memory_space<hbm>>
        tpu.enqueue_dma source(%arg20 : memref<16x256xf32, #tpu.memory_space<vmem>>) target(%dma_start3A_337 : memref<16x256xf32, #tpu.memory_space<hbm>>) target_semaphore(%run_scoped3A : memref<!tpu.dma_semaphore, #tpu.memory_space<semaphore_mem>>)
        %dma_wait3A_338 = arith.constant 0 : i32
        %dma_wait3A_339 = tpu.memref_slice %arg8[%multiple_of3A_317, %dma_wait3A_338] : memref<3360x256xf32, #tpu.memory_space<hbm>> -> memref<16x256xf32, #tpu.memory_space<hbm>>
        %dma_wait3A_340 = arith.constant 0 : i32
        %dma_wait3A_341 = tpu.memref_slice %arg8[%multiple_of3A_317, %dma_wait3A_340] : memref<3360x256xf32, #tpu.memory_space<hbm>> -> memref<16x256xf32, #tpu.memory_space<hbm>>
        tpu.wait_dma2 semaphore(%run_scoped3A : memref<!tpu.dma_semaphore, #tpu.memory_space<semaphore_mem>>) src(%arg20 : memref<16x256xf32, #tpu.memory_space<vmem>>) dst(%dma_wait3A_341 : memref<16x256xf32, #tpu.memory_space<hbm>>)
        tpu.yield
      }) : () -> ()
      %dma_start3A_325 = tpu.memref_slice %arg11[%multiple_of3A_315] : memref<2304xi32, #tpu.memory_space<vmem>> -> memref<16xi32, #tpu.memory_space<vmem>>
      %dma_start3A_326 = tpu.memref_slice %arg4[%multiple_of3A_317] : memref<3328xi32, #tpu.memory_space<hbm>> -> memref<16xi32, #tpu.memory_space<hbm>>
      %dma_start3A_327 = tpu.memref_slice %arg4[%multiple_of3A_317] : memref<3328xi32, #tpu.memory_space<hbm>> -> memref<16xi32, #tpu.memory_space<hbm>>
      %dma_start3A_328 = tpu.memref_slice %arg11[%multiple_of3A_315] : memref<2304xi32, #tpu.memory_space<vmem>> -> memref<16xi32, #tpu.memory_space<vmem>>
      tpu.enqueue_dma source(%dma_start3A_328 : memref<16xi32, #tpu.memory_space<vmem>>) target(%dma_start3A_327 : memref<16xi32, #tpu.memory_space<hbm>>) target_semaphore(%arg23 : memref<!tpu.dma_semaphore, #tpu.memory_space<semaphore_mem>>)
      %dma_wait3A_329 = tpu.memref_slice %arg11[%multiple_of3A_315] : memref<2304xi32, #tpu.memory_space<vmem>> -> memref<16xi32, #tpu.memory_space<vmem>>
      %dma_wait3A_330 = tpu.memref_slice %arg4[%multiple_of3A_317] : memref<3328xi32, #tpu.memory_space<hbm>> -> memref<16xi32, #tpu.memory_space<hbm>>
      %dma_wait3A_331 = tpu.memref_slice %arg4[%multiple_of3A_317] : memref<3328xi32, #tpu.memory_space<hbm>> -> memref<16xi32, #tpu.memory_space<hbm>>
      %dma_wait3A_332 = tpu.memref_slice %arg11[%multiple_of3A_315] : memref<2304xi32, #tpu.memory_space<vmem>> -> memref<16xi32, #tpu.memory_space<vmem>>
      tpu.wait_dma2 semaphore(%arg23 : memref<!tpu.dma_semaphore, #tpu.memory_space<semaphore_mem>>) src(%dma_wait3A_332 : memref<16xi32, #tpu.memory_space<vmem>>) dst(%dma_wait3A_331 : memref<16xi32, #tpu.memory_space<hbm>>)
      %while3A_333 = arith.constant 0 : i32
      scf.yield %while3A_333 : i32
    }
    return
  }
}

module attributes {stable_mosaic.version = 14 : i64} {
  func.func @_mm_body(%arg0: i32, %arg1: memref<64xi32, #tpu.memory_space<smem>>, %arg2: memref<64xi32, #tpu.memory_space<smem>>, %arg3: memref<3360x256xf32, #tpu.memory_space<vmem>>, %arg4: memref<8x256x256xf32, #tpu.memory_space<vmem>>, %arg5: memref<8x1x256xf32, #tpu.memory_space<vmem>>, %arg6: memref<3360x256xf32, #tpu.memory_space<vmem>>) attributes {dimension_semantics = [#tpu.dimension_semantics<arbitrary>], iteration_bounds = array<i64: 8>, scalar_prefetch = 2 : i64, scratch_operands = 0 : i64, tpu.core_type = #tpu.core_type<tc>, window_params = [{pipeline_mode = #tpu.pipeline_mode<synchronous>, transform_indices = @transform_0, window_bounds = array<i64: 3360, 256>}, {transform_indices = @transform_1, window_bounds = array<i64: 8, 256, 256>}, {transform_indices = @transform_2, window_bounds = array<i64: 8, 1, 256>}, {pipeline_mode = #tpu.pipeline_mode<synchronous>, transform_indices = @transform_3, window_bounds = array<i64: 3360, 256>}]} {
    %get3A = arith.constant 0 : index
    %get3A_0 = arith.constant 0 : index
    %get3A_1 = arith.constant 0 : index
    %get3A_2 = vector.load %arg4[%get3A, %get3A_0, %get3A_1] : memref<8x256x256xf32, #tpu.memory_space<vmem>>, vector<1x256x256xf32>
    %get3A_3 = vector.shape_cast %get3A_2 : vector<1x256x256xf32> to vector<256x256xf32>
    %convert_element_type3A = arith.truncf %get3A_3 : vector<256x256xf32> to vector<256x256xbf16>
    %get3A_4 = arith.constant 1 : index
    %get3A_5 = arith.constant 0 : index
    %get3A_6 = arith.constant 0 : index
    %get3A_7 = vector.load %arg4[%get3A_4, %get3A_5, %get3A_6] : memref<8x256x256xf32, #tpu.memory_space<vmem>>, vector<1x256x256xf32>
    %get3A_8 = vector.shape_cast %get3A_7 : vector<1x256x256xf32> to vector<256x256xf32>
    %convert_element_type3A_9 = arith.truncf %get3A_8 : vector<256x256xf32> to vector<256x256xbf16>
    %get3A_10 = arith.constant 2 : index
    %get3A_11 = arith.constant 0 : index
    %get3A_12 = arith.constant 0 : index
    %get3A_13 = vector.load %arg4[%get3A_10, %get3A_11, %get3A_12] : memref<8x256x256xf32, #tpu.memory_space<vmem>>, vector<1x256x256xf32>
    %get3A_14 = vector.shape_cast %get3A_13 : vector<1x256x256xf32> to vector<256x256xf32>
    %convert_element_type3A_15 = arith.truncf %get3A_14 : vector<256x256xf32> to vector<256x256xbf16>
    %get3A_16 = arith.constant 3 : index
    %get3A_17 = arith.constant 0 : index
    %get3A_18 = arith.constant 0 : index
    %get3A_19 = vector.load %arg4[%get3A_16, %get3A_17, %get3A_18] : memref<8x256x256xf32, #tpu.memory_space<vmem>>, vector<1x256x256xf32>
    %get3A_20 = vector.shape_cast %get3A_19 : vector<1x256x256xf32> to vector<256x256xf32>
    %convert_element_type3A_21 = arith.truncf %get3A_20 : vector<256x256xf32> to vector<256x256xbf16>
    %get3A_22 = arith.constant 4 : index
    %get3A_23 = arith.constant 0 : index
    %get3A_24 = arith.constant 0 : index
    %get3A_25 = vector.load %arg4[%get3A_22, %get3A_23, %get3A_24] : memref<8x256x256xf32, #tpu.memory_space<vmem>>, vector<1x256x256xf32>
    %get3A_26 = vector.shape_cast %get3A_25 : vector<1x256x256xf32> to vector<256x256xf32>
    %convert_element_type3A_27 = arith.truncf %get3A_26 : vector<256x256xf32> to vector<256x256xbf16>
    %get3A_28 = arith.constant 5 : index
    %get3A_29 = arith.constant 0 : index
    %get3A_30 = arith.constant 0 : index
    %get3A_31 = vector.load %arg4[%get3A_28, %get3A_29, %get3A_30] : memref<8x256x256xf32, #tpu.memory_space<vmem>>, vector<1x256x256xf32>
    %get3A_32 = vector.shape_cast %get3A_31 : vector<1x256x256xf32> to vector<256x256xf32>
    %convert_element_type3A_33 = arith.truncf %get3A_32 : vector<256x256xf32> to vector<256x256xbf16>
    %get3A_34 = arith.constant 6 : index
    %get3A_35 = arith.constant 0 : index
    %get3A_36 = arith.constant 0 : index
    %get3A_37 = vector.load %arg4[%get3A_34, %get3A_35, %get3A_36] : memref<8x256x256xf32, #tpu.memory_space<vmem>>, vector<1x256x256xf32>
    %get3A_38 = vector.shape_cast %get3A_37 : vector<1x256x256xf32> to vector<256x256xf32>
    %convert_element_type3A_39 = arith.truncf %get3A_38 : vector<256x256xf32> to vector<256x256xbf16>
    %get3A_40 = arith.constant 7 : index
    %get3A_41 = arith.constant 0 : index
    %get3A_42 = arith.constant 0 : index
    %get3A_43 = vector.load %arg4[%get3A_40, %get3A_41, %get3A_42] : memref<8x256x256xf32, #tpu.memory_space<vmem>>, vector<1x256x256xf32>
    %get3A_44 = vector.shape_cast %get3A_43 : vector<1x256x256xf32> to vector<256x256xf32>
    %convert_element_type3A_45 = arith.truncf %get3A_44 : vector<256x256xf32> to vector<256x256xbf16>
    %mul3A = arith.constant 8 : i32
    %mul3A_46 = arith.muli %arg0, %mul3A : i32
    %add3A = arith.constant 0 : i32
    %add3A_47 = arith.addi %mul3A_46, %add3A : i32
    %get3A_48 = arith.index_cast %add3A_47 : i32 to index
    %get3A_49 = memref.load %arg1[%get3A_48] : memref<64xi32, #tpu.memory_space<smem>>
    %multiple_of3A = tpu.assume_multiple %get3A_49, 8 : i32
    %mul3A_50 = arith.constant 8 : i32
    %mul3A_51 = arith.muli %arg0, %mul3A_50 : i32
    %add3A_52 = arith.constant 1 : i32
    %add3A_53 = arith.addi %mul3A_51, %add3A_52 : i32
    %get3A_54 = arith.index_cast %add3A_53 : i32 to index
    %get3A_55 = memref.load %arg1[%get3A_54] : memref<64xi32, #tpu.memory_space<smem>>
    %multiple_of3A_56 = tpu.assume_multiple %get3A_55, 8 : i32
    %mul3A_57 = arith.constant 8 : i32
    %mul3A_58 = arith.muli %arg0, %mul3A_57 : i32
    %add3A_59 = arith.constant 2 : i32
    %add3A_60 = arith.addi %mul3A_58, %add3A_59 : i32
    %get3A_61 = arith.index_cast %add3A_60 : i32 to index
    %get3A_62 = memref.load %arg1[%get3A_61] : memref<64xi32, #tpu.memory_space<smem>>
    %multiple_of3A_63 = tpu.assume_multiple %get3A_62, 8 : i32
    %mul3A_64 = arith.constant 8 : i32
    %mul3A_65 = arith.muli %arg0, %mul3A_64 : i32
    %add3A_66 = arith.constant 3 : i32
    %add3A_67 = arith.addi %mul3A_65, %add3A_66 : i32
    %get3A_68 = arith.index_cast %add3A_67 : i32 to index
    %get3A_69 = memref.load %arg1[%get3A_68] : memref<64xi32, #tpu.memory_space<smem>>
    %multiple_of3A_70 = tpu.assume_multiple %get3A_69, 8 : i32
    %mul3A_71 = arith.constant 8 : i32
    %mul3A_72 = arith.muli %arg0, %mul3A_71 : i32
    %add3A_73 = arith.constant 4 : i32
    %add3A_74 = arith.addi %mul3A_72, %add3A_73 : i32
    %get3A_75 = arith.index_cast %add3A_74 : i32 to index
    %get3A_76 = memref.load %arg1[%get3A_75] : memref<64xi32, #tpu.memory_space<smem>>
    %multiple_of3A_77 = tpu.assume_multiple %get3A_76, 8 : i32
    %mul3A_78 = arith.constant 8 : i32
    %mul3A_79 = arith.muli %arg0, %mul3A_78 : i32
    %add3A_80 = arith.constant 5 : i32
    %add3A_81 = arith.addi %mul3A_79, %add3A_80 : i32
    %get3A_82 = arith.index_cast %add3A_81 : i32 to index
    %get3A_83 = memref.load %arg1[%get3A_82] : memref<64xi32, #tpu.memory_space<smem>>
    %multiple_of3A_84 = tpu.assume_multiple %get3A_83, 8 : i32
    %mul3A_85 = arith.constant 8 : i32
    %mul3A_86 = arith.muli %arg0, %mul3A_85 : i32
    %add3A_87 = arith.constant 6 : i32
    %add3A_88 = arith.addi %mul3A_86, %add3A_87 : i32
    %get3A_89 = arith.index_cast %add3A_88 : i32 to index
    %get3A_90 = memref.load %arg1[%get3A_89] : memref<64xi32, #tpu.memory_space<smem>>
    %multiple_of3A_91 = tpu.assume_multiple %get3A_90, 8 : i32
    %mul3A_92 = arith.constant 8 : i32
    %mul3A_93 = arith.muli %arg0, %mul3A_92 : i32
    %add3A_94 = arith.constant 7 : i32
    %add3A_95 = arith.addi %mul3A_93, %add3A_94 : i32
    %get3A_96 = arith.index_cast %add3A_95 : i32 to index
    %get3A_97 = memref.load %arg1[%get3A_96] : memref<64xi32, #tpu.memory_space<smem>>
    %multiple_of3A_98 = tpu.assume_multiple %get3A_97, 8 : i32
    %get3A_99 = arith.index_cast %multiple_of3A : i32 to index
    %get3A_100 = arith.constant 0 : index
    %get3A_101 = vector.load %arg3[%get3A_99, %get3A_100] : memref<3360x256xf32, #tpu.memory_space<vmem>>, vector<128x256xf32>
    %convert_element_type3A_102 = arith.truncf %get3A_101 : vector<128x256xf32> to vector<128x256xbf16>
    %dot_general3A = arith.constant dense<0.000000e+00> : vector<128x256xf32>
    %dot_general3A_103 = tpu.matmul %convert_element_type3A_102, %convert_element_type3A, %dot_general3A {dimension_numbers = #tpu.dot_dimension_numbers<[1], [0], [0], [1], [0, 0, 1, 1], [], []>, transpose_lhs_hint = false} : vector<128x256xbf16>, vector<256x256xbf16>, vector<128x256xf32> -> vector<128x256xf32>
    %get3A_104 = arith.constant 0 : index
    %get3A_105 = arith.constant 0 : index
    %get3A_106 = arith.constant 0 : index
    %get3A_107 = vector.load %arg5[%get3A_104, %get3A_105, %get3A_106] : memref<8x1x256xf32, #tpu.memory_space<vmem>>, vector<1x1x256xf32>
    %get3A_108 = vector.shape_cast %get3A_107 : vector<1x1x256xf32> to vector<1x256xf32>
    %add3A_109 = vector.broadcast %get3A_108 : vector<1x256xf32> to vector<128x256xf32>
    %add3A_110 = arith.addf %dot_general3A_103, %add3A_109 : vector<128x256xf32>
    %swap3A = arith.index_cast %multiple_of3A : i32 to index
    %swap3A_111 = arith.constant 0 : index
    %swap3A_112 = vector.load %arg6[%swap3A, %swap3A_111] : memref<3360x256xf32, #tpu.memory_space<vmem>>, vector<128x256xf32>
    tpu.vector_store %arg6[%swap3A, %swap3A_111], %add3A_110 {strides = array<i32>} : memref<3360x256xf32, #tpu.memory_space<vmem>>, vector<128x256xf32>,
    %get3A_113 = arith.index_cast %multiple_of3A_56 : i32 to index
    %get3A_114 = arith.constant 0 : index
    %get3A_115 = vector.load %arg3[%get3A_113, %get3A_114] : memref<3360x256xf32, #tpu.memory_space<vmem>>, vector<128x256xf32>
    %convert_element_type3A_116 = arith.truncf %get3A_115 : vector<128x256xf32> to vector<128x256xbf16>
    %dot_general3A_117 = arith.constant dense<0.000000e+00> : vector<128x256xf32>
    %dot_general3A_118 = tpu.matmul %convert_element_type3A_116, %convert_element_type3A_9, %dot_general3A_117 {dimension_numbers = #tpu.dot_dimension_numbers<[1], [0], [0], [1], [0, 0, 1, 1], [], []>, transpose_lhs_hint = false} : vector<128x256xbf16>, vector<256x256xbf16>, vector<128x256xf32> -> vector<128x256xf32>
    %get3A_119 = arith.constant 1 : index
    %get3A_120 = arith.constant 0 : index
    %get3A_121 = arith.constant 0 : index
    %get3A_122 = vector.load %arg5[%get3A_119, %get3A_120, %get3A_121] : memref<8x1x256xf32, #tpu.memory_space<vmem>>, vector<1x1x256xf32>
    %get3A_123 = vector.shape_cast %get3A_122 : vector<1x1x256xf32> to vector<1x256xf32>
    %add3A_124 = vector.broadcast %get3A_123 : vector<1x256xf32> to vector<128x256xf32>
    %add3A_125 = arith.addf %dot_general3A_118, %add3A_124 : vector<128x256xf32>
    %swap3A_126 = arith.index_cast %multiple_of3A_56 : i32 to index
    %swap3A_127 = arith.constant 0 : index
    %swap3A_128 = vector.load %arg6[%swap3A_126, %swap3A_127] : memref<3360x256xf32, #tpu.memory_space<vmem>>, vector<128x256xf32>
    tpu.vector_store %arg6[%swap3A_126, %swap3A_127], %add3A_125 {strides = array<i32>} : memref<3360x256xf32, #tpu.memory_space<vmem>>, vector<128x256xf32>,
    %get3A_129 = arith.index_cast %multiple_of3A_63 : i32 to index
    %get3A_130 = arith.constant 0 : index
    %get3A_131 = vector.load %arg3[%get3A_129, %get3A_130] : memref<3360x256xf32, #tpu.memory_space<vmem>>, vector<128x256xf32>
    %convert_element_type3A_132 = arith.truncf %get3A_131 : vector<128x256xf32> to vector<128x256xbf16>
    %dot_general3A_133 = arith.constant dense<0.000000e+00> : vector<128x256xf32>
    %dot_general3A_134 = tpu.matmul %convert_element_type3A_132, %convert_element_type3A_15, %dot_general3A_133 {dimension_numbers = #tpu.dot_dimension_numbers<[1], [0], [0], [1], [0, 0, 1, 1], [], []>, transpose_lhs_hint = false} : vector<128x256xbf16>, vector<256x256xbf16>, vector<128x256xf32> -> vector<128x256xf32>
    %get3A_135 = arith.constant 2 : index
    %get3A_136 = arith.constant 0 : index
    %get3A_137 = arith.constant 0 : index
    %get3A_138 = vector.load %arg5[%get3A_135, %get3A_136, %get3A_137] : memref<8x1x256xf32, #tpu.memory_space<vmem>>, vector<1x1x256xf32>
    %get3A_139 = vector.shape_cast %get3A_138 : vector<1x1x256xf32> to vector<1x256xf32>
    %add3A_140 = vector.broadcast %get3A_139 : vector<1x256xf32> to vector<128x256xf32>
    %add3A_141 = arith.addf %dot_general3A_134, %add3A_140 : vector<128x256xf32>
    %swap3A_142 = arith.index_cast %multiple_of3A_63 : i32 to index
    %swap3A_143 = arith.constant 0 : index
    %swap3A_144 = vector.load %arg6[%swap3A_142, %swap3A_143] : memref<3360x256xf32, #tpu.memory_space<vmem>>, vector<128x256xf32>
    tpu.vector_store %arg6[%swap3A_142, %swap3A_143], %add3A_141 {strides = array<i32>} : memref<3360x256xf32, #tpu.memory_space<vmem>>, vector<128x256xf32>,
    %get3A_145 = arith.index_cast %multiple_of3A_70 : i32 to index
    %get3A_146 = arith.constant 0 : index
    %get3A_147 = vector.load %arg3[%get3A_145, %get3A_146] : memref<3360x256xf32, #tpu.memory_space<vmem>>, vector<128x256xf32>
    %convert_element_type3A_148 = arith.truncf %get3A_147 : vector<128x256xf32> to vector<128x256xbf16>
    %dot_general3A_149 = arith.constant dense<0.000000e+00> : vector<128x256xf32>
    %dot_general3A_150 = tpu.matmul %convert_element_type3A_148, %convert_element_type3A_21, %dot_general3A_149 {dimension_numbers = #tpu.dot_dimension_numbers<[1], [0], [0], [1], [0, 0, 1, 1], [], []>, transpose_lhs_hint = false} : vector<128x256xbf16>, vector<256x256xbf16>, vector<128x256xf32> -> vector<128x256xf32>
    %get3A_151 = arith.constant 3 : index
    %get3A_152 = arith.constant 0 : index
    %get3A_153 = arith.constant 0 : index
    %get3A_154 = vector.load %arg5[%get3A_151, %get3A_152, %get3A_153] : memref<8x1x256xf32, #tpu.memory_space<vmem>>, vector<1x1x256xf32>
    %get3A_155 = vector.shape_cast %get3A_154 : vector<1x1x256xf32> to vector<1x256xf32>
    %add3A_156 = vector.broadcast %get3A_155 : vector<1x256xf32> to vector<128x256xf32>
    %add3A_157 = arith.addf %dot_general3A_150, %add3A_156 : vector<128x256xf32>
    %swap3A_158 = arith.index_cast %multiple_of3A_70 : i32 to index
    %swap3A_159 = arith.constant 0 : index
    %swap3A_160 = vector.load %arg6[%swap3A_158, %swap3A_159] : memref<3360x256xf32, #tpu.memory_space<vmem>>, vector<128x256xf32>
    tpu.vector_store %arg6[%swap3A_158, %swap3A_159], %add3A_157 {strides = array<i32>} : memref<3360x256xf32, #tpu.memory_space<vmem>>, vector<128x256xf32>,
    %get3A_161 = arith.index_cast %multiple_of3A_77 : i32 to index
    %get3A_162 = arith.constant 0 : index
    %get3A_163 = vector.load %arg3[%get3A_161, %get3A_162] : memref<3360x256xf32, #tpu.memory_space<vmem>>, vector<128x256xf32>
    %convert_element_type3A_164 = arith.truncf %get3A_163 : vector<128x256xf32> to vector<128x256xbf16>
    %dot_general3A_165 = arith.constant dense<0.000000e+00> : vector<128x256xf32>
    %dot_general3A_166 = tpu.matmul %convert_element_type3A_164, %convert_element_type3A_27, %dot_general3A_165 {dimension_numbers = #tpu.dot_dimension_numbers<[1], [0], [0], [1], [0, 0, 1, 1], [], []>, transpose_lhs_hint = false} : vector<128x256xbf16>, vector<256x256xbf16>, vector<128x256xf32> -> vector<128x256xf32>
    %get3A_167 = arith.constant 4 : index
    %get3A_168 = arith.constant 0 : index
    %get3A_169 = arith.constant 0 : index
    %get3A_170 = vector.load %arg5[%get3A_167, %get3A_168, %get3A_169] : memref<8x1x256xf32, #tpu.memory_space<vmem>>, vector<1x1x256xf32>
    %get3A_171 = vector.shape_cast %get3A_170 : vector<1x1x256xf32> to vector<1x256xf32>
    %add3A_172 = vector.broadcast %get3A_171 : vector<1x256xf32> to vector<128x256xf32>
    %add3A_173 = arith.addf %dot_general3A_166, %add3A_172 : vector<128x256xf32>
    %swap3A_174 = arith.index_cast %multiple_of3A_77 : i32 to index
    %swap3A_175 = arith.constant 0 : index
    %swap3A_176 = vector.load %arg6[%swap3A_174, %swap3A_175] : memref<3360x256xf32, #tpu.memory_space<vmem>>, vector<128x256xf32>
    tpu.vector_store %arg6[%swap3A_174, %swap3A_175], %add3A_173 {strides = array<i32>} : memref<3360x256xf32, #tpu.memory_space<vmem>>, vector<128x256xf32>,
    %get3A_177 = arith.index_cast %multiple_of3A_84 : i32 to index
    %get3A_178 = arith.constant 0 : index
    %get3A_179 = vector.load %arg3[%get3A_177, %get3A_178] : memref<3360x256xf32, #tpu.memory_space<vmem>>, vector<128x256xf32>
    %convert_element_type3A_180 = arith.truncf %get3A_179 : vector<128x256xf32> to vector<128x256xbf16>
    %dot_general3A_181 = arith.constant dense<0.000000e+00> : vector<128x256xf32>
    %dot_general3A_182 = tpu.matmul %convert_element_type3A_180, %convert_element_type3A_33, %dot_general3A_181 {dimension_numbers = #tpu.dot_dimension_numbers<[1], [0], [0], [1], [0, 0, 1, 1], [], []>, transpose_lhs_hint = false} : vector<128x256xbf16>, vector<256x256xbf16>, vector<128x256xf32> -> vector<128x256xf32>
    %get3A_183 = arith.constant 5 : index
    %get3A_184 = arith.constant 0 : index
    %get3A_185 = arith.constant 0 : index
    %get3A_186 = vector.load %arg5[%get3A_183, %get3A_184, %get3A_185] : memref<8x1x256xf32, #tpu.memory_space<vmem>>, vector<1x1x256xf32>
    %get3A_187 = vector.shape_cast %get3A_186 : vector<1x1x256xf32> to vector<1x256xf32>
    %add3A_188 = vector.broadcast %get3A_187 : vector<1x256xf32> to vector<128x256xf32>
    %add3A_189 = arith.addf %dot_general3A_182, %add3A_188 : vector<128x256xf32>
    %swap3A_190 = arith.index_cast %multiple_of3A_84 : i32 to index
    %swap3A_191 = arith.constant 0 : index
    %swap3A_192 = vector.load %arg6[%swap3A_190, %swap3A_191] : memref<3360x256xf32, #tpu.memory_space<vmem>>, vector<128x256xf32>
    tpu.vector_store %arg6[%swap3A_190, %swap3A_191], %add3A_189 {strides = array<i32>} : memref<3360x256xf32, #tpu.memory_space<vmem>>, vector<128x256xf32>,
    %get3A_193 = arith.index_cast %multiple_of3A_91 : i32 to index
    %get3A_194 = arith.constant 0 : index
    %get3A_195 = vector.load %arg3[%get3A_193, %get3A_194] : memref<3360x256xf32, #tpu.memory_space<vmem>>, vector<128x256xf32>
    %convert_element_type3A_196 = arith.truncf %get3A_195 : vector<128x256xf32> to vector<128x256xbf16>
    %dot_general3A_197 = arith.constant dense<0.000000e+00> : vector<128x256xf32>
    %dot_general3A_198 = tpu.matmul %convert_element_type3A_196, %convert_element_type3A_39, %dot_general3A_197 {dimension_numbers = #tpu.dot_dimension_numbers<[1], [0], [0], [1], [0, 0, 1, 1], [], []>, transpose_lhs_hint = false} : vector<128x256xbf16>, vector<256x256xbf16>, vector<128x256xf32> -> vector<128x256xf32>
    %get3A_199 = arith.constant 6 : index
    %get3A_200 = arith.constant 0 : index
    %get3A_201 = arith.constant 0 : index
    %get3A_202 = vector.load %arg5[%get3A_199, %get3A_200, %get3A_201] : memref<8x1x256xf32, #tpu.memory_space<vmem>>, vector<1x1x256xf32>
    %get3A_203 = vector.shape_cast %get3A_202 : vector<1x1x256xf32> to vector<1x256xf32>
    %add3A_204 = vector.broadcast %get3A_203 : vector<1x256xf32> to vector<128x256xf32>
    %add3A_205 = arith.addf %dot_general3A_198, %add3A_204 : vector<128x256xf32>
    %swap3A_206 = arith.index_cast %multiple_of3A_91 : i32 to index
    %swap3A_207 = arith.constant 0 : index
    %swap3A_208 = vector.load %arg6[%swap3A_206, %swap3A_207] : memref<3360x256xf32, #tpu.memory_space<vmem>>, vector<128x256xf32>
    tpu.vector_store %arg6[%swap3A_206, %swap3A_207], %add3A_205 {strides = array<i32>} : memref<3360x256xf32, #tpu.memory_space<vmem>>, vector<128x256xf32>,
    %get3A_209 = arith.index_cast %multiple_of3A_98 : i32 to index
    %get3A_210 = arith.constant 0 : index
    %get3A_211 = vector.load %arg3[%get3A_209, %get3A_210] : memref<3360x256xf32, #tpu.memory_space<vmem>>, vector<128x256xf32>
    %convert_element_type3A_212 = arith.truncf %get3A_211 : vector<128x256xf32> to vector<128x256xbf16>
    %dot_general3A_213 = arith.constant dense<0.000000e+00> : vector<128x256xf32>
    %dot_general3A_214 = tpu.matmul %convert_element_type3A_212, %convert_element_type3A_45, %dot_general3A_213 {dimension_numbers = #tpu.dot_dimension_numbers<[1], [0], [0], [1], [0, 0, 1, 1], [], []>, transpose_lhs_hint = false} : vector<128x256xbf16>, vector<256x256xbf16>, vector<128x256xf32> -> vector<128x256xf32>
    %get3A_215 = arith.constant 7 : index
    %get3A_216 = arith.constant 0 : index
    %get3A_217 = arith.constant 0 : index
    %get3A_218 = vector.load %arg5[%get3A_215, %get3A_216, %get3A_217] : memref<8x1x256xf32, #tpu.memory_space<vmem>>, vector<1x1x256xf32>
    %get3A_219 = vector.shape_cast %get3A_218 : vector<1x1x256xf32> to vector<1x256xf32>
    %add3A_220 = vector.broadcast %get3A_219 : vector<1x256xf32> to vector<128x256xf32>
    %add3A_221 = arith.addf %dot_general3A_214, %add3A_220 : vector<128x256xf32>
    %swap3A_222 = arith.index_cast %multiple_of3A_98 : i32 to index
    %swap3A_223 = arith.constant 0 : index
    %swap3A_224 = vector.load %arg6[%swap3A_222, %swap3A_223] : memref<3360x256xf32, #tpu.memory_space<vmem>>, vector<128x256xf32>
    tpu.vector_store %arg6[%swap3A_222, %swap3A_223], %add3A_221 {strides = array<i32>} : memref<3360x256xf32, #tpu.memory_space<vmem>>, vector<128x256xf32>,
    %mul3A_225 = arith.constant 8 : i32
    %mul3A_226 = arith.muli %arg0, %mul3A_225 : i32
    %add3A_227 = arith.constant 0 : i32
    %add3A_228 = arith.addi %mul3A_226, %add3A_227 : i32
    %get3A_229 = arith.index_cast %add3A_228 : i32 to index
    %get3A_230 = memref.load %arg2[%get3A_229] : memref<64xi32, #tpu.memory_space<smem>>
    %sub3A = arith.constant 1 : i32
    %sub3A_231 = arith.subi %get3A_230, %sub3A : i32
    %while3A = arith.constant 0 : i32
    %while3A_232 = arith.constant 0 : i32
    %while3A_233 = arith.subi %sub3A_231, %while3A : i32
    %while3A_234 = arith.addi %while3A, %while3A_233 : i32
    %while3A_235 = arith.constant 1 : i32
    %while3A_236 = arith.divsi %while3A_233, %while3A_235 : i32
    %while3A_237 = arith.muli %while3A_236, %while3A_235 : i32
    %while3A_238 = arith.addi %while3A, %while3A_237 : i32
    %while3A_239 = arith.constant 1 : i32
    %while3A_240 = scf.for %while3A_383 = %while3A to %while3A_238 step %while3A_239 iter_args(%while3A_384 = %while3A_232) -> (i32)  : i32 {
      %add3A_385 = arith.constant 1 : i32
      %add3A_386 = arith.addi %while3A_383, %add3A_385 : i32
      %mul3A_387 = arith.constant 128 : i32
      %mul3A_388 = arith.muli %add3A_386, %mul3A_387 : i32
      %add3A_389 = arith.addi %multiple_of3A, %mul3A_388 : i32
      %multiple_of3A_390 = tpu.assume_multiple %add3A_389, 8 : i32
      %get3A_391 = arith.index_cast %multiple_of3A_390 : i32 to index
      %get3A_392 = arith.constant 0 : index
      %get3A_393 = vector.load %arg3[%get3A_391, %get3A_392] : memref<3360x256xf32, #tpu.memory_space<vmem>>, vector<128x256xf32>
      %convert_element_type3A_394 = arith.truncf %get3A_393 : vector<128x256xf32> to vector<128x256xbf16>
      %dot_general3A_395 = arith.constant dense<0.000000e+00> : vector<128x256xf32>
      %dot_general3A_396 = tpu.matmul %convert_element_type3A_394, %convert_element_type3A, %dot_general3A_395 {dimension_numbers = #tpu.dot_dimension_numbers<[1], [0], [0], [1], [0, 0, 1, 1], [], []>, transpose_lhs_hint = false} : vector<128x256xbf16>, vector<256x256xbf16>, vector<128x256xf32> -> vector<128x256xf32>
      %get3A_397 = arith.constant 0 : index
      %get3A_398 = arith.constant 0 : index
      %get3A_399 = arith.constant 0 : index
      %get3A_400 = vector.load %arg5[%get3A_397, %get3A_398, %get3A_399] : memref<8x1x256xf32, #tpu.memory_space<vmem>>, vector<1x1x256xf32>
      %get3A_401 = vector.shape_cast %get3A_400 : vector<1x1x256xf32> to vector<1x256xf32>
      %add3A_402 = vector.broadcast %get3A_401 : vector<1x256xf32> to vector<128x256xf32>
      %add3A_403 = arith.addf %dot_general3A_396, %add3A_402 : vector<128x256xf32>
      %swap3A_404 = arith.index_cast %multiple_of3A_390 : i32 to index
      %swap3A_405 = arith.constant 0 : index
      %swap3A_406 = vector.load %arg6[%swap3A_404, %swap3A_405] : memref<3360x256xf32, #tpu.memory_space<vmem>>, vector<128x256xf32>
      tpu.vector_store %arg6[%swap3A_404, %swap3A_405], %add3A_403 {strides = array<i32>} : memref<3360x256xf32, #tpu.memory_space<vmem>>, vector<128x256xf32>,
      %while3A_407 = arith.constant 0 : i32
      scf.yield %while3A_407 : i32
    }
    %while3A_241 = arith.constant 1 : i32
    %while3A_242 = scf.for %while3A_383 = %while3A_238 to %while3A_234 step %while3A_241 iter_args(%while3A_384 = %while3A_240) -> (i32)  : i32 {
      %add3A_385 = arith.constant 1 : i32
      %add3A_386 = arith.addi %while3A_383, %add3A_385 : i32
      %mul3A_387 = arith.constant 128 : i32
      %mul3A_388 = arith.muli %add3A_386, %mul3A_387 : i32
      %add3A_389 = arith.addi %multiple_of3A, %mul3A_388 : i32
      %multiple_of3A_390 = tpu.assume_multiple %add3A_389, 8 : i32
      %get3A_391 = arith.index_cast %multiple_of3A_390 : i32 to index
      %get3A_392 = arith.constant 0 : index
      %get3A_393 = vector.load %arg3[%get3A_391, %get3A_392] : memref<3360x256xf32, #tpu.memory_space<vmem>>, vector<128x256xf32>
      %convert_element_type3A_394 = arith.truncf %get3A_393 : vector<128x256xf32> to vector<128x256xbf16>
      %dot_general3A_395 = arith.constant dense<0.000000e+00> : vector<128x256xf32>
      %dot_general3A_396 = tpu.matmul %convert_element_type3A_394, %convert_element_type3A, %dot_general3A_395 {dimension_numbers = #tpu.dot_dimension_numbers<[1], [0], [0], [1], [0, 0, 1, 1], [], []>, transpose_lhs_hint = false} : vector<128x256xbf16>, vector<256x256xbf16>, vector<128x256xf32> -> vector<128x256xf32>
      %get3A_397 = arith.constant 0 : index
      %get3A_398 = arith.constant 0 : index
      %get3A_399 = arith.constant 0 : index
      %get3A_400 = vector.load %arg5[%get3A_397, %get3A_398, %get3A_399] : memref<8x1x256xf32, #tpu.memory_space<vmem>>, vector<1x1x256xf32>
      %get3A_401 = vector.shape_cast %get3A_400 : vector<1x1x256xf32> to vector<1x256xf32>
      %add3A_402 = vector.broadcast %get3A_401 : vector<1x256xf32> to vector<128x256xf32>
      %add3A_403 = arith.addf %dot_general3A_396, %add3A_402 : vector<128x256xf32>
      %swap3A_404 = arith.index_cast %multiple_of3A_390 : i32 to index
      %swap3A_405 = arith.constant 0 : index
      %swap3A_406 = vector.load %arg6[%swap3A_404, %swap3A_405] : memref<3360x256xf32, #tpu.memory_space<vmem>>, vector<128x256xf32>
      tpu.vector_store %arg6[%swap3A_404, %swap3A_405], %add3A_403 {strides = array<i32>} : memref<3360x256xf32, #tpu.memory_space<vmem>>, vector<128x256xf32>,
      %while3A_407 = arith.constant 0 : i32
      scf.yield %while3A_407 : i32
    }
    %mul3A_243 = arith.constant 8 : i32
    %mul3A_244 = arith.muli %arg0, %mul3A_243 : i32
    %add3A_245 = arith.constant 1 : i32
    %add3A_246 = arith.addi %mul3A_244, %add3A_245 : i32
    %get3A_247 = arith.index_cast %add3A_246 : i32 to index
    %get3A_248 = memref.load %arg2[%get3A_247] : memref<64xi32, #tpu.memory_space<smem>>
    %sub3A_249 = arith.constant 1 : i32
    %sub3A_250 = arith.subi %get3A_248, %sub3A_249 : i32
    %while3A_251 = arith.constant 0 : i32
    %while3A_252 = arith.constant 0 : i32
    %while3A_253 = arith.subi %sub3A_250, %while3A_251 : i32
    %while3A_254 = arith.addi %while3A_251, %while3A_253 : i32
    %while3A_255 = arith.constant 1 : i32
    %while3A_256 = arith.divsi %while3A_253, %while3A_255 : i32
    %while3A_257 = arith.muli %while3A_256, %while3A_255 : i32
    %while3A_258 = arith.addi %while3A_251, %while3A_257 : i32
    %while3A_259 = arith.constant 1 : i32
    %while3A_260 = scf.for %while3A_383 = %while3A_251 to %while3A_258 step %while3A_259 iter_args(%while3A_384 = %while3A_252) -> (i32)  : i32 {
      %add3A_385 = arith.constant 1 : i32
      %add3A_386 = arith.addi %while3A_383, %add3A_385 : i32
      %mul3A_387 = arith.constant 128 : i32
      %mul3A_388 = arith.muli %add3A_386, %mul3A_387 : i32
      %add3A_389 = arith.addi %multiple_of3A_56, %mul3A_388 : i32
      %multiple_of3A_390 = tpu.assume_multiple %add3A_389, 8 : i32
      %get3A_391 = arith.index_cast %multiple_of3A_390 : i32 to index
      %get3A_392 = arith.constant 0 : index
      %get3A_393 = vector.load %arg3[%get3A_391, %get3A_392] : memref<3360x256xf32, #tpu.memory_space<vmem>>, vector<128x256xf32>
      %convert_element_type3A_394 = arith.truncf %get3A_393 : vector<128x256xf32> to vector<128x256xbf16>
      %dot_general3A_395 = arith.constant dense<0.000000e+00> : vector<128x256xf32>
      %dot_general3A_396 = tpu.matmul %convert_element_type3A_394, %convert_element_type3A_9, %dot_general3A_395 {dimension_numbers = #tpu.dot_dimension_numbers<[1], [0], [0], [1], [0, 0, 1, 1], [], []>, transpose_lhs_hint = false} : vector<128x256xbf16>, vector<256x256xbf16>, vector<128x256xf32> -> vector<128x256xf32>
      %get3A_397 = arith.constant 1 : index
      %get3A_398 = arith.constant 0 : index
      %get3A_399 = arith.constant 0 : index
      %get3A_400 = vector.load %arg5[%get3A_397, %get3A_398, %get3A_399] : memref<8x1x256xf32, #tpu.memory_space<vmem>>, vector<1x1x256xf32>
      %get3A_401 = vector.shape_cast %get3A_400 : vector<1x1x256xf32> to vector<1x256xf32>
      %add3A_402 = vector.broadcast %get3A_401 : vector<1x256xf32> to vector<128x256xf32>
      %add3A_403 = arith.addf %dot_general3A_396, %add3A_402 : vector<128x256xf32>
      %swap3A_404 = arith.index_cast %multiple_of3A_390 : i32 to index
      %swap3A_405 = arith.constant 0 : index
      %swap3A_406 = vector.load %arg6[%swap3A_404, %swap3A_405] : memref<3360x256xf32, #tpu.memory_space<vmem>>, vector<128x256xf32>
      tpu.vector_store %arg6[%swap3A_404, %swap3A_405], %add3A_403 {strides = array<i32>} : memref<3360x256xf32, #tpu.memory_space<vmem>>, vector<128x256xf32>,
      %while3A_407 = arith.constant 0 : i32
      scf.yield %while3A_407 : i32
    }
    %while3A_261 = arith.constant 1 : i32
    %while3A_262 = scf.for %while3A_383 = %while3A_258 to %while3A_254 step %while3A_261 iter_args(%while3A_384 = %while3A_260) -> (i32)  : i32 {
      %add3A_385 = arith.constant 1 : i32
      %add3A_386 = arith.addi %while3A_383, %add3A_385 : i32
      %mul3A_387 = arith.constant 128 : i32
      %mul3A_388 = arith.muli %add3A_386, %mul3A_387 : i32
      %add3A_389 = arith.addi %multiple_of3A_56, %mul3A_388 : i32
      %multiple_of3A_390 = tpu.assume_multiple %add3A_389, 8 : i32
      %get3A_391 = arith.index_cast %multiple_of3A_390 : i32 to index
      %get3A_392 = arith.constant 0 : index
      %get3A_393 = vector.load %arg3[%get3A_391, %get3A_392] : memref<3360x256xf32, #tpu.memory_space<vmem>>, vector<128x256xf32>
      %convert_element_type3A_394 = arith.truncf %get3A_393 : vector<128x256xf32> to vector<128x256xbf16>
      %dot_general3A_395 = arith.constant dense<0.000000e+00> : vector<128x256xf32>
      %dot_general3A_396 = tpu.matmul %convert_element_type3A_394, %convert_element_type3A_9, %dot_general3A_395 {dimension_numbers = #tpu.dot_dimension_numbers<[1], [0], [0], [1], [0, 0, 1, 1], [], []>, transpose_lhs_hint = false} : vector<128x256xbf16>, vector<256x256xbf16>, vector<128x256xf32> -> vector<128x256xf32>
      %get3A_397 = arith.constant 1 : index
      %get3A_398 = arith.constant 0 : index
      %get3A_399 = arith.constant 0 : index
      %get3A_400 = vector.load %arg5[%get3A_397, %get3A_398, %get3A_399] : memref<8x1x256xf32, #tpu.memory_space<vmem>>, vector<1x1x256xf32>
      %get3A_401 = vector.shape_cast %get3A_400 : vector<1x1x256xf32> to vector<1x256xf32>
      %add3A_402 = vector.broadcast %get3A_401 : vector<1x256xf32> to vector<128x256xf32>
      %add3A_403 = arith.addf %dot_general3A_396, %add3A_402 : vector<128x256xf32>
      %swap3A_404 = arith.index_cast %multiple_of3A_390 : i32 to index
      %swap3A_405 = arith.constant 0 : index
      %swap3A_406 = vector.load %arg6[%swap3A_404, %swap3A_405] : memref<3360x256xf32, #tpu.memory_space<vmem>>, vector<128x256xf32>
      tpu.vector_store %arg6[%swap3A_404, %swap3A_405], %add3A_403 {strides = array<i32>} : memref<3360x256xf32, #tpu.memory_space<vmem>>, vector<128x256xf32>,
      %while3A_407 = arith.constant 0 : i32
      scf.yield %while3A_407 : i32
    }
    %mul3A_263 = arith.constant 8 : i32
    %mul3A_264 = arith.muli %arg0, %mul3A_263 : i32
    %add3A_265 = arith.constant 2 : i32
    %add3A_266 = arith.addi %mul3A_264, %add3A_265 : i32
    %get3A_267 = arith.index_cast %add3A_266 : i32 to index
    %get3A_268 = memref.load %arg2[%get3A_267] : memref<64xi32, #tpu.memory_space<smem>>
    %sub3A_269 = arith.constant 1 : i32
    %sub3A_270 = arith.subi %get3A_268, %sub3A_269 : i32
    %while3A_271 = arith.constant 0 : i32
    %while3A_272 = arith.constant 0 : i32
    %while3A_273 = arith.subi %sub3A_270, %while3A_271 : i32
    %while3A_274 = arith.addi %while3A_271, %while3A_273 : i32
    %while3A_275 = arith.constant 1 : i32
    %while3A_276 = arith.divsi %while3A_273, %while3A_275 : i32
    %while3A_277 = arith.muli %while3A_276, %while3A_275 : i32
    %while3A_278 = arith.addi %while3A_271, %while3A_277 : i32
    %while3A_279 = arith.constant 1 : i32
    %while3A_280 = scf.for %while3A_383 = %while3A_271 to %while3A_278 step %while3A_279 iter_args(%while3A_384 = %while3A_272) -> (i32)  : i32 {
      %add3A_385 = arith.constant 1 : i32
      %add3A_386 = arith.addi %while3A_383, %add3A_385 : i32
      %mul3A_387 = arith.constant 128 : i32
      %mul3A_388 = arith.muli %add3A_386, %mul3A_387 : i32
      %add3A_389 = arith.addi %multiple_of3A_63, %mul3A_388 : i32
      %multiple_of3A_390 = tpu.assume_multiple %add3A_389, 8 : i32
      %get3A_391 = arith.index_cast %multiple_of3A_390 : i32 to index
      %get3A_392 = arith.constant 0 : index
      %get3A_393 = vector.load %arg3[%get3A_391, %get3A_392] : memref<3360x256xf32, #tpu.memory_space<vmem>>, vector<128x256xf32>
      %convert_element_type3A_394 = arith.truncf %get3A_393 : vector<128x256xf32> to vector<128x256xbf16>
      %dot_general3A_395 = arith.constant dense<0.000000e+00> : vector<128x256xf32>
      %dot_general3A_396 = tpu.matmul %convert_element_type3A_394, %convert_element_type3A_15, %dot_general3A_395 {dimension_numbers = #tpu.dot_dimension_numbers<[1], [0], [0], [1], [0, 0, 1, 1], [], []>, transpose_lhs_hint = false} : vector<128x256xbf16>, vector<256x256xbf16>, vector<128x256xf32> -> vector<128x256xf32>
      %get3A_397 = arith.constant 2 : index
      %get3A_398 = arith.constant 0 : index
      %get3A_399 = arith.constant 0 : index
      %get3A_400 = vector.load %arg5[%get3A_397, %get3A_398, %get3A_399] : memref<8x1x256xf32, #tpu.memory_space<vmem>>, vector<1x1x256xf32>
      %get3A_401 = vector.shape_cast %get3A_400 : vector<1x1x256xf32> to vector<1x256xf32>
      %add3A_402 = vector.broadcast %get3A_401 : vector<1x256xf32> to vector<128x256xf32>
      %add3A_403 = arith.addf %dot_general3A_396, %add3A_402 : vector<128x256xf32>
      %swap3A_404 = arith.index_cast %multiple_of3A_390 : i32 to index
      %swap3A_405 = arith.constant 0 : index
      %swap3A_406 = vector.load %arg6[%swap3A_404, %swap3A_405] : memref<3360x256xf32, #tpu.memory_space<vmem>>, vector<128x256xf32>
      tpu.vector_store %arg6[%swap3A_404, %swap3A_405], %add3A_403 {strides = array<i32>} : memref<3360x256xf32, #tpu.memory_space<vmem>>, vector<128x256xf32>,
      %while3A_407 = arith.constant 0 : i32
      scf.yield %while3A_407 : i32
    }
    %while3A_281 = arith.constant 1 : i32
    %while3A_282 = scf.for %while3A_383 = %while3A_278 to %while3A_274 step %while3A_281 iter_args(%while3A_384 = %while3A_280) -> (i32)  : i32 {
      %add3A_385 = arith.constant 1 : i32
      %add3A_386 = arith.addi %while3A_383, %add3A_385 : i32
      %mul3A_387 = arith.constant 128 : i32
      %mul3A_388 = arith.muli %add3A_386, %mul3A_387 : i32
      %add3A_389 = arith.addi %multiple_of3A_63, %mul3A_388 : i32
      %multiple_of3A_390 = tpu.assume_multiple %add3A_389, 8 : i32
      %get3A_391 = arith.index_cast %multiple_of3A_390 : i32 to index
      %get3A_392 = arith.constant 0 : index
      %get3A_393 = vector.load %arg3[%get3A_391, %get3A_392] : memref<3360x256xf32, #tpu.memory_space<vmem>>, vector<128x256xf32>
      %convert_element_type3A_394 = arith.truncf %get3A_393 : vector<128x256xf32> to vector<128x256xbf16>
      %dot_general3A_395 = arith.constant dense<0.000000e+00> : vector<128x256xf32>
      %dot_general3A_396 = tpu.matmul %convert_element_type3A_394, %convert_element_type3A_15, %dot_general3A_395 {dimension_numbers = #tpu.dot_dimension_numbers<[1], [0], [0], [1], [0, 0, 1, 1], [], []>, transpose_lhs_hint = false} : vector<128x256xbf16>, vector<256x256xbf16>, vector<128x256xf32> -> vector<128x256xf32>
      %get3A_397 = arith.constant 2 : index
      %get3A_398 = arith.constant 0 : index
      %get3A_399 = arith.constant 0 : index
      %get3A_400 = vector.load %arg5[%get3A_397, %get3A_398, %get3A_399] : memref<8x1x256xf32, #tpu.memory_space<vmem>>, vector<1x1x256xf32>
      %get3A_401 = vector.shape_cast %get3A_400 : vector<1x1x256xf32> to vector<1x256xf32>
      %add3A_402 = vector.broadcast %get3A_401 : vector<1x256xf32> to vector<128x256xf32>
      %add3A_403 = arith.addf %dot_general3A_396, %add3A_402 : vector<128x256xf32>
      %swap3A_404 = arith.index_cast %multiple_of3A_390 : i32 to index
      %swap3A_405 = arith.constant 0 : index
      %swap3A_406 = vector.load %arg6[%swap3A_404, %swap3A_405] : memref<3360x256xf32, #tpu.memory_space<vmem>>, vector<128x256xf32>
      tpu.vector_store %arg6[%swap3A_404, %swap3A_405], %add3A_403 {strides = array<i32>} : memref<3360x256xf32, #tpu.memory_space<vmem>>, vector<128x256xf32>,
      %while3A_407 = arith.constant 0 : i32
      scf.yield %while3A_407 : i32
    }
    %mul3A_283 = arith.constant 8 : i32
    %mul3A_284 = arith.muli %arg0, %mul3A_283 : i32
    %add3A_285 = arith.constant 3 : i32
    %add3A_286 = arith.addi %mul3A_284, %add3A_285 : i32
    %get3A_287 = arith.index_cast %add3A_286 : i32 to index
    %get3A_288 = memref.load %arg2[%get3A_287] : memref<64xi32, #tpu.memory_space<smem>>
    %sub3A_289 = arith.constant 1 : i32
    %sub3A_290 = arith.subi %get3A_288, %sub3A_289 : i32
    %while3A_291 = arith.constant 0 : i32
    %while3A_292 = arith.constant 0 : i32
    %while3A_293 = arith.subi %sub3A_290, %while3A_291 : i32
    %while3A_294 = arith.addi %while3A_291, %while3A_293 : i32
    %while3A_295 = arith.constant 1 : i32
    %while3A_296 = arith.divsi %while3A_293, %while3A_295 : i32
    %while3A_297 = arith.muli %while3A_296, %while3A_295 : i32
    %while3A_298 = arith.addi %while3A_291, %while3A_297 : i32
    %while3A_299 = arith.constant 1 : i32
    %while3A_300 = scf.for %while3A_383 = %while3A_291 to %while3A_298 step %while3A_299 iter_args(%while3A_384 = %while3A_292) -> (i32)  : i32 {
      %add3A_385 = arith.constant 1 : i32
      %add3A_386 = arith.addi %while3A_383, %add3A_385 : i32
      %mul3A_387 = arith.constant 128 : i32
      %mul3A_388 = arith.muli %add3A_386, %mul3A_387 : i32
      %add3A_389 = arith.addi %multiple_of3A_70, %mul3A_388 : i32
      %multiple_of3A_390 = tpu.assume_multiple %add3A_389, 8 : i32
      %get3A_391 = arith.index_cast %multiple_of3A_390 : i32 to index
      %get3A_392 = arith.constant 0 : index
      %get3A_393 = vector.load %arg3[%get3A_391, %get3A_392] : memref<3360x256xf32, #tpu.memory_space<vmem>>, vector<128x256xf32>
      %convert_element_type3A_394 = arith.truncf %get3A_393 : vector<128x256xf32> to vector<128x256xbf16>
      %dot_general3A_395 = arith.constant dense<0.000000e+00> : vector<128x256xf32>
      %dot_general3A_396 = tpu.matmul %convert_element_type3A_394, %convert_element_type3A_21, %dot_general3A_395 {dimension_numbers = #tpu.dot_dimension_numbers<[1], [0], [0], [1], [0, 0, 1, 1], [], []>, transpose_lhs_hint = false} : vector<128x256xbf16>, vector<256x256xbf16>, vector<128x256xf32> -> vector<128x256xf32>
      %get3A_397 = arith.constant 3 : index
      %get3A_398 = arith.constant 0 : index
      %get3A_399 = arith.constant 0 : index
      %get3A_400 = vector.load %arg5[%get3A_397, %get3A_398, %get3A_399] : memref<8x1x256xf32, #tpu.memory_space<vmem>>, vector<1x1x256xf32>
      %get3A_401 = vector.shape_cast %get3A_400 : vector<1x1x256xf32> to vector<1x256xf32>
      %add3A_402 = vector.broadcast %get3A_401 : vector<1x256xf32> to vector<128x256xf32>
      %add3A_403 = arith.addf %dot_general3A_396, %add3A_402 : vector<128x256xf32>
      %swap3A_404 = arith.index_cast %multiple_of3A_390 : i32 to index
      %swap3A_405 = arith.constant 0 : index
      %swap3A_406 = vector.load %arg6[%swap3A_404, %swap3A_405] : memref<3360x256xf32, #tpu.memory_space<vmem>>, vector<128x256xf32>
      tpu.vector_store %arg6[%swap3A_404, %swap3A_405], %add3A_403 {strides = array<i32>} : memref<3360x256xf32, #tpu.memory_space<vmem>>, vector<128x256xf32>,
      %while3A_407 = arith.constant 0 : i32
      scf.yield %while3A_407 : i32
    }
    %while3A_301 = arith.constant 1 : i32
    %while3A_302 = scf.for %while3A_383 = %while3A_298 to %while3A_294 step %while3A_301 iter_args(%while3A_384 = %while3A_300) -> (i32)  : i32 {
      %add3A_385 = arith.constant 1 : i32
      %add3A_386 = arith.addi %while3A_383, %add3A_385 : i32
      %mul3A_387 = arith.constant 128 : i32
      %mul3A_388 = arith.muli %add3A_386, %mul3A_387 : i32
      %add3A_389 = arith.addi %multiple_of3A_70, %mul3A_388 : i32
      %multiple_of3A_390 = tpu.assume_multiple %add3A_389, 8 : i32
      %get3A_391 = arith.index_cast %multiple_of3A_390 : i32 to index
      %get3A_392 = arith.constant 0 : index
      %get3A_393 = vector.load %arg3[%get3A_391, %get3A_392] : memref<3360x256xf32, #tpu.memory_space<vmem>>, vector<128x256xf32>
      %convert_element_type3A_394 = arith.truncf %get3A_393 : vector<128x256xf32> to vector<128x256xbf16>
      %dot_general3A_395 = arith.constant dense<0.000000e+00> : vector<128x256xf32>
      %dot_general3A_396 = tpu.matmul %convert_element_type3A_394, %convert_element_type3A_21, %dot_general3A_395 {dimension_numbers = #tpu.dot_dimension_numbers<[1], [0], [0], [1], [0, 0, 1, 1], [], []>, transpose_lhs_hint = false} : vector<128x256xbf16>, vector<256x256xbf16>, vector<128x256xf32> -> vector<128x256xf32>
      %get3A_397 = arith.constant 3 : index
      %get3A_398 = arith.constant 0 : index
      %get3A_399 = arith.constant 0 : index
      %get3A_400 = vector.load %arg5[%get3A_397, %get3A_398, %get3A_399] : memref<8x1x256xf32, #tpu.memory_space<vmem>>, vector<1x1x256xf32>
      %get3A_401 = vector.shape_cast %get3A_400 : vector<1x1x256xf32> to vector<1x256xf32>
      %add3A_402 = vector.broadcast %get3A_401 : vector<1x256xf32> to vector<128x256xf32>
      %add3A_403 = arith.addf %dot_general3A_396, %add3A_402 : vector<128x256xf32>
      %swap3A_404 = arith.index_cast %multiple_of3A_390 : i32 to index
      %swap3A_405 = arith.constant 0 : index
      %swap3A_406 = vector.load %arg6[%swap3A_404, %swap3A_405] : memref<3360x256xf32, #tpu.memory_space<vmem>>, vector<128x256xf32>
      tpu.vector_store %arg6[%swap3A_404, %swap3A_405], %add3A_403 {strides = array<i32>} : memref<3360x256xf32, #tpu.memory_space<vmem>>, vector<128x256xf32>,
      %while3A_407 = arith.constant 0 : i32
      scf.yield %while3A_407 : i32
    }
    %mul3A_303 = arith.constant 8 : i32
    %mul3A_304 = arith.muli %arg0, %mul3A_303 : i32
    %add3A_305 = arith.constant 4 : i32
    %add3A_306 = arith.addi %mul3A_304, %add3A_305 : i32
    %get3A_307 = arith.index_cast %add3A_306 : i32 to index
    %get3A_308 = memref.load %arg2[%get3A_307] : memref<64xi32, #tpu.memory_space<smem>>
    %sub3A_309 = arith.constant 1 : i32
    %sub3A_310 = arith.subi %get3A_308, %sub3A_309 : i32
    %while3A_311 = arith.constant 0 : i32
    %while3A_312 = arith.constant 0 : i32
    %while3A_313 = arith.subi %sub3A_310, %while3A_311 : i32
    %while3A_314 = arith.addi %while3A_311, %while3A_313 : i32
    %while3A_315 = arith.constant 1 : i32
    %while3A_316 = arith.divsi %while3A_313, %while3A_315 : i32
    %while3A_317 = arith.muli %while3A_316, %while3A_315 : i32
    %while3A_318 = arith.addi %while3A_311, %while3A_317 : i32
    %while3A_319 = arith.constant 1 : i32
    %while3A_320 = scf.for %while3A_383 = %while3A_311 to %while3A_318 step %while3A_319 iter_args(%while3A_384 = %while3A_312) -> (i32)  : i32 {
      %add3A_385 = arith.constant 1 : i32
      %add3A_386 = arith.addi %while3A_383, %add3A_385 : i32
      %mul3A_387 = arith.constant 128 : i32
      %mul3A_388 = arith.muli %add3A_386, %mul3A_387 : i32
      %add3A_389 = arith.addi %multiple_of3A_77, %mul3A_388 : i32
      %multiple_of3A_390 = tpu.assume_multiple %add3A_389, 8 : i32
      %get3A_391 = arith.index_cast %multiple_of3A_390 : i32 to index
      %get3A_392 = arith.constant 0 : index
      %get3A_393 = vector.load %arg3[%get3A_391, %get3A_392] : memref<3360x256xf32, #tpu.memory_space<vmem>>, vector<128x256xf32>
      %convert_element_type3A_394 = arith.truncf %get3A_393 : vector<128x256xf32> to vector<128x256xbf16>
      %dot_general3A_395 = arith.constant dense<0.000000e+00> : vector<128x256xf32>
      %dot_general3A_396 = tpu.matmul %convert_element_type3A_394, %convert_element_type3A_27, %dot_general3A_395 {dimension_numbers = #tpu.dot_dimension_numbers<[1], [0], [0], [1], [0, 0, 1, 1], [], []>, transpose_lhs_hint = false} : vector<128x256xbf16>, vector<256x256xbf16>, vector<128x256xf32> -> vector<128x256xf32>
      %get3A_397 = arith.constant 4 : index
      %get3A_398 = arith.constant 0 : index
      %get3A_399 = arith.constant 0 : index
      %get3A_400 = vector.load %arg5[%get3A_397, %get3A_398, %get3A_399] : memref<8x1x256xf32, #tpu.memory_space<vmem>>, vector<1x1x256xf32>
      %get3A_401 = vector.shape_cast %get3A_400 : vector<1x1x256xf32> to vector<1x256xf32>
      %add3A_402 = vector.broadcast %get3A_401 : vector<1x256xf32> to vector<128x256xf32>
      %add3A_403 = arith.addf %dot_general3A_396, %add3A_402 : vector<128x256xf32>
      %swap3A_404 = arith.index_cast %multiple_of3A_390 : i32 to index
      %swap3A_405 = arith.constant 0 : index
      %swap3A_406 = vector.load %arg6[%swap3A_404, %swap3A_405] : memref<3360x256xf32, #tpu.memory_space<vmem>>, vector<128x256xf32>
      tpu.vector_store %arg6[%swap3A_404, %swap3A_405], %add3A_403 {strides = array<i32>} : memref<3360x256xf32, #tpu.memory_space<vmem>>, vector<128x256xf32>,
      %while3A_407 = arith.constant 0 : i32
      scf.yield %while3A_407 : i32
    }
    %while3A_321 = arith.constant 1 : i32
    %while3A_322 = scf.for %while3A_383 = %while3A_318 to %while3A_314 step %while3A_321 iter_args(%while3A_384 = %while3A_320) -> (i32)  : i32 {
      %add3A_385 = arith.constant 1 : i32
      %add3A_386 = arith.addi %while3A_383, %add3A_385 : i32
      %mul3A_387 = arith.constant 128 : i32
      %mul3A_388 = arith.muli %add3A_386, %mul3A_387 : i32
      %add3A_389 = arith.addi %multiple_of3A_77, %mul3A_388 : i32
      %multiple_of3A_390 = tpu.assume_multiple %add3A_389, 8 : i32
      %get3A_391 = arith.index_cast %multiple_of3A_390 : i32 to index
      %get3A_392 = arith.constant 0 : index
      %get3A_393 = vector.load %arg3[%get3A_391, %get3A_392] : memref<3360x256xf32, #tpu.memory_space<vmem>>, vector<128x256xf32>
      %convert_element_type3A_394 = arith.truncf %get3A_393 : vector<128x256xf32> to vector<128x256xbf16>
      %dot_general3A_395 = arith.constant dense<0.000000e+00> : vector<128x256xf32>
      %dot_general3A_396 = tpu.matmul %convert_element_type3A_394, %convert_element_type3A_27, %dot_general3A_395 {dimension_numbers = #tpu.dot_dimension_numbers<[1], [0], [0], [1], [0, 0, 1, 1], [], []>, transpose_lhs_hint = false} : vector<128x256xbf16>, vector<256x256xbf16>, vector<128x256xf32> -> vector<128x256xf32>
      %get3A_397 = arith.constant 4 : index
      %get3A_398 = arith.constant 0 : index
      %get3A_399 = arith.constant 0 : index
      %get3A_400 = vector.load %arg5[%get3A_397, %get3A_398, %get3A_399] : memref<8x1x256xf32, #tpu.memory_space<vmem>>, vector<1x1x256xf32>
      %get3A_401 = vector.shape_cast %get3A_400 : vector<1x1x256xf32> to vector<1x256xf32>
      %add3A_402 = vector.broadcast %get3A_401 : vector<1x256xf32> to vector<128x256xf32>
      %add3A_403 = arith.addf %dot_general3A_396, %add3A_402 : vector<128x256xf32>
      %swap3A_404 = arith.index_cast %multiple_of3A_390 : i32 to index
      %swap3A_405 = arith.constant 0 : index
      %swap3A_406 = vector.load %arg6[%swap3A_404, %swap3A_405] : memref<3360x256xf32, #tpu.memory_space<vmem>>, vector<128x256xf32>
      tpu.vector_store %arg6[%swap3A_404, %swap3A_405], %add3A_403 {strides = array<i32>} : memref<3360x256xf32, #tpu.memory_space<vmem>>, vector<128x256xf32>,
      %while3A_407 = arith.constant 0 : i32
      scf.yield %while3A_407 : i32
    }
    %mul3A_323 = arith.constant 8 : i32
    %mul3A_324 = arith.muli %arg0, %mul3A_323 : i32
    %add3A_325 = arith.constant 5 : i32
    %add3A_326 = arith.addi %mul3A_324, %add3A_325 : i32
    %get3A_327 = arith.index_cast %add3A_326 : i32 to index
    %get3A_328 = memref.load %arg2[%get3A_327] : memref<64xi32, #tpu.memory_space<smem>>
    %sub3A_329 = arith.constant 1 : i32
    %sub3A_330 = arith.subi %get3A_328, %sub3A_329 : i32
    %while3A_331 = arith.constant 0 : i32
    %while3A_332 = arith.constant 0 : i32
    %while3A_333 = arith.subi %sub3A_330, %while3A_331 : i32
    %while3A_334 = arith.addi %while3A_331, %while3A_333 : i32
    %while3A_335 = arith.constant 1 : i32
    %while3A_336 = arith.divsi %while3A_333, %while3A_335 : i32
    %while3A_337 = arith.muli %while3A_336, %while3A_335 : i32
    %while3A_338 = arith.addi %while3A_331, %while3A_337 : i32
    %while3A_339 = arith.constant 1 : i32
    %while3A_340 = scf.for %while3A_383 = %while3A_331 to %while3A_338 step %while3A_339 iter_args(%while3A_384 = %while3A_332) -> (i32)  : i32 {
      %add3A_385 = arith.constant 1 : i32
      %add3A_386 = arith.addi %while3A_383, %add3A_385 : i32
      %mul3A_387 = arith.constant 128 : i32
      %mul3A_388 = arith.muli %add3A_386, %mul3A_387 : i32
      %add3A_389 = arith.addi %multiple_of3A_84, %mul3A_388 : i32
      %multiple_of3A_390 = tpu.assume_multiple %add3A_389, 8 : i32
      %get3A_391 = arith.index_cast %multiple_of3A_390 : i32 to index
      %get3A_392 = arith.constant 0 : index
      %get3A_393 = vector.load %arg3[%get3A_391, %get3A_392] : memref<3360x256xf32, #tpu.memory_space<vmem>>, vector<128x256xf32>
      %convert_element_type3A_394 = arith.truncf %get3A_393 : vector<128x256xf32> to vector<128x256xbf16>
      %dot_general3A_395 = arith.constant dense<0.000000e+00> : vector<128x256xf32>
      %dot_general3A_396 = tpu.matmul %convert_element_type3A_394, %convert_element_type3A_33, %dot_general3A_395 {dimension_numbers = #tpu.dot_dimension_numbers<[1], [0], [0], [1], [0, 0, 1, 1], [], []>, transpose_lhs_hint = false} : vector<128x256xbf16>, vector<256x256xbf16>, vector<128x256xf32> -> vector<128x256xf32>
      %get3A_397 = arith.constant 5 : index
      %get3A_398 = arith.constant 0 : index
      %get3A_399 = arith.constant 0 : index
      %get3A_400 = vector.load %arg5[%get3A_397, %get3A_398, %get3A_399] : memref<8x1x256xf32, #tpu.memory_space<vmem>>, vector<1x1x256xf32>
      %get3A_401 = vector.shape_cast %get3A_400 : vector<1x1x256xf32> to vector<1x256xf32>
      %add3A_402 = vector.broadcast %get3A_401 : vector<1x256xf32> to vector<128x256xf32>
      %add3A_403 = arith.addf %dot_general3A_396, %add3A_402 : vector<128x256xf32>
      %swap3A_404 = arith.index_cast %multiple_of3A_390 : i32 to index
      %swap3A_405 = arith.constant 0 : index
      %swap3A_406 = vector.load %arg6[%swap3A_404, %swap3A_405] : memref<3360x256xf32, #tpu.memory_space<vmem>>, vector<128x256xf32>
      tpu.vector_store %arg6[%swap3A_404, %swap3A_405], %add3A_403 {strides = array<i32>} : memref<3360x256xf32, #tpu.memory_space<vmem>>, vector<128x256xf32>,
      %while3A_407 = arith.constant 0 : i32
      scf.yield %while3A_407 : i32
    }
    %while3A_341 = arith.constant 1 : i32
    %while3A_342 = scf.for %while3A_383 = %while3A_338 to %while3A_334 step %while3A_341 iter_args(%while3A_384 = %while3A_340) -> (i32)  : i32 {
      %add3A_385 = arith.constant 1 : i32
      %add3A_386 = arith.addi %while3A_383, %add3A_385 : i32
      %mul3A_387 = arith.constant 128 : i32
      %mul3A_388 = arith.muli %add3A_386, %mul3A_387 : i32
      %add3A_389 = arith.addi %multiple_of3A_84, %mul3A_388 : i32
      %multiple_of3A_390 = tpu.assume_multiple %add3A_389, 8 : i32
      %get3A_391 = arith.index_cast %multiple_of3A_390 : i32 to index
      %get3A_392 = arith.constant 0 : index
      %get3A_393 = vector.load %arg3[%get3A_391, %get3A_392] : memref<3360x256xf32, #tpu.memory_space<vmem>>, vector<128x256xf32>
      %convert_element_type3A_394 = arith.truncf %get3A_393 : vector<128x256xf32> to vector<128x256xbf16>
      %dot_general3A_395 = arith.constant dense<0.000000e+00> : vector<128x256xf32>
      %dot_general3A_396 = tpu.matmul %convert_element_type3A_394, %convert_element_type3A_33, %dot_general3A_395 {dimension_numbers = #tpu.dot_dimension_numbers<[1], [0], [0], [1], [0, 0, 1, 1], [], []>, transpose_lhs_hint = false} : vector<128x256xbf16>, vector<256x256xbf16>, vector<128x256xf32> -> vector<128x256xf32>
      %get3A_397 = arith.constant 5 : index
      %get3A_398 = arith.constant 0 : index
      %get3A_399 = arith.constant 0 : index
      %get3A_400 = vector.load %arg5[%get3A_397, %get3A_398, %get3A_399] : memref<8x1x256xf32, #tpu.memory_space<vmem>>, vector<1x1x256xf32>
      %get3A_401 = vector.shape_cast %get3A_400 : vector<1x1x256xf32> to vector<1x256xf32>
      %add3A_402 = vector.broadcast %get3A_401 : vector<1x256xf32> to vector<128x256xf32>
      %add3A_403 = arith.addf %dot_general3A_396, %add3A_402 : vector<128x256xf32>
      %swap3A_404 = arith.index_cast %multiple_of3A_390 : i32 to index
      %swap3A_405 = arith.constant 0 : index
      %swap3A_406 = vector.load %arg6[%swap3A_404, %swap3A_405] : memref<3360x256xf32, #tpu.memory_space<vmem>>, vector<128x256xf32>
      tpu.vector_store %arg6[%swap3A_404, %swap3A_405], %add3A_403 {strides = array<i32>} : memref<3360x256xf32, #tpu.memory_space<vmem>>, vector<128x256xf32>,
      %while3A_407 = arith.constant 0 : i32
      scf.yield %while3A_407 : i32
    }
    %mul3A_343 = arith.constant 8 : i32
    %mul3A_344 = arith.muli %arg0, %mul3A_343 : i32
    %add3A_345 = arith.constant 6 : i32
    %add3A_346 = arith.addi %mul3A_344, %add3A_345 : i32
    %get3A_347 = arith.index_cast %add3A_346 : i32 to index
    %get3A_348 = memref.load %arg2[%get3A_347] : memref<64xi32, #tpu.memory_space<smem>>
    %sub3A_349 = arith.constant 1 : i32
    %sub3A_350 = arith.subi %get3A_348, %sub3A_349 : i32
    %while3A_351 = arith.constant 0 : i32
    %while3A_352 = arith.constant 0 : i32
    %while3A_353 = arith.subi %sub3A_350, %while3A_351 : i32
    %while3A_354 = arith.addi %while3A_351, %while3A_353 : i32
    %while3A_355 = arith.constant 1 : i32
    %while3A_356 = arith.divsi %while3A_353, %while3A_355 : i32
    %while3A_357 = arith.muli %while3A_356, %while3A_355 : i32
    %while3A_358 = arith.addi %while3A_351, %while3A_357 : i32
    %while3A_359 = arith.constant 1 : i32
    %while3A_360 = scf.for %while3A_383 = %while3A_351 to %while3A_358 step %while3A_359 iter_args(%while3A_384 = %while3A_352) -> (i32)  : i32 {
      %add3A_385 = arith.constant 1 : i32
      %add3A_386 = arith.addi %while3A_383, %add3A_385 : i32
      %mul3A_387 = arith.constant 128 : i32
      %mul3A_388 = arith.muli %add3A_386, %mul3A_387 : i32
      %add3A_389 = arith.addi %multiple_of3A_91, %mul3A_388 : i32
      %multiple_of3A_390 = tpu.assume_multiple %add3A_389, 8 : i32
      %get3A_391 = arith.index_cast %multiple_of3A_390 : i32 to index
      %get3A_392 = arith.constant 0 : index
      %get3A_393 = vector.load %arg3[%get3A_391, %get3A_392] : memref<3360x256xf32, #tpu.memory_space<vmem>>, vector<128x256xf32>
      %convert_element_type3A_394 = arith.truncf %get3A_393 : vector<128x256xf32> to vector<128x256xbf16>
      %dot_general3A_395 = arith.constant dense<0.000000e+00> : vector<128x256xf32>
      %dot_general3A_396 = tpu.matmul %convert_element_type3A_394, %convert_element_type3A_39, %dot_general3A_395 {dimension_numbers = #tpu.dot_dimension_numbers<[1], [0], [0], [1], [0, 0, 1, 1], [], []>, transpose_lhs_hint = false} : vector<128x256xbf16>, vector<256x256xbf16>, vector<128x256xf32> -> vector<128x256xf32>
      %get3A_397 = arith.constant 6 : index
      %get3A_398 = arith.constant 0 : index
      %get3A_399 = arith.constant 0 : index
      %get3A_400 = vector.load %arg5[%get3A_397, %get3A_398, %get3A_399] : memref<8x1x256xf32, #tpu.memory_space<vmem>>, vector<1x1x256xf32>
      %get3A_401 = vector.shape_cast %get3A_400 : vector<1x1x256xf32> to vector<1x256xf32>
      %add3A_402 = vector.broadcast %get3A_401 : vector<1x256xf32> to vector<128x256xf32>
      %add3A_403 = arith.addf %dot_general3A_396, %add3A_402 : vector<128x256xf32>
      %swap3A_404 = arith.index_cast %multiple_of3A_390 : i32 to index
      %swap3A_405 = arith.constant 0 : index
      %swap3A_406 = vector.load %arg6[%swap3A_404, %swap3A_405] : memref<3360x256xf32, #tpu.memory_space<vmem>>, vector<128x256xf32>
      tpu.vector_store %arg6[%swap3A_404, %swap3A_405], %add3A_403 {strides = array<i32>} : memref<3360x256xf32, #tpu.memory_space<vmem>>, vector<128x256xf32>,
      %while3A_407 = arith.constant 0 : i32
      scf.yield %while3A_407 : i32
    }
    %while3A_361 = arith.constant 1 : i32
    %while3A_362 = scf.for %while3A_383 = %while3A_358 to %while3A_354 step %while3A_361 iter_args(%while3A_384 = %while3A_360) -> (i32)  : i32 {
      %add3A_385 = arith.constant 1 : i32
      %add3A_386 = arith.addi %while3A_383, %add3A_385 : i32
      %mul3A_387 = arith.constant 128 : i32
      %mul3A_388 = arith.muli %add3A_386, %mul3A_387 : i32
      %add3A_389 = arith.addi %multiple_of3A_91, %mul3A_388 : i32
      %multiple_of3A_390 = tpu.assume_multiple %add3A_389, 8 : i32
      %get3A_391 = arith.index_cast %multiple_of3A_390 : i32 to index
      %get3A_392 = arith.constant 0 : index
      %get3A_393 = vector.load %arg3[%get3A_391, %get3A_392] : memref<3360x256xf32, #tpu.memory_space<vmem>>, vector<128x256xf32>
      %convert_element_type3A_394 = arith.truncf %get3A_393 : vector<128x256xf32> to vector<128x256xbf16>
      %dot_general3A_395 = arith.constant dense<0.000000e+00> : vector<128x256xf32>
      %dot_general3A_396 = tpu.matmul %convert_element_type3A_394, %convert_element_type3A_39, %dot_general3A_395 {dimension_numbers = #tpu.dot_dimension_numbers<[1], [0], [0], [1], [0, 0, 1, 1], [], []>, transpose_lhs_hint = false} : vector<128x256xbf16>, vector<256x256xbf16>, vector<128x256xf32> -> vector<128x256xf32>
      %get3A_397 = arith.constant 6 : index
      %get3A_398 = arith.constant 0 : index
      %get3A_399 = arith.constant 0 : index
      %get3A_400 = vector.load %arg5[%get3A_397, %get3A_398, %get3A_399] : memref<8x1x256xf32, #tpu.memory_space<vmem>>, vector<1x1x256xf32>
      %get3A_401 = vector.shape_cast %get3A_400 : vector<1x1x256xf32> to vector<1x256xf32>
      %add3A_402 = vector.broadcast %get3A_401 : vector<1x256xf32> to vector<128x256xf32>
      %add3A_403 = arith.addf %dot_general3A_396, %add3A_402 : vector<128x256xf32>
      %swap3A_404 = arith.index_cast %multiple_of3A_390 : i32 to index
      %swap3A_405 = arith.constant 0 : index
      %swap3A_406 = vector.load %arg6[%swap3A_404, %swap3A_405] : memref<3360x256xf32, #tpu.memory_space<vmem>>, vector<128x256xf32>
      tpu.vector_store %arg6[%swap3A_404, %swap3A_405], %add3A_403 {strides = array<i32>} : memref<3360x256xf32, #tpu.memory_space<vmem>>, vector<128x256xf32>,
      %while3A_407 = arith.constant 0 : i32
      scf.yield %while3A_407 : i32
    }
    %mul3A_363 = arith.constant 8 : i32
    %mul3A_364 = arith.muli %arg0, %mul3A_363 : i32
    %add3A_365 = arith.constant 7 : i32
    %add3A_366 = arith.addi %mul3A_364, %add3A_365 : i32
    %get3A_367 = arith.index_cast %add3A_366 : i32 to index
    %get3A_368 = memref.load %arg2[%get3A_367] : memref<64xi32, #tpu.memory_space<smem>>
    %sub3A_369 = arith.constant 1 : i32
    %sub3A_370 = arith.subi %get3A_368, %sub3A_369 : i32
    %while3A_371 = arith.constant 0 : i32
    %while3A_372 = arith.constant 0 : i32
    %while3A_373 = arith.subi %sub3A_370, %while3A_371 : i32
    %while3A_374 = arith.addi %while3A_371, %while3A_373 : i32
    %while3A_375 = arith.constant 1 : i32
    %while3A_376 = arith.divsi %while3A_373, %while3A_375 : i32
    %while3A_377 = arith.muli %while3A_376, %while3A_375 : i32
    %while3A_378 = arith.addi %while3A_371, %while3A_377 : i32
    %while3A_379 = arith.constant 1 : i32
    %while3A_380 = scf.for %while3A_383 = %while3A_371 to %while3A_378 step %while3A_379 iter_args(%while3A_384 = %while3A_372) -> (i32)  : i32 {
      %add3A_385 = arith.constant 1 : i32
      %add3A_386 = arith.addi %while3A_383, %add3A_385 : i32
      %mul3A_387 = arith.constant 128 : i32
      %mul3A_388 = arith.muli %add3A_386, %mul3A_387 : i32
      %add3A_389 = arith.addi %multiple_of3A_98, %mul3A_388 : i32
      %multiple_of3A_390 = tpu.assume_multiple %add3A_389, 8 : i32
      %get3A_391 = arith.index_cast %multiple_of3A_390 : i32 to index
      %get3A_392 = arith.constant 0 : index
      %get3A_393 = vector.load %arg3[%get3A_391, %get3A_392] : memref<3360x256xf32, #tpu.memory_space<vmem>>, vector<128x256xf32>
      %convert_element_type3A_394 = arith.truncf %get3A_393 : vector<128x256xf32> to vector<128x256xbf16>
      %dot_general3A_395 = arith.constant dense<0.000000e+00> : vector<128x256xf32>
      %dot_general3A_396 = tpu.matmul %convert_element_type3A_394, %convert_element_type3A_45, %dot_general3A_395 {dimension_numbers = #tpu.dot_dimension_numbers<[1], [0], [0], [1], [0, 0, 1, 1], [], []>, transpose_lhs_hint = false} : vector<128x256xbf16>, vector<256x256xbf16>, vector<128x256xf32> -> vector<128x256xf32>
      %get3A_397 = arith.constant 7 : index
      %get3A_398 = arith.constant 0 : index
      %get3A_399 = arith.constant 0 : index
      %get3A_400 = vector.load %arg5[%get3A_397, %get3A_398, %get3A_399] : memref<8x1x256xf32, #tpu.memory_space<vmem>>, vector<1x1x256xf32>
      %get3A_401 = vector.shape_cast %get3A_400 : vector<1x1x256xf32> to vector<1x256xf32>
      %add3A_402 = vector.broadcast %get3A_401 : vector<1x256xf32> to vector<128x256xf32>
      %add3A_403 = arith.addf %dot_general3A_396, %add3A_402 : vector<128x256xf32>
      %swap3A_404 = arith.index_cast %multiple_of3A_390 : i32 to index
      %swap3A_405 = arith.constant 0 : index
      %swap3A_406 = vector.load %arg6[%swap3A_404, %swap3A_405] : memref<3360x256xf32, #tpu.memory_space<vmem>>, vector<128x256xf32>
      tpu.vector_store %arg6[%swap3A_404, %swap3A_405], %add3A_403 {strides = array<i32>} : memref<3360x256xf32, #tpu.memory_space<vmem>>, vector<128x256xf32>,
      %while3A_407 = arith.constant 0 : i32
      scf.yield %while3A_407 : i32
    }
    %while3A_381 = arith.constant 1 : i32
    %while3A_382 = scf.for %while3A_383 = %while3A_378 to %while3A_374 step %while3A_381 iter_args(%while3A_384 = %while3A_380) -> (i32)  : i32 {
      %add3A_385 = arith.constant 1 : i32
      %add3A_386 = arith.addi %while3A_383, %add3A_385 : i32
      %mul3A_387 = arith.constant 128 : i32
      %mul3A_388 = arith.muli %add3A_386, %mul3A_387 : i32
      %add3A_389 = arith.addi %multiple_of3A_98, %mul3A_388 : i32
      %multiple_of3A_390 = tpu.assume_multiple %add3A_389, 8 : i32
      %get3A_391 = arith.index_cast %multiple_of3A_390 : i32 to index
      %get3A_392 = arith.constant 0 : index
      %get3A_393 = vector.load %arg3[%get3A_391, %get3A_392] : memref<3360x256xf32, #tpu.memory_space<vmem>>, vector<128x256xf32>
      %convert_element_type3A_394 = arith.truncf %get3A_393 : vector<128x256xf32> to vector<128x256xbf16>
      %dot_general3A_395 = arith.constant dense<0.000000e+00> : vector<128x256xf32>
      %dot_general3A_396 = tpu.matmul %convert_element_type3A_394, %convert_element_type3A_45, %dot_general3A_395 {dimension_numbers = #tpu.dot_dimension_numbers<[1], [0], [0], [1], [0, 0, 1, 1], [], []>, transpose_lhs_hint = false} : vector<128x256xbf16>, vector<256x256xbf16>, vector<128x256xf32> -> vector<128x256xf32>
      %get3A_397 = arith.constant 7 : index
      %get3A_398 = arith.constant 0 : index
      %get3A_399 = arith.constant 0 : index
      %get3A_400 = vector.load %arg5[%get3A_397, %get3A_398, %get3A_399] : memref<8x1x256xf32, #tpu.memory_space<vmem>>, vector<1x1x256xf32>
      %get3A_401 = vector.shape_cast %get3A_400 : vector<1x1x256xf32> to vector<1x256xf32>
      %add3A_402 = vector.broadcast %get3A_401 : vector<1x256xf32> to vector<128x256xf32>
      %add3A_403 = arith.addf %dot_general3A_396, %add3A_402 : vector<128x256xf32>
      %swap3A_404 = arith.index_cast %multiple_of3A_390 : i32 to index
      %swap3A_405 = arith.constant 0 : index
      %swap3A_406 = vector.load %arg6[%swap3A_404, %swap3A_405] : memref<3360x256xf32, #tpu.memory_space<vmem>>, vector<128x256xf32>
      tpu.vector_store %arg6[%swap3A_404, %swap3A_405], %add3A_403 {strides = array<i32>} : memref<3360x256xf32, #tpu.memory_space<vmem>>, vector<128x256xf32>,
      %while3A_407 = arith.constant 0 : i32
      scf.yield %while3A_407 : i32
    }
    return
  }
  func.func @transform_0(%arg0: i32, %arg1: memref<64xi32, #tpu.memory_space<smem>>, %arg2: memref<64xi32, #tpu.memory_space<smem>>) -> (i32, i32) {
    %c0_i32 = arith.constant 0 : i32
    %c0_i32_0 = arith.constant 0 : i32
    %c0_i32_1 = arith.constant 0 : i32
    return %c0_i32, %c0_i32_0 : i32, i32
  }
  func.func @transform_1(%arg0: i32, %arg1: memref<64xi32, #tpu.memory_space<smem>>, %arg2: memref<64xi32, #tpu.memory_space<smem>>) -> (i32, i32, i32) {
    %c0_i32 = arith.constant 0 : i32
    %c0_i32_0 = arith.constant 0 : i32
    %c0_i32_1 = arith.constant 0 : i32
    return %arg0, %c0_i32, %c0_i32_0 : i32, i32, i32
  }
  func.func @transform_2(%arg0: i32, %arg1: memref<64xi32, #tpu.memory_space<smem>>, %arg2: memref<64xi32, #tpu.memory_space<smem>>) -> (i32, i32, i32) {
    %c0_i32 = arith.constant 0 : i32
    %c0_i32_0 = arith.constant 0 : i32
    %c0_i32_1 = arith.constant 0 : i32
    return %arg0, %c0_i32, %c0_i32_0 : i32, i32, i32
  }
  func.func @transform_3(%arg0: i32, %arg1: memref<64xi32, #tpu.memory_space<smem>>, %arg2: memref<64xi32, #tpu.memory_space<smem>>) -> (i32, i32) {
    %c0_i32 = arith.constant 0 : i32
    %c0_i32_0 = arith.constant 0 : i32
    %c0_i32_1 = arith.constant 0 : i32
    return %c0_i32, %c0_i32_0 : i32, i32
  }
}

</mosaic_0001>

<sc_bundles>
// kernel: kernel.5.cloned.1.call-start
scs
__scs_entry_jumppad:
0x0: {  	(pc) =	sbr.rel $0x88, $3  }
0x1: {  	(tag) =	ssettag $0x0;
	lr =	simm.s32 $0x1  }
0x2: {  	[smem:$0x3F9D] =	sst lr;
	_ =	strace $0xD0000000  }
0x3: {  	_ = 	snop  }
0x4: {  	_ = 	snop  }
0x5: {  	_ = 	snop  }
0x6: {  	_ = 	snop  }
0x7: {  	_ = 	snop  }
__scs_overlays_trampoline_lowered:
0x8: {  	[smem:$0x3FAC] =	sst s0  }
0x9: {  	[smem:$0x3FAD] =	sst s1  }
0xa: {  	[smem:$0x3FAE] =	sst s2  }
0xb: {  	[smem:$0x3FAF] =	sst s3  }
0xc: {  	[smem:$0x3FB0] =	sst s4  }
0xd: {  	[smem:$0x3FB1] =	sst s5  }
0xe: {  	[smem:$0x3FB2] =	sst s6  }
0xf: {  	[smem:$0x3FB3] =	sst s7  }
0x10: {  	[smem:$0x3FB4] =	sst s8  }
0x11: {  	[smem:$0x3FB5] =	sst s9;
	s0 =	simm.s32 @!p0 $0x0  }
0x12: {  	s1 =	sld [smem:$0x3F9B];
	s0 =	simm.s32 @p0 $0x1  }
0x13: {  	[smem:$0x3FB6] =	sst s0;
	s0 =	simm.s32 @!p1 $0x0  }
0x14: {  	s2 =	sld [smem:$0x3F9A];
	s0 =	simm.s32 @p1 $0x1  }
0x15: {  	[smem:$0x3FB7] =	sst s0;
	s0 =	simm.s32 @!p2 $0x0  }
0x16: {  	s3 =	sld [smem:$0x3FDB];
	s0 =	simm.s32 @p2 $0x1  }
0x17: {  	s4 =	simm.s32 $0x1BF5;
	[smem:$0x3FB9] =	sst s0  }
0x18: {  	s0 =	sld [smem:$0x3F9C];
	_ =	swait.ge [sflag:s4], $0x0  }
0x19: {  	s7 =	sld [smem:$0x3F9D]  }
0x1a: {  	s8 =	sadd.s32 $0xFFFFE003, lr  }
0x1b: {  	s9 =	sadd.s32 $0xFFFFFEF7, lr;
	s5 =	simm.s32 $0xFFFFFFFF;
	p2 =	slt.u32 s8, $0xFFFFF086  }
0x1c: {  	p1 =	slt.u32 s9, $0xF7A;
	s5 =	simm.s32 @!p2 $0x0  }
0x1d: {  	s5 =	simm.s32 @p1 $0x1;
	p0 =	seq.s32 s7, s2  }
0x1e: {  	s7 =	smul.u32 @!p0 $0xF7A, s2;
	p2 =	seq.s32 @!p0 s5, $0x0  }
0x1f: {  	s9 =	smul.u32 $0xF7A, s1;
	s8 =	simm.s32 @!p0 $0x1BF5;
	p2 =	por !p2, p0  }
0x20: {  	[sflag:s8] =	ssyncset.s32 @!p0 $0xFFFFF086;
	s6 =	sadd.s32 @!p0 s3, s7;
	s7 =	simm.s32 @!p0 $0x108  }
0x21: {  	s3 =	sadd.s32 s3, s9;
	s6 =	sadd.s32 @!p0 $0x88, s6;
	s7 =	simm.s32 @p2 $0x1082  }
0x22: {  	[simem:s7], [sflag:s8] =	dma.local @!p0 [hbm:s6], $0xF7A  }
0x23: {  	s9 =	sor.u32 $0xD0000000, s2;
	s6 =	simm.s32 $0x108;
	_ =	swait.ge @!p0 [sflag:s8], $0x0  }
0x24: {  	s3 =	sadd.s32 $0x88, s3;
	s6 =	simm.s32 @!p1 $0x1082;
	[sflag:s4] =	ssyncset.s32 $0xFFFFF086  }
0x25: {  	[simem:s6], [sflag:s4] =	dma.local [hbm:s3], $0xF7A  }
0x26: {  	[smem:$0x3F9D] =	sst s1;
	(tag) =	ssettag s2;
	_ =	strace s9  }
0x27: {  	s1 =	sld [smem:$0x3FAD]  }
0x28: {  	s2 =	sld [smem:$0x3FAE]  }
0x29: {  	s4 =	sld [smem:$0x3FB0]  }
0x2a: {  	p0 =	seq.s32 s5, $0x0;
	s5 =	sld [smem:$0x3FB1]  }
0x2b: {  	s6 =	sld [smem:$0x3FB2]  }
0x2c: {  	s7 =	sld [smem:$0x3FB3]  }
0x2d: {  	s3 =	simm.s32 $0x108;
	s8 =	sld [smem:$0x3FB4]  }
0x2e: {  	s3 =	simm.s32 @!p0 $0x1082;
	s9 =	sld [smem:$0x3FB5]  }
0x2f: {  	lr =	sadd.s32 s0, s3;
	s0 =	sld [smem:$0x3FAC]  }
0x30: {  	s3 =	sld [smem:$0x3FAF]  }
0x31: {  	[smem:$0x3FB8] =	sst s10  }
0x32: {  	s10 =	sld [smem:$0x3FB6];
	_ =	sdelay $0x3  }
0x33: {  	p0 =	seq.s32 s10, $0x1;
	s10 =	sld [smem:$0x3FB8];
	_ =	sdelay $0x3  }
0x34: {  	[smem:$0x3FB8] =	sst s10  }
0x35: {  	s10 =	sld [smem:$0x3FB7];
	_ =	sdelay $0x3  }
0x36: {  	p1 =	seq.s32 s10, $0x1;
	s10 =	sld [smem:$0x3FB8];
	_ =	sdelay $0x3  }
0x37: {  	[smem:$0x3FB8] =	sst s10  }
0x38: {  	s10 =	sld [smem:$0x3FB9]  }
0x39: {  	_ = 	snop;
	(pc) =	sbr.ind lr, $3  }
0x3a: {  	_ = 	snop  }
0x3b: {  	_ = 	snop  }
0x3c: {  	p2 =	seq.s32 s10, $0x1;
	s10 =	sld [smem:$0x3FB8]  }
0x3d: {  	_ =	shalt  }
0x3e: {  	_ =	shalt  }
0x3f: {  	_ =	shalt  }
0x40: {  	_ =	shalt  }
0x41: {  	_ =	shalt  }
0x42: {  	_ =	shalt  }
0x43: {  	_ =	shalt  }
0x44: {  	_ =	shalt  }
0x45: {  	_ =	shalt  }
0x46: {  	_ =	shalt  }
0x47: {  	_ =	shalt  }
0x48: {  	_ =	shalt  }
0x49: {  	_ =	shalt  }
0x4a: {  	_ =	shalt  }
0x4b: {  	_ =	shalt  }
0x4c: {  	_ =	shalt  }
0x4d: {  	_ =	shalt  }
0x4e: {  	_ =	shalt  }
0x4f: {  	_ =	shalt  }
0x50: {  	_ =	shalt  }
0x51: {  	_ =	shalt  }
0x52: {  	_ =	shalt  }
0x53: {  	_ =	shalt  }
0x54: {  	_ =	shalt  }
0x55: {  	_ =	shalt  }
0x56: {  	_ =	shalt  }
0x57: {  	_ =	shalt  }
0x58: {  	_ =	shalt  }
0x59: {  	_ =	shalt  }
0x5a: {  	_ =	shalt  }
0x5b: {  	_ =	shalt  }
0x5c: {  	_ =	shalt  }
0x5d: {  	_ =	shalt  }
0x5e: {  	_ =	shalt  }
0x5f: {  	_ =	shalt  }
0x60: {  	_ =	shalt  }
0x61: {  	_ =	shalt  }
0x62: {  	_ =	shalt  }
0x63: {  	_ =	shalt  }
0x64: {  	_ =	shalt  }
0x65: {  	_ =	shalt  }
0x66: {  	_ =	shalt  }
0x67: {  	_ =	shalt  }
0x68: {  	_ =	shalt  }
0x69: {  	_ =	shalt  }
0x6a: {  	_ =	shalt  }
0x6b: {  	_ =	shalt  }
0x6c: {  	_ =	shalt  }
0x6d: {  	_ =	shalt  }
0x6e: {  	_ =	shalt  }
0x6f: {  	_ =	shalt  }
0x70: {  	_ =	shalt  }
0x71: {  	_ =	shalt  }
0x72: {  	_ =	shalt  }
0x73: {  	_ =	shalt  }
0x74: {  	_ =	shalt  }
0x75: {  	_ =	shalt  }
0x76: {  	_ =	shalt  }
0x77: {  	_ =	shalt  }
0x78: {  	_ =	shalt  }
0x79: {  	_ =	shalt  }
0x7a: {  	_ =	shalt  }
0x7b: {  	_ =	shalt  }
0x7c: {  	_ =	shalt  }
0x7d: {  	_ =	shalt  }
0x7e: {  	_ =	shalt  }
0x7f: {  	_ =	shalt  }
0x80: {  	_ =	shalt  }
0x81: {  	_ =	shalt  }
0x82: {  	_ =	shalt  }
0x83: {  	_ =	shalt  }
0x84: {  	_ =	shalt  }
0x85: {  	_ =	shalt  }
0x86: {  	_ =	shalt  }
0x87: {  	_ =	shalt  }
.Lfunc_end0:
.L_simem_size_0:
called_computation_lowered:
.L_overlay_start_0:
0x88: {  	s2 =	sld [smem:$0x3FD9]  }
0x89: {  	s3 =	sld [smem:$0x3FFE];
	_ =	sdelay $0x1  }
0x8a: {  	s1 =	srdreg.scid  }
0x8b: {  	s0 =	sand.u32 $0x1, s1  }
0x8c: {  	s17 =	sshll.u32 s0, $0xA;
	s2 =	sadd.s32 s3, s2  }
0x8d: {  	s2 =	sadd.s32 s2, s17  }
0x8e: {  	[smem:$0x3FC4] =	sst s2  }
0x8f: {  	_ = 	snop  }
0x90: {  	s2 =	sld [smem:$0x3FC9]  }
0x91: {  	s18 =	sld [smem:$0x3FC8]  }
0x92: {  	s4 =	sld [smem:$0x3FD0];
	(tm) =	ssettm $0x1  }
0x93: {  	s5 =	sld [smem:$0x3FFB];
	_ =	sdelay $0x3  }
0x94: {  	_ =	strace s5  }
0x95: {  	s5 =	sld [smem:$0x3FFC];
	_ =	sdelay $0x3  }
0x96: {  	_ =	strace s5  }
0x97: {  	s5 =	sld [smem:$0x3FFD];
	_ =	sdelay $0x3  }
0x98: {  	_ =	strace s5  }
0x99: {  	_ =	strace $0x8FFFFFFF  }
0x9a: {  	s19 =	sld [smem:$0x3FDB];
	_ =	sdelay $0x1  }
0x9b: {  	s6 =	simm.s32 $_scs_section_size  }
0x9c: {  	s7 =	simm.s32 $_size__tile_overlayer_lowered;
	s8 =	simm.s32 $_tile_overlayer_lowered  }
0x9d: {  	s22 =	simm.s32 $0x1BFF;
	s21 =	sshll.u32 s8, $0x1;
	s5 =	sadd.s32 s6, s19  }
0x9e: {  	s9 =	simm.s32 $0x0;
	s20 =	sshll.u32 s7, $0x1;
	s7 =	sadd.s32 s21, s5  }
0x9f: {  	[timem:s9], [sflag:s22] =	dma.local [hbm:s7], s20  }
0xa0: {  	_ =	swait.ge [sflag:s22], s20  }
0xa1: {  	s6 =	ssub.s32 $0x0, s20;
	[sflag:s22] =	ssyncset.done $0x0  }
0xa2: {  	[sflag:s22] =	ssyncadd.s32 s6;
	_ =	sdelay $0x1  }
0xa3: {  	s23 =	simm.s32 $0x1B8B  }
0xa4: {  	_ =	swait.ge [sflag:s23], $0x1  }
0xa5: {  	[sflag:s23] =	ssyncset.done $0x0  }
0xa6: {  	s25 =	simm.s32 $0x1B8E;
	s24 =	sld [smem:$0x3FFE];
	[sflag:s23] =	ssyncadd.s32 $0xFFFFFFFF  }
0xa7: {  	s26 =	simm.s32 $execute0_lowered;
	[smem:$0x3FD2] =	sst s25  }
0xa8: {  	s7 =	sshll.u32 s26, $0x1;
	_ =	strace $0x80000046;
	[dreg:$0x1] =	wrdreg $0xFFFFFFFF  }
0xa9: {  	s28 =	simm.s32 $_size_execute0_lowered;
	s5 =	sadd.s32 s5, s7;
	[dreg:$0x0] =	wrdreg $0x0  }
0xaa: {  	s7 =	sshll.u32 s28, $0x1;
	[dreg:$0x2] =	wrdreg s5  }
0xab: {  	[dreg:$0x3] =	wrdreg s7  }
0xac: {  	[dreg:$0x4] =	wrdreg $0xC0  }
0xad: {  	_ =	task [dreg:s9], $0x5FFFF  }
0xae: {  	[dreg:$0x1] =	wrdreg $0xFFFFFFFF  }
0xaf: {  	[dreg:$0x0] =	wrdreg $0x60  }
0xb0: {  	[dreg:$0x2] =	wrdreg s18  }
0xb1: {  	[dreg:$0x3] =	wrdreg s2  }
0xb2: {  	[dreg:$0x4] =	wrdreg s4  }
0xb3: {  	[dreg:$0x5] =	wrdreg s24  }
0xb4: {  	[dreg:$0x6] =	wrdreg $0xAE000  }
0xb5: {  	[dreg:$0x7] =	wrdreg $0x9  }
0xb6: {  	_ =	task.clear_ibuf [dreg:s9], $0x8FFFF;
	_ =	strace $0x90000046  }
0xb7: {  	s29 =	simm.s32 $0x9;
	_ =	strace $0x80000048  }
0xb8: {  	_ =	swait.ge [sflag:s29], $0x1  }
0xb9: {  	[sflag:s29] =	ssyncadd.s32 $0xFFFFFFFF  }
0xba: {  	_ =	strace $0x90000048  }
0xbb: {  	_ =	sfence  }
0xbc: {  	s30 =	sld [smem:$0x0];
	_ =	sdelay $0x2  }
0xbd: {  	s31 =	sshll.u32 s1, $0xD;
	s1 =	sshrl.u32 s1, $0x2  }
0xbe: {  	s3 =	sand.u32 $0x4000, s31;
	s1 =	sadd.s32 s1, s30  }
0xbf: {  	s0 =	sor.u32 s3, s0;
	s1 =	sshll.u32 s1, $0x11  }
0xc0: {  	s0 =	sor.u32 s1, s0  }
0xc1: {  	s0 =	sadd.s32 $0x8F2B, s0  }
0xc2: {  	[sflag:s0] =	ssyncadd.remote.s32 $0x1  }
0xc3: {  	_ =	sfence.sel $0xFFFF  }
0xc4: {  	[dreg:$0x0] =	wrdreg $0xFFFFFFFF;
	(pc) =	sbr.abs _section_cstart, $3  }
0xc5: {  	[dreg:$0x1] =	wrdreg $0xFFFFFFFF  }
0xc6: {  	_ =	task.clear_ibuf [dreg:s9], $0x2FFFF;
	_ =	strace $0x9FFFFFFF  }
0xc7: {  	(tm) =	ssettm $0x7FFFFFFF  }
tec
execute0_lowered:
.L_overlay_start_1:
0x0: {  	(tag) =	ssettag $0x1  }
0x1: {  	v6 =	vimm.s32 $0x23222120;
	v7 =	vimm.s32 $0x33323130  }
0x2: {  	vm3 =	vcmask $0x1F10;
	v8 =	vimm.s32 $0x3020100;
	v9 =	vimm.s32 $0x13121110  }
0x3: {  	v10 =	vimm.s32 $0x63626160;
	v11 =	vimm.s32 $0x73727170;
	v12 =	vimm.s32 $0xA3A2A1A0  }
0x4: {  	s0 =	srdreg.scid;
	s18 =	rddreg [dreg:$0x3];
	v13 =	vimm.s32 $0xB3B2B1B0;
	v15 =	vimm.s32 $0xD3D2D1D0;
	vm0 =	vmmov $0x1  }
0x5: {  	s8 =	stileid.u32;
	s9 =	rddreg [dreg:$0x4];
	s6 =	simm.s32 $0x0;
	vm1 =	vcmask $0x310;
	vm2 =	vcmask $0x710;
	vm4 =	vmmov $0xffff  }
0x6: {  	s13 =	simm.s32 $0x3;
	s25 =	simm.s32 $0x2600;
	s26 =	simm.s32 $0x2E00;
	v6 =	vunpack.c.0.s8.s32 v6;
	v7 =	vunpack.c.0.s8.s32 v7;
	v8 =	vunpack.c.0.s8.s32 v8  }
0x7: {  	s14 =	simm.s32 $0x2;
	s0 =	sand.u32 $0x1, s0;
	s1 =	sshll.u32 s8, $0x2;
	v9 =	vunpack.c.0.s8.s32 v9;
	v10 =	vunpack.c.0.s8.s32 v10;
	v11 =	vunpack.c.0.s8.s32 v11  }
0x8: {  	s28 =	simm.s32 $0x5E00;
	s5 =	sshll.u32 s8, $0x1;
	v12 =	vunpack.c.0.s8.s32 v12;
	v13 =	vunpack.c.0.s8.s32 v13;
	s3 =	sor.u32 $0x1, s1;
	v5 =	vmov s0  }
0x9: {  	s29 =	simm.s32 $0x6600;
	s30 =	simm.s32 $0x6E00;
	s31 =	simm.s32 $0x7600;
	v1 =	vmov s3;
	v14 =	vor.u32 s5, v5;
	v7 =	vsel vm3, v7, v6  }
0xa: {  	[smem:$0x7FF] =	sst s6;
	s7 =	sadd.s32 $0x1BA00, s18;
	s2 =	sshll.u32 s0, $0x1;
	v8 =	vsel vm3, v9, v8;
	v9 =	vsel vm3, v11, v10;
	v10 =	vsel vm3, v13, v12  }
0xb: {  	s17 =	sshllo.u32 s8, $0x2;
	s4 =	sor.u32 s2, s1;
	s2 =	rddreg [dreg:$0x1];
	v5 =	vimm.s32 $0x83828180;
	v6 =	vimm.s32 $0x93929190;
	v11 =	vimm.s32 $0xE3E2E1E0  }
0xc: {  	s19 =	sadd.s32 $0x1BC00, s18;
	s20 =	sadd.s32 $0x1BE00, s18;
	s3 =	rddreg [dreg:$0x2];
	v12 =	vimm.s32 $0xF3F2F1F0;
	v5 =	vunpack.c.0.s8.s32 v5;
	v6 =	vunpack.c.0.s8.s32 v6  }
0xd: {  	s23 =	sshll.u32 s8, $0x4;
	_ =	strace $0x80000047;
	[dreg:$0x8] =	wrdreg s7;
	v13 =	vimm.s32 $0xC3C2C1C0;
	v11 =	vunpack.c.0.s8.s32 v11;
	v12 =	vunpack.c.0.s8.s32 v12  }
0xe: {  	v0 =	vmov s1;
	s21 =	ssub.s32 $0x2, s0;
	s24 =	sadd.s32 s23, s9;
	[dreg:$0x9] =	wrdreg s19;
	v16 =	vsel vm3, v6, v5;
	v6 =	vunpack.c.0.s8.s32 v13  }
0xf: {  	s0 =	sor.u32 s0, s8;
	s8 =	simm.s32 $0xA600;
	[dreg:$0xa] =	wrdreg s20;
	v13 =	vunpack.c.0.s8.s32 v15;
	v11 =	vsel vm3, v12, v11;
	v12 =	vimm.s32 $0x43424140  }
0x10: {  	s23 =	simm.s32 $0x3E00;
	s1 =	sor.u32 $0x2, s1;
	[dreg:$0xc] =	wrdreg s24;
	v14 =	vor.u32 $0x800, v14;
	v15 =	vimm.s32 $0x53525150;
	v12 =	vunpack.c.0.s8.s32 v12  }
0x11: {  	s22 =	sshrl.u32 s21, $0x1;
	p0 =	sne.s32 s0, $0x0;
	[dreg:$0x6] =	wrdreg s25;
	v13 =	vsel vm3, v13, v6;
	v6 =	vbroadcast v14, $0x0;
	v14 =	vunpack.c.0.s8.s32 v15  }
0x12: {  	v3 =	vmov s17;
	s19 =	simm.s32 $0x1100;
	s20 =	simm.s32 $0x1E00;
	[dreg:$0x7] =	wrdreg s26;
	v2 =	vmov s1;
	v4 =	vmov s4  }
.Ltmp0:
0x13: {  	s5 =	simm.s32 $0x1;
	s4 =	sor.u32 $0x1, s4;
	v10 =	vcombine.low v16, v10;
	v11 =	vcombine.low v13, v11;
	v12 =	vsel vm3, v14, v12;
	(pc) =	sbr.rel .LBB2_1-.Ltmp0, $4  }
0x14: {  	s7 =	simm.s32 $0x9E00;
	s0 =	simm.s32 $0x0;
	s1 =	sadd.s32 $0x1600, s18;
	v7 =	vcombine.low v8, v7;
	v5 =	vmov s4;
	v8 =	vcombine.low v12, v9  }
0x15: {  	s24 =	simm.s32 $0x4600;
	[dreg:$0xb] =	wrdreg s1;
	s1 =	ssub.s32 s21, s22;
	v9 =	vand.u32 $0xFF, v10;
	v10 =	vand.u32 $0xFF, v11;
	v11 =	vlaneseq.u32  }
0x16: {  	s25 =	simm.s32 $0x4E00;
	s26 =	simm.s32 $0x5600;
	s1 =	smax.u32 s1, $0x1;
	vm3 =	vcmask $0xB10;
	v12 =	vimm.s32 $0x0;
	v14 =	vshrl.u32 v11, $0x3  }
0x17: {  	s18 =	simm.s32 $0x800;
	s4 =	simm.s32 $0x7E00;
	[dreg:$0xd] =	wrdreg s1;
	v13 =	vand.u32 $0x7, v11;
	v15 =	vor.u32 $0x8, v11;
	v14 =	vmul.u32 $0x8, v14  }
.LBB2_10:
0x18: {  	s9 =	smov.u32 s12  }
.LBB2_14:
0x19: {  	s10 =	sadd.s32 s21, s10;
	[sflag:s14] =	ssyncadd.s32 @p1 $0xFFFFFFF0  }
0x1a: {  	v16 =	vld [tilespmem:s10+$0x0];
	_ =	sdelay $0x4  }
0x1b: {  	v17 =	vshll.u32 v16, $0x1  }
0x1c: {  	v18 =	vand.u32 $0x7, v16;
	v17 =	vand.u32 $0xFFFFFFF0, v17  }
0x1d: {  	v17 =	vor.u32 v18, v17  }
0x1e: {  	v18 =	vperm.xlane v17, v13;
	_ =	sdelay $0x1  }
0x1f: {  	v17 =	vperm.xlane v17, v15;
	v18 =	vadd.s32 v14, v18;
	_ =	sdelay $0x1  }
0x20: {  	v17 =	vadd.s32 v14, v17;
	_ =	sdelay $0x1  }
0x21: {  	[tilespmem:$0x1D80] =	vst v16  }
0x22: {  	[tilespmem:s7], [sflag:$0x1] =	stream.indirect_vreg.gather [hbm4b:s2+s6], $0x80, v18, vm4, $0xb8;
	[tilespmem:$0xAE10] =	vst v63  }
0x23: {  	_ = 	snop  }
0x24: {  	[tilespmem:s8], [sflag:$0x1] =	stream.indirect_vreg.gather [hbm4b:s2+s6], $0x80, v17, vm4, $0xb8;
	[tilespmem:$0xAE10] =	vst v63  }
0x25: {  	_ =	swait.ge [sflag:s5], $0x1000  }
0x26: {  	[sflag:s5] =	ssyncset.done $0x0  }
0x27: {  	[sflag:s5] =	ssyncadd.s32 $0xFFFFF000  }
0x28: {  	[hbm4b:s16+s6] =	stream.linear.scatter [tilespmem:s7], [sflag:$0x3], $0x1000, $0x38;
	[tilespmem:$0xAE10] =	vst v63  }
0x29: {  	s22 =	sadd.s32 s17, s11;
	_ =	swait.ge [sflag:s13], $0x1000  }
0x2a: {  	s9 =	sadd.s32 @p1 $0x10, s9;
	s10 =	sshrl.u32 s22, $0x3;
	[sflag:s13] =	ssyncset.done $0x0  }
0x2b: {  	s12 =	smov.u32 @p1 s9;
	s10 =	sadd.s32 s3, s10;
	[sflag:s13] =	ssyncadd.s32 $0xFFFFF000  }
0x2c: {  	[hbm4b:s10+s6] =	stream.linear.scatter [tilespmem:s12], [sflag:$0x2], $0x10, $0x38;
	[tilespmem:$0xAE10] =	vst v63  }
0x2d: {  	_ =	swait.ge [sflag:s14], $0x10  }
0x2e: {  	[sflag:s14] =	ssyncset.done $0x0  }
0x2f: {  	[sflag:s14] =	ssyncadd.s32 $0xFFFFFFF0  }
.LBB2_15:
0x30: {  	s0 =	sadd.s32 $0x1, s0;
	s9 =	rddreg [dreg:$0xd]  }
0x31: {  	p1 =	sne.s32 s0, s9  }
.Ltmp1:
0x32: {  	_ = 	snop;
	(pc) =	sbr.rel @!p1 .LBB2_16-.Ltmp1, $1  }
0x33: {  	_ =	sdelay $0x3  }
.LBB2_1:
0x34: {  	s9 =	rddreg [dreg:$0x0]  }
0x35: {  	[tilespmem:s6], [sflag:$0x3] =	stream.linear.gather [hbm4b:s9+s6], $0x800, $0x38;
	[tilespmem:$0xAE10] =	vst v63  }
0x36: {  	_ =	swait.ge [sflag:s13], $0x800  }
0x37: {  	[sflag:s13] =	ssyncset.done $0x0  }
0x38: {  	s10 =	simm.s32 $0x0;
	[sflag:s13] =	ssyncadd.s32 $0xFFFFF800  }
0x39: {  	v20 =	vld [tilespmem:s10+$0x0];
	_ =	sdelay $0x1  }
0x3a: {  	v17 =	vimm.s32 $0x0  }
0x3b: {  	v16 =	vimm.s32 $0x0;
	v19 =	vimm.s32 $0x0;
	v18 =	vimm.s32 $0x0;
	s9 =	simm.s32 $0x40  }
.LBB2_2:
0x3c: {  	p1 =	sne.s32 s9, $0x1FC0  }
.Ltmp2:
0x3d: {  	s10 =	sshra.s32 s9, $0x2;
	s9 =	sadd.s32 $0x40, s9;
	vm5 =	veq.s32 v20, v0;
	vm6 =	veq.s32 v20, v1;
	vm7 =	veq.s32 v20, v3;
	(pc) =	sbr.rel @p1 .LBB2_2-.Ltmp2, $4  }
0x3e: {  	v21 =	vmpcnt.ones.xlane vm5;
	vm5 =	veq.s32 v20, v2;
	v20 =	vld [tilespmem:s10+$0x0];
	v22 =	vmpcnt.ones.xlane vm7  }
0x3f: {  	v23 =	vmpcnt.ones.xlane vm6;
	v24 =	vmpcnt.ones.xlane vm5  }
0x40: {  	v17 =	vadd.s32 v17, v21;
	v16 =	vadd.s32 v16, v22  }
0x41: {  	v19 =	vadd.s32 v19, v23;
	v18 =	vadd.s32 v18, v24  }
0x42: {  	_ = 	snop  }
0x43: {  	vm5 =	veq.s32 v20, v0  }
0x44: {  	vm6 =	veq.s32 v20, v1;
	v21 =	vmpcnt.ones.xlane vm5  }
0x45: {  	vm5 =	veq.s32 v20, v2;
	v22 =	vmpcnt.ones.xlane vm6  }
0x46: {  	vm6 =	veq.s32 v20, v3;
	v20 =	vmpcnt.ones.xlane vm5;
	v17 =	vadd.s32 v17, v21  }
0x47: {  	v21 =	vmpcnt.ones.xlane vm6;
	v19 =	vadd.s32 v19, v22;
	v17 =	vnsel vm0, $0x0, v17  }
0x48: {  	v18 =	vadd.s32 v18, v20;
	v17 =	vsel vm1, v17, v19  }
0x49: {  	v16 =	vadd.s32 v16, v21;
	v17 =	vsel vm2, v17, v18  }
0x4a: {  	[dreg:$0xe] =	wrdreg s0;
	v16 =	vsel vm3, v17, v16  }
0x4b: {  	s9 =	rddreg [dreg:$0xc];
	s10 =	simm.s32 $0x1C80;
	[tilespmem:$0x1C80] =	vst v16  }
0x4c: {  	[spmem:s9] =	stream.linear.scatter [tilespmem:s10], [sflag:$0x3], $0x10, $0x38;
	[tilespmem:$0xAE10] =	vst v63  }
0x4d: {  	_ =	swait.ge [sflag:s13], $0x10  }
0x4e: {  	[sflag:s13] =	ssyncset.done $0x0  }
0x4f: {  	[sflag:s13] =	ssyncadd.s32 $0xFFFFFFF0  }
0x50: {  	[bflag:$0x0] =	sbarrier.arrive $0xFFFF  }
0x51: {  	s11 =	simm.s32 $0x1A00;
	s12 =	rddreg [dreg:$0x4]  }
0x52: {  	[tilespmem:s11], [sflag:$0x3] =	stream.linear.gather [spmem:s12], $0x100, $0x38;
	[tilespmem:$0xAE10] =	vst v63  }
0x53: {  	_ =	swait.ge [sflag:s13], $0x100  }
0x54: {  	[sflag:s13] =	ssyncset.done $0x0  }
0x55: {  	[sflag:s13] =	ssyncadd.s32 $0xFFFFFF00  }
0x56: {  	v16 =	vld.idx.msk [tilespmem:v7+s11+$0x0], $0xffff;
	_ =	sdelay $0x4  }
0x57: {  	v17 =	vadd.s32 $0xF, v16  }
0x58: {  	v17 =	vand.u32 $0xFFFFFFF0, v17  }
0x59: {  	(xrf0) =	vadd.scan.msk.s32 $0xffff, v17;
	_ =	sdelay $0x3  }
0x5a: {  	v16 =	vadd.s32 $0x7F, v16  }
0x5b: {  	v16 =	vshra.s32 v16, $0x7  }
0x5c: {  	[tilespmem:$0x1B80] =	vst v16;
	v18, _, _ =	vpop (xrf0)  }
0x5d: {  	[tilespmem:$0x1C00] =	vst v17;
	v19 =	vsub.s32 v18, v17  }
0x5e: {  	[tilespmem:$0x1B00] =	vst v19  }
0x5f: {  	v16 =	vld.idx.msk [tilespmem:v8+s11+$0x0], $0xffff;
	_ =	sdelay $0x4  }
0x60: {  	v17 =	vadd.s32 $0xF, v16  }
0x61: {  	v17 =	vand.u32 $0xFFFFFFF0, v17  }
0x62: {  	(xrf0) =	vadd.scan.msk.s32 $0xffff, v17;
	_ =	sdelay $0x3  }
0x63: {  	v19 =	vbroadcast v18, $0xF;
	v16 =	vadd.s32 $0x7F, v16  }
0x64: {  	v16 =	vshra.s32 v16, $0x7  }
0x65: {  	(v2sf) =	vpush v18, $0xF;
	v19 =	vsub.s32 v19, v17;
	[tilespmem:$0x1B90] =	vst v16;
	v20, _, _ =	vpop (xrf0)  }
0x66: {  	[tilespmem:$0x1C10] =	vst v17;
	v19 =	vadd.s32 v20, v19;
	(v2sf) =	vpush v20, $0xF  }
0x67: {  	[tilespmem:$0x1B10] =	vst v19  }
0x68: {  	v16 =	vld.idx.msk [tilespmem:v9+s11+$0x0], $0xffff;
	_ =	sdelay $0x4  }
0x69: {  	v17 =	vadd.s32 $0xF, v16  }
0x6a: {  	v17 =	vand.u32 $0xFFFFFFF0, v17  }
0x6b: {  	(xrf0) =	vadd.scan.msk.s32 $0xffff, v17;
	_ =	sdelay $0x4  }
0x6c: {  	s15 =	spop (v2sf);
	v16 =	vadd.s32 $0x7F, v16  }
0x6d: {  	v16 =	vshra.s32 v16, $0x7;
	s16 =	spop (v2sf);
	v18, _, _ =	vpop (xrf0)  }
0x6e: {  	[tilespmem:$0x1BA0] =	vst v16;
	s9 =	sadd.s32 s15, s16;
	v19 =	vsub.s32 v18, v17  }
0x6f: {  	[tilespmem:$0x1C20] =	vst v17;
	v19 =	vadd.s32 s9, v19  }
0x70: {  	[tilespmem:$0x1B20] =	vst v19  }
0x71: {  	v16 =	vld.idx.msk [tilespmem:v10+s11+$0x0], $0xffff;
	_ =	sdelay $0x4  }
0x72: {  	v17 =	vadd.s32 $0xF, v16  }
0x73: {  	v17 =	vand.u32 $0xFFFFFFF0, v17  }
0x74: {  	(xrf0) =	vadd.scan.msk.s32 $0xffff, v17;
	_ =	sdelay $0x1  }
0x75: {  	(v2sf) =	vpush v18, $0xF;
	_ =	sdelay $0x3  }
0x76: {  	v18, _, _ =	vpop (xrf0)  }
0x77: {  	(v2sf) =	vpush @!p0 v18, $0xF;
	_ =	sdelay $0x8  }
0x78: {  	v16 =	vadd.s32 $0x7F, v16  }
0x79: {  	v16 =	vshra.s32 v16, $0x7;
	s17 =	spop (v2sf)  }
0x7a: {  	[tilespmem:$0x1BB0] =	vst v16;
	s9 =	sadd.s32 s9, s17;
	v18 =	vsub.s32 v18, v17  }
0x7b: {  	[tilespmem:$0x1C30] =	vst v17;
	v18 =	vadd.s32 s9, v18  }
0x7c: {  	s10 =	simm.s32 @!p0 $0x0;
	s12 =	rddreg [dreg:$0x8];
	s11 =	simm.s32 @!p0 $0x1B00;
	[tilespmem:$0x1B30] =	vst v18  }
0x7d: {  	[hbm4b:s12+s10] =	stream.linear.scatter @!p0 [tilespmem:s11], [sflag:$0x3], $0x80, $0x38;
	[tilespmem:$0xAE10] =	vst v63  }
0x7e: {  	s12 =	simm.s32 @!p0 $0x3;
	s11 =	spop @!p0 (v2sf)  }
0x7f: {  	_ =	swait.ge @!p0 [sflag:s12], $0x80  }
0x80: {  	[sflag:s12] =	ssyncset.done @!p0 $0x0  }
0x81: {  	s15 =	simm.s32 @!p0 $0x1B80;
	s16 =	rddreg [dreg:$0x9];
	[sflag:s12] =	ssyncadd.s32 @!p0 $0xFFFFFF80  }
0x82: {  	[hbm4b:s16+s10] =	stream.linear.scatter @!p0 [tilespmem:s15], [sflag:$0x3], $0x80, $0x38;
	[tilespmem:$0xAE10] =	vst v63  }
0x83: {  	_ =	swait.ge @!p0 [sflag:s12], $0x80  }
0x84: {  	s9 =	sadd.s32 @!p0 s9, s11;
	[sflag:s12] =	ssyncset.done @!p0 $0x0  }
0x85: {  	v16 =	vmov @!p0 s9;
	[sflag:s12] =	ssyncadd.s32 @!p0 $0xFFFFFF80  }
0x86: {  	s9 =	simm.s32 @!p0 $0x1C80;
	s11 =	rddreg [dreg:$0xa];
	[tilespmem:$0x1C80] =	vst @!p0 v16  }
0x87: {  	[hbm4b:s11+s10] =	stream.linear.scatter @!p0 [tilespmem:s9], [sflag:$0x3], $0x80, $0x38;
	[tilespmem:$0xAE10] =	vst v63  }
0x88: {  	_ =	swait.ge @!p0 [sflag:s12], $0x80  }
0x89: {  	[sflag:s12] =	ssyncset.done @!p0 $0x0  }
0x8a: {  	s21 =	simm.s32 $0x1B00;
	[sflag:s12] =	ssyncadd.s32 @!p0 $0xFFFFFF80  }
0x8b: {  	v17 =	vld.idx.msk [tilespmem:v4+s21+$0x0], $0xffff;
	_ =	sdelay $0x4  }
0x8c: {  	v16 =	vnsel vm0, $0x0, v17  }
0x8d: {  	(xrf0) =	vadd.scan.msk.s32 $0xffff, v16;
	_ =	sdelay $0x5  }
0x8e: {  	v19, _, _ =	vpop (xrf0)  }
0x8f: {  	(v2sf) =	vpush v19, $0xF;
	_ =	sdelay $0x9  }
0x90: {  	v16 =	vld.idx.msk [tilespmem:v5+s21+$0x0], $0xffff  }
0x91: {  	s9 =	simm.s32 $0x0  }
0x92: {  	v26 =	vld [tilespmem:s9+$0x0]  }
0x93: {  	s22 =	simm.s32 $0x1C00  }
0x94: {  	v20 =	vld.idx.msk [tilespmem:v4+s22+$0x0], $0xffff;
	v21 =	vxor.u32 $0xFFFFFFFF, v19  }
0x95: {  	s10 =	simm.s32 $0x10;
	s12 =	simm.s32 $0x0;
	v18 =	vld.idx.msk [tilespmem:v5+s22+$0x0], $0xffff;
	v23 =	vmovc v17;
	v25 =	vmovc v17;
	v22 =	vmov v16;
	v24 =	vmov v16;
	v21 =	vbroadcast v21, $0xF;
	s11 =	spop (v2sf)  }
.LBB2_4:
0x96: {  	p1 =	sne.s32 s10, $0x7F0  }
0x97: {  	vm5 =	veq.s32 v26, v4  }
0x98: {  	v27 =	vsel vm5, $0x1, v12;
	v28 =	vmpcnt.ones.xlane vm5  }
0x99: {  	vm6 =	veq.s32 v26, v5;
	(xrf0) =	vadd.scan.msk.s32 $0xffff, v27  }
0x9a: {  	v26 =	vsel vm6, $0x1, v12;
	v27 =	vmpcnt.ones.xlane vm6;
	v23 =	vadd.s32 v23, v28  }
0x9b: {  	(xrf0) =	vadd.scan.msk.s32 $0xffff, v26  }
0x9c: {  	v22 =	vadd.s32 v22, v27;
	_ =	sdelay $0x2  }
0x9d: {  	v26 =	vadd.s32 v25, v21;
	v25 =	vmov v23;
	v27, _, _ =	vpop (xrf0)  }
0x9e: {  	v26 =	vadd.s32 v27, v26  }
0x9f: {  	v27 =	vadd.s32 v24, v21;
	v24 =	vmov v22;
	v28, _, _ =	vpop (xrf0)  }
0xa0: {  	v27 =	vadd.s32 v28, v27;
	_ =	sdelay $0x1  }
0xa1: {  	v28 =	vor.u32 s9, v11;
	s9 =	smov.u32 s10  }
0xa2: {  	[tilespmem:v26+s18+$0x0] =	vst.idx.msk vm5, v28  }
0xa3: {  	[tilespmem:v26+s19+$0x0] =	vst.idx.msk vm5, v28  }
0xa4: {  	[tilespmem:v27+s18+$0x0] =	vst.idx.msk vm6, v28  }
.Ltmp3:
0xa5: {  	s12 =	sadd.s32 $0x10, s12;
	[tilespmem:v27+s19+$0x0] =	vst.idx.msk vm6, v28;
	(pc) =	sbr.rel @p1 .LBB2_4-.Ltmp3, $2  }
0xa6: {  	v26 =	vld [tilespmem:s12+$0x0];
	_ =	sdelay $0x2  }
0xa7: {  	s10 =	sadd.s32 $0x10, s10  }
0xa8: {  	_ = 	snop  }
0xa9: {  	vm6 =	veq.s32 v26, v4  }
0xaa: {  	vm5 =	veq.s32 v26, v5;
	v27 =	vsel vm6, $0x1, v12  }
0xab: {  	v54 =	vadd.s32 v20, v18;
	v26 =	vsel vm5, $0x1, v12;
	(xrf0) =	vadd.scan.msk.s32 $0xffff, v27  }
0xac: {  	v55 =	vnsel vm0, $0x0, v54;
	(xrf0) =	vadd.scan.msk.s32 $0xffff, v26  }
0xad: {  	(xrf0) =	vadd.scan.msk.s32 $0xffff, v55;
	_ =	sdelay $0x3  }
0xae: {  	v56, _, _ =	vpop (xrf0)  }
0xaf: {  	v57, _, _ =	vpop (xrf0)  }
0xb0: {  	v28, _, _ =	vpop (xrf0)  }
0xb1: {  	(v2sf) =	vpush v28, $0xF;
	_ =	sdelay $0x8  }
0xb2: {  	v25 =	vadd.s32 v25, v21;
	v58 =	vmpcnt.ones.xlane vm6  }
0xb3: {  	v60 =	vadd.s32 v24, v21;
	v19 =	vbroadcast v19, $0xF;
	v25 =	vadd.s32 v56, v25  }
0xb4: {  	v17 =	vadd.s32 v17, v20;
	v59 =	vmpcnt.ones.xlane vm5;
	v23 =	vadd.s32 v23, v58  }
0xb5: {  	v16 =	vadd.s32 v16, v18;
	v17 =	vsub.s32 v17, v23;
	v21 =	vadd.s32 v57, v60  }
0xb6: {  	v61 =	vadd.s32 v22, v59;
	v62 =	vsub.s32 v23, v19;
	vm7 =	vgt.s32 v17, v11  }
0xb7: {  	v16 =	vsub.s32 v16, v61;
	v17 =	vor.u32 s9, v11;
	v63 =	vadd.s32 v11, v62  }
0xb8: {  	v19 =	vsub.s32 v61, v19;
	vm8 =	vgt.s32 v16, v11;
	[tilespmem:v25+s18+$0x0] =	vst.idx.msk vm6, v17;
	s0 =	spop (v2sf)  }
0xb9: {  	v16 =	vadd.s32 v11, v19;
	[tilespmem:v25+s19+$0x0] =	vst.idx.msk vm6, v17;
	s17 =	sshra.s32 s0, $0x7  }
0xba: {  	[tilespmem:v21+s18+$0x0] =	vst.idx.msk vm5, v17;
	p1 =	slt.s32 s17, $0x1  }
.Ltmp4:
0xbb: {  	[tilespmem:v21+s19+$0x0] =	vst.idx.msk vm5, v17;
	(pc) =	sbr.rel @p1 .LBB2_8-.Ltmp4, $4  }
0xbc: {  	[tilespmem:v63+s18+$0x0] =	vst.idx.msk vm7, v12  }
0xbd: {  	s22 =	sshll.u32 s11, $0x5;
	[tilespmem:v63+s19+$0x0] =	vst.idx.msk vm7, v6  }
0xbe: {  	s1 =	simm.s32 $0x8E00;
	s12 =	simm.s32 $0x9600;
	[dreg:$0x10] =	wrdreg s22;
	[tilespmem:v16+s18+$0x0] =	vst.idx.msk vm8, v12  }
0xbf: {  	s22 =	simm.s32 $0x3600;
	[tilespmem:v16+s19+$0x0] =	vst.idx.msk vm8, v6;
	[dreg:$0xf] =	wrdreg s0;
	s0 =	simm.s32 $0x8600  }
0xc0: {  	s9 =	rddreg [dreg:$0xb]  }
0xc1: {  	s10 =	rddreg [dreg:$0x10];
	s15 =	simm.s32 $0x1100  }
0xc2: {  	s16 =	smov.u32 s11;
	s10 =	sadd.s32 s10, s9;
	s9 =	simm.s32 $0x840  }
.LBB2_7:
0xc3: {  	v16 =	vld [tilespmem:s9+$0xFFFFFFC0];
	_ =	sdelay $0x4  }
0xc4: {  	[tilespmem:$0x1D00] =	vst v16  }
0xc5: {  	v17 =	vld [tilespmem:s9+$0xFFFFFFD0];
	_ =	sdelay $0x4  }
0xc6: {  	[tilespmem:$0x1D10] =	vst v17  }
0xc7: {  	v17 =	vld [tilespmem:s9+$0xFFFFFFE0];
	_ =	sdelay $0x4  }
0xc8: {  	[tilespmem:$0x1D20] =	vst v17  }
0xc9: {  	v17 =	vld [tilespmem:s9+$0xFFFFFFF0];
	_ =	sdelay $0x4  }
0xca: {  	[tilespmem:$0x1D30] =	vst v17  }
0xcb: {  	v17 =	vld [tilespmem:s9+$0x0];
	_ =	sdelay $0x4  }
0xcc: {  	[tilespmem:$0x1D40] =	vst v17  }
0xcd: {  	v17 =	vld [tilespmem:s9+$0x10];
	_ =	sdelay $0x4  }
0xce: {  	[tilespmem:$0x1D50] =	vst v17  }
0xcf: {  	v17 =	vld [tilespmem:s9+$0x20];
	_ =	sdelay $0x1  }
0xd0: {  	v18 =	vshll.u32 v16, $0x1  }
0xd1: {  	v16 =	vand.u32 $0x7, v16;
	v18 =	vand.u32 $0xFFFFFFF0, v18  }
0xd2: {  	v16 =	vor.u32 v16, v18  }
0xd3: {  	[tilespmem:$0x1D60] =	vst v17;
	v17 =	vperm.xlane v16, v13  }
0xd4: {  	v63 =	vld [tilespmem:s9+$0x30]  }
0xd5: {  	v16 =	vperm.xlane v16, v15;
	v17 =	vadd.s32 v14, v17;
	_ =	sdelay $0x1  }
0xd6: {  	v16 =	vadd.s32 v14, v16;
	_ =	sdelay $0x1  }
0xd7: {  	[tilespmem:$0x1D70] =	vst v63  }
0xd8: {  	[tilespmem:s20], [sflag:$0x1] =	stream.indirect_vreg.gather [hbm4b:s2+s6], $0x80, v17, vm4, $0xb8;
	[tilespmem:$0xAE10] =	vst v63  }
0xd9: {  	s21 =	rddreg [dreg:$0x6]  }
0xda: {  	[tilespmem:s21], [sflag:$0x1] =	stream.indirect_vreg.gather [hbm4b:s2+s6], $0x80, v16, vm4, $0xb8;
	[tilespmem:$0xAE10] =	vst v63  }
0xdb: {  	v16 =	vld [tilespmem:$0x1D10];
	_ =	sdelay $0x4  }
0xdc: {  	v17 =	vshll.u32 v16, $0x1  }
0xdd: {  	v16 =	vand.u32 $0x7, v16;
	v17 =	vand.u32 $0xFFFFFFF0, v17  }
0xde: {  	v16 =	vor.u32 v16, v17  }
0xdf: {  	v17 =	vperm.xlane v16, v13;
	_ =	sdelay $0x1  }
0xe0: {  	v16 =	vperm.xlane v16, v15;
	v17 =	vadd.s32 v14, v17;
	_ =	sdelay $0x1  }
0xe1: {  	v16 =	vadd.s32 v14, v16;
	_ =	sdelay $0x1  }
0xe2: {  	s21 =	rddreg [dreg:$0x7]  }
0xe3: {  	[tilespmem:s21], [sflag:$0x1] =	stream.indirect_vreg.gather [hbm4b:s2+s6], $0x80, v17, vm4, $0xb8;
	[tilespmem:$0xAE10] =	vst v63  }
0xe4: {  	_ = 	snop  }
0xe5: {  	[tilespmem:s22], [sflag:$0x1] =	stream.indirect_vreg.gather [hbm4b:s2+s6], $0x80, v16, vm4, $0xb8;
	[tilespmem:$0xAE10] =	vst v63  }
0xe6: {  	v16 =	vld [tilespmem:$0x1D20];
	_ =	sdelay $0x4  }
0xe7: {  	v17 =	vshll.u32 v16, $0x1  }
0xe8: {  	v16 =	vand.u32 $0x7, v16;
	v17 =	vand.u32 $0xFFFFFFF0, v17  }
0xe9: {  	v16 =	vor.u32 v16, v17  }
0xea: {  	v17 =	vperm.xlane v16, v13;
	_ =	sdelay $0x1  }
0xeb: {  	v16 =	vperm.xlane v16, v15;
	v17 =	vadd.s32 v14, v17;
	_ =	sdelay $0x1  }
0xec: {  	v16 =	vadd.s32 v14, v16;
	_ =	sdelay $0x2  }
0xed: {  	[tilespmem:s23], [sflag:$0x1] =	stream.indirect_vreg.gather [hbm4b:s2+s6], $0x80, v17, vm4, $0xb8;
	[tilespmem:$0xAE10] =	vst v63  }
0xee: {  	_ = 	snop  }
0xef: {  	[tilespmem:s24], [sflag:$0x1] =	stream.indirect_vreg.gather [hbm4b:s2+s6], $0x80, v16, vm4, $0xb8;
	[tilespmem:$0xAE10] =	vst v63  }
0xf0: {  	v16 =	vld [tilespmem:$0x1D30];
	_ =	sdelay $0x4  }
0xf1: {  	v17 =	vshll.u32 v16, $0x1  }
0xf2: {  	v16 =	vand.u32 $0x7, v16;
	v17 =	vand.u32 $0xFFFFFFF0, v17  }
0xf3: {  	v16 =	vor.u32 v16, v17  }
0xf4: {  	v17 =	vperm.xlane v16, v13;
	_ =	sdelay $0x1  }
0xf5: {  	v16 =	vperm.xlane v16, v15;
	v17 =	vadd.s32 v14, v17;
	_ =	sdelay $0x1  }
0xf6: {  	v16 =	vadd.s32 v14, v16;
	_ =	sdelay $0x2  }
0xf7: {  	[tilespmem:s25], [sflag:$0x1] =	stream.indirect_vreg.gather [hbm4b:s2+s6], $0x80, v17, vm4, $0xb8;
	[tilespmem:$0xAE10] =	vst v63  }
0xf8: {  	_ = 	snop  }
0xf9: {  	[tilespmem:s26], [sflag:$0x1] =	stream.indirect_vreg.gather [hbm4b:s2+s6], $0x80, v16, vm4, $0xb8;
	[tilespmem:$0xAE10] =	vst v63  }
0xfa: {  	v16 =	vld [tilespmem:$0x1D40];
	_ =	sdelay $0x4  }
0xfb: {  	v17 =	vshll.u32 v16, $0x1  }
0xfc: {  	v16 =	vand.u32 $0x7, v16;
	v17 =	vand.u32 $0xFFFFFFF0, v17  }
0xfd: {  	v16 =	vor.u32 v16, v17  }
0xfe: {  	v17 =	vperm.xlane v16, v13;
	_ =	sdelay $0x1  }
0xff: {  	v16 =	vperm.xlane v16, v15;
	v17 =	vadd.s32 v14, v17;
	_ =	sdelay $0x1  }
0x100: {  	v16 =	vadd.s32 v14, v16;
	_ =	sdelay $0x2  }
0x101: {  	[tilespmem:s28], [sflag:$0x1] =	stream.indirect_vreg.gather [hbm4b:s2+s6], $0x80, v17, vm4, $0xb8;
	[tilespmem:$0xAE10] =	vst v63  }
0x102: {  	_ = 	snop  }
0x103: {  	[tilespmem:s29], [sflag:$0x1] =	stream.indirect_vreg.gather [hbm4b:s2+s6], $0x80, v16, vm4, $0xb8;
	[tilespmem:$0xAE10] =	vst v63  }
0x104: {  	v16 =	vld [tilespmem:$0x1D50];
	_ =	sdelay $0x4  }
0x105: {  	v17 =	vshll.u32 v16, $0x1  }
0x106: {  	v16 =	vand.u32 $0x7, v16;
	v17 =	vand.u32 $0xFFFFFFF0, v17  }
0x107: {  	v16 =	vor.u32 v16, v17  }
0x108: {  	v17 =	vperm.xlane v16, v13;
	_ =	sdelay $0x1  }
0x109: {  	v16 =	vperm.xlane v16, v15;
	v17 =	vadd.s32 v14, v17;
	_ =	sdelay $0x1  }
0x10a: {  	v16 =	vadd.s32 v14, v16;
	_ =	sdelay $0x2  }
0x10b: {  	[tilespmem:s30], [sflag:$0x1] =	stream.indirect_vreg.gather [hbm4b:s2+s6], $0x80, v17, vm4, $0xb8;
	[tilespmem:$0xAE10] =	vst v63  }
0x10c: {  	_ = 	snop  }
0x10d: {  	[tilespmem:s31], [sflag:$0x1] =	stream.indirect_vreg.gather [hbm4b:s2+s6], $0x80, v16, vm4, $0xb8;
	[tilespmem:$0xAE10] =	vst v63  }
0x10e: {  	v16 =	vld [tilespmem:$0x1D60];
	_ =	sdelay $0x4  }
0x10f: {  	v17 =	vshll.u32 v16, $0x1  }
0x110: {  	v16 =	vand.u32 $0x7, v16;
	v17 =	vand.u32 $0xFFFFFFF0, v17  }
0x111: {  	v16 =	vor.u32 v16, v17  }
0x112: {  	v17 =	vperm.xlane v16, v13;
	_ =	sdelay $0x1  }
0x113: {  	v16 =	vperm.xlane v16, v15;
	v17 =	vadd.s32 v14, v17;
	_ =	sdelay $0x1  }
0x114: {  	v16 =	vadd.s32 v14, v16;
	_ =	sdelay $0x2  }
0x115: {  	[tilespmem:s4], [sflag:$0x1] =	stream.indirect_vreg.gather [hbm4b:s2+s6], $0x80, v17, vm4, $0xb8;
	[tilespmem:$0xAE10] =	vst v63  }
0x116: {  	_ = 	snop  }
0x117: {  	[tilespmem:s0], [sflag:$0x1] =	stream.indirect_vreg.gather [hbm4b:s2+s6], $0x80, v16, vm4, $0xb8;
	[tilespmem:$0xAE10] =	vst v63  }
0x118: {  	v16 =	vld [tilespmem:$0x1D70];
	_ =	sdelay $0x4  }
0x119: {  	v17 =	vshll.u32 v16, $0x1  }
0x11a: {  	v16 =	vand.u32 $0x7, v16;
	v17 =	vand.u32 $0xFFFFFFF0, v17  }
0x11b: {  	v16 =	vor.u32 v16, v17  }
0x11c: {  	v17 =	vperm.xlane v16, v13;
	_ =	sdelay $0x1  }
0x11d: {  	v16 =	vperm.xlane v16, v15;
	v17 =	vadd.s32 v14, v17;
	_ =	sdelay $0x1  }
0x11e: {  	v16 =	vadd.s32 v14, v16;
	_ =	sdelay $0x2  }
0x11f: {  	[tilespmem:s1], [sflag:$0x1] =	stream.indirect_vreg.gather [hbm4b:s2+s6], $0x80, v17, vm4, $0xb8;
	[tilespmem:$0xAE10] =	vst v63  }
0x120: {  	_ = 	snop  }
0x121: {  	[tilespmem:s12], [sflag:$0x1] =	stream.indirect_vreg.gather [hbm4b:s2+s6], $0x80, v16, vm4, $0xb8;
	[tilespmem:$0xAE10] =	vst v63  }
0x122: {  	_ =	swait.ge [sflag:s5], $0x8000  }
0x123: {  	[sflag:s5] =	ssyncset.done $0x0  }
0x124: {  	[sflag:s5] =	ssyncadd.s32 $0xFFFF8000  }
0x125: {  	[hbm4b:s10+s6] =	stream.linear.scatter [tilespmem:s20], [sflag:$0x3], $0x8000, $0x38;
	[tilespmem:$0xAE10] =	vst v63  }
0x126: {  	_ =	swait.ge [sflag:s13], $0x8000  }
0x127: {  	p1 =	seq.s32 s17, $0x1;
	s21 =	sshrl.u32 s16, $0x3;
	[sflag:s13] =	ssyncset.done $0x0  }
.Ltmp5:
0x128: {  	s21 =	sadd.s32 s3, s21;
	[sflag:s13] =	ssyncadd.s32 $0xFFFF8000;
	(pc) =	sbr.rel @!p1 .LBB2_7-.Ltmp5, $4  }
0x129: {  	[hbm4b:s21+s6] =	stream.linear.scatter [tilespmem:s15], [sflag:$0x2], $0x80, $0x38;
	[tilespmem:$0xAE10] =	vst v63  }
0x12a: {  	s17 =	sadd.s32 $0xFFFFFFFF, s17;
	_ =	swait.ge [sflag:s14], $0x80  }
0x12b: {  	s9 =	sadd.s32 $0x80, s9;
	s16 =	sadd.s32 $0x80, s16;
	[sflag:s14] =	ssyncset.done $0x0  }
0x12c: {  	s10 =	sadd.s32 $0x1000, s10;
	s15 =	sadd.s32 $0x80, s15;
	[sflag:s14] =	ssyncadd.s32 $0xFFFFFF80  }
.LBB2_8:
0x12d: {  	s1 =	rddreg [dreg:$0xf]  }
0x12e: {  	s9 =	sshrl.u32 s1, $0x4  }
0x12f: {  	s9 =	sand.u32 $0x7, s9  }
0x130: {  	p1 =	seq.s32 s9, $0x0  }
.Ltmp6:
0x131: {  	_ = 	snop;
	(pc) =	sbr.rel @p1 .LBB2_15-.Ltmp6, $2  }
0x132: {  	_ =	sdelay $0x2  }
0x133: {  	s0 =	rddreg [dreg:$0xe]  }
0x134: {  	s10 =	sshrl.u32 s1, $0x7;
	s16 =	rddreg [dreg:$0xb];
	p2 =	sne.s32 s9, $0x1  }
.Ltmp7:
0x135: {  	s17 =	sand.u32 $0xFFFFFF80, s1;
	s21 =	rddreg [dreg:$0x10];
	(pc) =	sbr.rel @!p2 .LBB2_10-.Ltmp7, $4  }
0x136: {  	s9 =	sadd.s32 $0xFFFFFFFF, s9;
	p1 =	por $0x0, $0x0;
	s15 =	sshll.u32 s10, $0x9  }
0x137: {  	s10 =	sshll.u32 s10, $0xC;
	s22 =	sshll.u32 s17, $0x2;
	s12 =	sshra.s32 s15, $0x2  }
0x138: {  	s10 =	sadd.s32 s10, s16;
	s15 =	sshra.s32 s22, $0x2;
	s12 =	sadd.s32 $0x1100, s12  }
0x139: {  	s16 =	sadd.s32 s21, s10;
	s10 =	simm.s32 $0x800;
	s21 =	sand.u32 $0xFFFFFF80, s15  }
0x13a: {  	s10 =	sadd.s32 $0x800, s21  }
0x13b: {  	v16 =	vld [tilespmem:s10+$0x0];
	_ =	sdelay $0x4  }
0x13c: {  	v17 =	vshll.u32 v16, $0x1  }
0x13d: {  	v18 =	vand.u32 $0x7, v16;
	v17 =	vand.u32 $0xFFFFFFF0, v17  }
0x13e: {  	v17 =	vor.u32 v18, v17  }
0x13f: {  	v18 =	vperm.xlane v17, v13;
	_ =	sdelay $0x1  }
0x140: {  	v17 =	vperm.xlane v17, v15;
	v18 =	vadd.s32 v14, v18;
	_ =	sdelay $0x1  }
0x141: {  	v17 =	vadd.s32 v14, v17;
	_ =	sdelay $0x1  }
0x142: {  	[tilespmem:$0x1D80] =	vst v16  }
0x143: {  	[tilespmem:s7], [sflag:$0x1] =	stream.indirect_vreg.gather [hbm4b:s2+s6], $0x80, v18, vm4, $0xb8;
	[tilespmem:$0xAE10] =	vst v63  }
0x144: {  	_ = 	snop  }
0x145: {  	[tilespmem:s8], [sflag:$0x1] =	stream.indirect_vreg.gather [hbm4b:s2+s6], $0x80, v17, vm4, $0xb8;
	[tilespmem:$0xAE10] =	vst v63  }
0x146: {  	_ =	swait.ge [sflag:s5], $0x1000  }
0x147: {  	s22 =	sadd.s32 s17, s11;
	s17 =	sadd.s32 $0x10, s17;
	[sflag:s5] =	ssyncset.done $0x0  }
0x148: {  	p2 =	sne.s32 s9, $0x1;
	s15 =	sadd.s32 $0xFFFFFFFF, s9;
	[sflag:s5] =	ssyncadd.s32 $0xFFFFF000  }
0x149: {  	[hbm4b:s16+s6] =	stream.linear.scatter [tilespmem:s7], [sflag:$0x3], $0x1000, $0x38;
	[tilespmem:$0xAE10] =	vst v63  }
0x14a: {  	p1 =	por $0x1, $0x1;
	s10 =	sshrl.u32 s22, $0x3;
	_ =	swait.ge [sflag:s13], $0x1000  }
.Ltmp8:
0x14b: {  	s1 =	sshll.u32 s17, $0x2;
	[sflag:s13] =	ssyncset.done $0x0;
	(pc) =	sbr.rel @!p2 .LBB2_12-.Ltmp8, $4  }
0x14c: {  	s10 =	sadd.s32 s3, s10;
	s22 =	sshra.s32 s1, $0x2;
	[sflag:s13] =	ssyncadd.s32 $0xFFFFF000  }
0x14d: {  	[hbm4b:s10+s6] =	stream.linear.scatter [tilespmem:s12], [sflag:$0x2], $0x10, $0x38;
	[tilespmem:$0xAE10] =	vst v63  }
0x14e: {  	s9 =	smov.u32 s12;
	s21 =	sand.u32 $0xFFFFFF80, s22;
	_ =	swait.ge [sflag:s14], $0x10  }
0x14f: {  	s16 =	sadd.s32 $0x200, s16;
	s10 =	simm.s32 $0x810;
	[sflag:s14] =	ssyncset.done $0x0  }
.LBB2_13:
0x150: {  	s21 =	sadd.s32 s21, s10;
	[sflag:s14] =	ssyncadd.s32 $0xFFFFFFF0;
	s9 =	sadd.s32 $0x10, s9  }
0x151: {  	p2 =	sne.s32 s15, $0x1;
	s15 =	sadd.s32 $0xFFFFFFFF, s15;
	v16 =	vld [tilespmem:s21+$0x0];
	_ =	sdelay $0x4  }
0x152: {  	v17 =	vshll.u32 v16, $0x1  }
0x153: {  	v18 =	vand.u32 $0x7, v16;
	v17 =	vand.u32 $0xFFFFFFF0, v17  }
0x154: {  	v17 =	vor.u32 v18, v17  }
0x155: {  	v18 =	vperm.xlane v17, v13;
	v17 =	vperm.xlane v17, v15;
	_ =	sdelay $0x1  }
0x156: {  	v18 =	vadd.s32 v14, v18;
	_ =	sdelay $0x1  }
0x157: {  	v17 =	vadd.s32 v14, v17;
	_ =	sdelay $0x1  }
0x158: {  	[tilespmem:$0x1D80] =	vst v16  }
0x159: {  	[tilespmem:s7], [sflag:$0x1] =	stream.indirect_vreg.gather [hbm4b:s2+s6], $0x80, v18, vm4, $0xb8;
	[tilespmem:$0xAE10] =	vst v63  }
0x15a: {  	_ = 	snop  }
0x15b: {  	[tilespmem:s8], [sflag:$0x1] =	stream.indirect_vreg.gather [hbm4b:s2+s6], $0x80, v17, vm4, $0xb8;
	[tilespmem:$0xAE10] =	vst v63  }
0x15c: {  	_ =	swait.ge [sflag:s5], $0x1000  }
0x15d: {  	[sflag:s5] =	ssyncset.done $0x0  }
0x15e: {  	[sflag:s5] =	ssyncadd.s32 $0xFFFFF000  }
0x15f: {  	[hbm4b:s16+s6] =	stream.linear.scatter [tilespmem:s7], [sflag:$0x3], $0x1000, $0x38;
	[tilespmem:$0xAE10] =	vst v63  }
0x160: {  	s21 =	sadd.s32 s17, s11;
	s17 =	sadd.s32 $0x10, s17;
	_ =	swait.ge [sflag:s13], $0x1000  }
.Ltmp9:
0x161: {  	s21 =	sshrl.u32 s21, $0x3;
	[sflag:s13] =	ssyncset.done $0x0;
	(pc) =	sbr.rel @p2 .LBB2_13-.Ltmp9, $4  }
0x162: {  	s22 =	sshll.u32 s17, $0x2;
	s21 =	sadd.s32 s3, s21;
	[sflag:s13] =	ssyncadd.s32 $0xFFFFF000  }
0x163: {  	[hbm4b:s21+s6] =	stream.linear.scatter [tilespmem:s9], [sflag:$0x2], $0x10, $0x38;
	[tilespmem:$0xAE10] =	vst v63  }
0x164: {  	s16 =	sadd.s32 $0x200, s16;
	s21 =	sshra.s32 s22, $0x2;
	_ =	swait.ge [sflag:s14], $0x10  }
0x165: {  	s10 =	sadd.s32 $0x10, s10;
	s21 =	sand.u32 $0xFFFFFF80, s21;
	[sflag:s14] =	ssyncset.done $0x0  }
.Ltmp10:
0x166: {  	_ = 	snop;
	(pc) =	sbr.rel .LBB2_14-.Ltmp10, $1  }
0x167: {  	_ =	sdelay $0x3  }
.LBB2_12:
.Ltmp11:
0x168: {  	(pc) =	sbr.rel .LBB2_14-.Ltmp11, $2  }
0x169: {  	_ =	sdelay $0x2  }
0x16a: {  	s9 =	smov.u32 s12  }
.LBB2_16:
0x16b: {  	_ =	sfence.sel $0x180000  }
0x16c: {  	[bflag:$0x0] =	sbarrier.arrive $0xFFFF  }
0x16d: {  	_ =	strace $0x90000047  }
0x16e: {  	s0 =	stileid.u32;
	[bflag:$0x2] =	sbarrier.arrive $0xFFFF  }
0x16f: {  	p0 =	sne.s32 s0, $0x0;
	s0 =	rddreg [dreg:$0x5]  }
0x170: {  	s0 =	sadd.s32 @!p0 $0x100000, s0  }
0x171: {  	[sflag:s0] =	ssyncadd.tile.s32 @!p0 $0x1;
	_ =	shalt  }
.Lfunc_end2:
_tile_overlayer_lowered:
.L_overlay_start_2:
0x172: {  	(tag) =	ssettag $0x2  }
0x173: {  	s0 =	rddreg [dreg:$0x0];
	s2 =	stileid.u32  }
0x174: {  	s1 =	rddreg [dreg:$0x1];
	p0 =	sne.s32 s2, $0x0  }
0x175: {  	s3 =	rddreg [dreg:$0x2];
	[bflag:$0x3] =	sbarrier.arrive $0xFFFF;
	s2 =	simm.s32 @!p0 $0x1C03  }
0x176: {  	[timem:s3], [sflag:s2] =	dma.local @!p0 [hbm:s0], s1  }
0x177: {  	s0 =	simm.s32 @!p0 $0x3  }
0x178: {  	_ =	swait.ge @!p0 [sflag:s0], s1  }
0x179: {  	s1 =	ssub.s32 @!p0 $0x0, s1;
	[sflag:s0] =	ssyncset.done @!p0 $0x0  }
0x17a: {  	[sflag:s0] =	ssyncadd.s32 @!p0 s1  }
0x17b: {  	[bflag:$0x3] =	sbarrier.arrive $0xFFFF  }
0x17c: {  	_ =	shalt  }

// kernel: kernel.8.cloned.1.call-start
scs
__scs_entry_jumppad:
0x0: {  	(pc) =	sbr.rel $0x88, $3  }
0x1: {  	(tag) =	ssettag $0x0;
	lr =	simm.s32 $0x1  }
0x2: {  	[smem:$0x3F9D] =	sst lr;
	_ =	strace $0xD0000000  }
0x3: {  	_ = 	snop  }
0x4: {  	_ = 	snop  }
0x5: {  	_ = 	snop  }
0x6: {  	_ = 	snop  }
0x7: {  	_ = 	snop  }
__scs_overlays_trampoline_lowered:
0x8: {  	[smem:$0x3FAC] =	sst s0  }
0x9: {  	[smem:$0x3FAD] =	sst s1  }
0xa: {  	[smem:$0x3FAE] =	sst s2  }
0xb: {  	[smem:$0x3FAF] =	sst s3  }
0xc: {  	[smem:$0x3FB0] =	sst s4  }
0xd: {  	[smem:$0x3FB1] =	sst s5  }
0xe: {  	[smem:$0x3FB2] =	sst s6  }
0xf: {  	[smem:$0x3FB3] =	sst s7  }
0x10: {  	[smem:$0x3FB4] =	sst s8  }
0x11: {  	[smem:$0x3FB5] =	sst s9;
	s0 =	simm.s32 @!p0 $0x0  }
0x12: {  	s1 =	sld [smem:$0x3F9B];
	s0 =	simm.s32 @p0 $0x1  }
0x13: {  	[smem:$0x3FB6] =	sst s0;
	s0 =	simm.s32 @!p1 $0x0  }
0x14: {  	s2 =	sld [smem:$0x3F9A];
	s0 =	simm.s32 @p1 $0x1  }
0x15: {  	[smem:$0x3FB7] =	sst s0;
	s0 =	simm.s32 @!p2 $0x0  }
0x16: {  	s3 =	sld [smem:$0x3FDB];
	s0 =	simm.s32 @p2 $0x1  }
0x17: {  	s4 =	simm.s32 $0x1BF5;
	[smem:$0x3FB9] =	sst s0  }
0x18: {  	s0 =	sld [smem:$0x3F9C];
	_ =	swait.ge [sflag:s4], $0x0  }
0x19: {  	s7 =	sld [smem:$0x3F9D]  }
0x1a: {  	s8 =	sadd.s32 $0xFFFFE003, lr  }
0x1b: {  	s9 =	sadd.s32 $0xFFFFFEF7, lr;
	s5 =	simm.s32 $0xFFFFFFFF;
	p2 =	slt.u32 s8, $0xFFFFF086  }
0x1c: {  	p1 =	slt.u32 s9, $0xF7A;
	s5 =	simm.s32 @!p2 $0x0  }
0x1d: {  	s5 =	simm.s32 @p1 $0x1;
	p0 =	seq.s32 s7, s2  }
0x1e: {  	s7 =	smul.u32 @!p0 $0xF7A, s2;
	p2 =	seq.s32 @!p0 s5, $0x0  }
0x1f: {  	s9 =	smul.u32 $0xF7A, s1;
	s8 =	simm.s32 @!p0 $0x1BF5;
	p2 =	por !p2, p0  }
0x20: {  	[sflag:s8] =	ssyncset.s32 @!p0 $0xFFFFF086;
	s6 =	sadd.s32 @!p0 s3, s7;
	s7 =	simm.s32 @!p0 $0x108  }
0x21: {  	s3 =	sadd.s32 s3, s9;
	s6 =	sadd.s32 @!p0 $0x88, s6;
	s7 =	simm.s32 @p2 $0x1082  }
0x22: {  	[simem:s7], [sflag:s8] =	dma.local @!p0 [hbm:s6], $0xF7A  }
0x23: {  	s9 =	sor.u32 $0xD0000000, s2;
	s6 =	simm.s32 $0x108;
	_ =	swait.ge @!p0 [sflag:s8], $0x0  }
0x24: {  	s3 =	sadd.s32 $0x88, s3;
	s6 =	simm.s32 @!p1 $0x1082;
	[sflag:s4] =	ssyncset.s32 $0xFFFFF086  }
0x25: {  	[simem:s6], [sflag:s4] =	dma.local [hbm:s3], $0xF7A  }
0x26: {  	[smem:$0x3F9D] =	sst s1;
	(tag) =	ssettag s2;
	_ =	strace s9  }
0x27: {  	s1 =	sld [smem:$0x3FAD]  }
0x28: {  	s2 =	sld [smem:$0x3FAE]  }
0x29: {  	s4 =	sld [smem:$0x3FB0]  }
0x2a: {  	p0 =	seq.s32 s5, $0x0;
	s5 =	sld [smem:$0x3FB1]  }
0x2b: {  	s6 =	sld [smem:$0x3FB2]  }
0x2c: {  	s7 =	sld [smem:$0x3FB3]  }
0x2d: {  	s3 =	simm.s32 $0x108;
	s8 =	sld [smem:$0x3FB4]  }
0x2e: {  	s3 =	simm.s32 @!p0 $0x1082;
	s9 =	sld [smem:$0x3FB5]  }
0x2f: {  	lr =	sadd.s32 s0, s3;
	s0 =	sld [smem:$0x3FAC]  }
0x30: {  	s3 =	sld [smem:$0x3FAF]  }
0x31: {  	[smem:$0x3FB8] =	sst s10  }
0x32: {  	s10 =	sld [smem:$0x3FB6];
	_ =	sdelay $0x3  }
0x33: {  	p0 =	seq.s32 s10, $0x1;
	s10 =	sld [smem:$0x3FB8];
	_ =	sdelay $0x3  }
0x34: {  	[smem:$0x3FB8] =	sst s10  }
0x35: {  	s10 =	sld [smem:$0x3FB7];
	_ =	sdelay $0x3  }
0x36: {  	p1 =	seq.s32 s10, $0x1;
	s10 =	sld [smem:$0x3FB8];
	_ =	sdelay $0x3  }
0x37: {  	[smem:$0x3FB8] =	sst s10  }
0x38: {  	s10 =	sld [smem:$0x3FB9]  }
0x39: {  	_ = 	snop;
	(pc) =	sbr.ind lr, $3  }
0x3a: {  	_ = 	snop  }
0x3b: {  	_ = 	snop  }
0x3c: {  	p2 =	seq.s32 s10, $0x1;
	s10 =	sld [smem:$0x3FB8]  }
0x3d: {  	_ =	shalt  }
0x3e: {  	_ =	shalt  }
0x3f: {  	_ =	shalt  }
0x40: {  	_ =	shalt  }
0x41: {  	_ =	shalt  }
0x42: {  	_ =	shalt  }
0x43: {  	_ =	shalt  }
0x44: {  	_ =	shalt  }
0x45: {  	_ =	shalt  }
0x46: {  	_ =	shalt  }
0x47: {  	_ =	shalt  }
0x48: {  	_ =	shalt  }
0x49: {  	_ =	shalt  }
0x4a: {  	_ =	shalt  }
0x4b: {  	_ =	shalt  }
0x4c: {  	_ =	shalt  }
0x4d: {  	_ =	shalt  }
0x4e: {  	_ =	shalt  }
0x4f: {  	_ =	shalt  }
0x50: {  	_ =	shalt  }
0x51: {  	_ =	shalt  }
0x52: {  	_ =	shalt  }
0x53: {  	_ =	shalt  }
0x54: {  	_ =	shalt  }
0x55: {  	_ =	shalt  }
0x56: {  	_ =	shalt  }
0x57: {  	_ =	shalt  }
0x58: {  	_ =	shalt  }
0x59: {  	_ =	shalt  }
0x5a: {  	_ =	shalt  }
0x5b: {  	_ =	shalt  }
0x5c: {  	_ =	shalt  }
0x5d: {  	_ =	shalt  }
0x5e: {  	_ =	shalt  }
0x5f: {  	_ =	shalt  }
0x60: {  	_ =	shalt  }
0x61: {  	_ =	shalt  }
0x62: {  	_ =	shalt  }
0x63: {  	_ =	shalt  }
0x64: {  	_ =	shalt  }
0x65: {  	_ =	shalt  }
0x66: {  	_ =	shalt  }
0x67: {  	_ =	shalt  }
0x68: {  	_ =	shalt  }
0x69: {  	_ =	shalt  }
0x6a: {  	_ =	shalt  }
0x6b: {  	_ =	shalt  }
0x6c: {  	_ =	shalt  }
0x6d: {  	_ =	shalt  }
0x6e: {  	_ =	shalt  }
0x6f: {  	_ =	shalt  }
0x70: {  	_ =	shalt  }
0x71: {  	_ =	shalt  }
0x72: {  	_ =	shalt  }
0x73: {  	_ =	shalt  }
0x74: {  	_ =	shalt  }
0x75: {  	_ =	shalt  }
0x76: {  	_ =	shalt  }
0x77: {  	_ =	shalt  }
0x78: {  	_ =	shalt  }
0x79: {  	_ =	shalt  }
0x7a: {  	_ =	shalt  }
0x7b: {  	_ =	shalt  }
0x7c: {  	_ =	shalt  }
0x7d: {  	_ =	shalt  }
0x7e: {  	_ =	shalt  }
0x7f: {  	_ =	shalt  }
0x80: {  	_ =	shalt  }
0x81: {  	_ =	shalt  }
0x82: {  	_ =	shalt  }
0x83: {  	_ =	shalt  }
0x84: {  	_ =	shalt  }
0x85: {  	_ =	shalt  }
0x86: {  	_ =	shalt  }
0x87: {  	_ =	shalt  }
.Lfunc_end0:
.L_simem_size_0:
called_computation.1_lowered:
.L_overlay_start_0:
0x88: {  	s2 =	sld [smem:$0x3FD9]  }
0x89: {  	s3 =	sld [smem:$0x3FFE];
	_ =	sdelay $0x1  }
0x8a: {  	s1 =	srdreg.scid  }
0x8b: {  	s0 =	sand.u32 $0x1, s1  }
0x8c: {  	s17 =	sshll.u32 s0, $0xA;
	s2 =	sadd.s32 s3, s2  }
0x8d: {  	s2 =	sadd.s32 s2, s17  }
0x8e: {  	[smem:$0x3FC4] =	sst s2  }
0x8f: {  	_ = 	snop  }
0x90: {  	s2 =	sld [smem:$0x3FD0];
	(tm) =	ssettm $0x1  }
0x91: {  	s18 =	sld [smem:$0x3FFB];
	_ =	sdelay $0x3  }
0x92: {  	_ =	strace s18  }
0x93: {  	s3 =	sld [smem:$0x3FFC];
	_ =	sdelay $0x3  }
0x94: {  	_ =	strace s3  }
0x95: {  	s3 =	sld [smem:$0x3FFD];
	_ =	sdelay $0x3  }
0x96: {  	_ =	strace s3  }
0x97: {  	_ =	strace $0x8FFFFFFF  }
0x98: {  	s19 =	sld [smem:$0x3FDB];
	_ =	sdelay $0x1  }
0x99: {  	s4 =	simm.s32 $_scs_section_size  }
0x9a: {  	s5 =	simm.s32 $_size__tile_overlayer_lowered;
	s6 =	simm.s32 $_tile_overlayer_lowered  }
0x9b: {  	s22 =	simm.s32 $0x1BFF;
	s21 =	sshll.u32 s6, $0x1;
	s3 =	sadd.s32 s4, s19  }
0x9c: {  	s7 =	simm.s32 $0x0;
	s20 =	sshll.u32 s5, $0x1;
	s5 =	sadd.s32 s21, s3  }
0x9d: {  	[timem:s7], [sflag:s22] =	dma.local [hbm:s5], s20  }
0x9e: {  	_ =	swait.ge [sflag:s22], s20  }
0x9f: {  	s4 =	ssub.s32 $0x0, s20;
	[sflag:s22] =	ssyncset.done $0x0  }
0xa0: {  	[sflag:s22] =	ssyncadd.s32 s4;
	_ =	sdelay $0x1  }
0xa1: {  	s23 =	simm.s32 $0x1B8B  }
0xa2: {  	_ =	swait.ge [sflag:s23], $0x1  }
0xa3: {  	[sflag:s23] =	ssyncset.done $0x0  }
0xa4: {  	s25 =	simm.s32 $0x1B8E;
	s24 =	sld [smem:$0x3FFE];
	[sflag:s23] =	ssyncadd.s32 $0xFFFFFFFF  }
0xa5: {  	s26 =	simm.s32 $execute0_lowered;
	[smem:$0x3FD2] =	sst s25  }
0xa6: {  	s5 =	sshll.u32 s26, $0x1;
	_ =	strace $0x80000049;
	[dreg:$0x1] =	wrdreg $0xFFFFFFFF  }
0xa7: {  	s28 =	simm.s32 $_size_execute0_lowered;
	s3 =	sadd.s32 s3, s5;
	[dreg:$0x0] =	wrdreg $0x0  }
0xa8: {  	s5 =	sshll.u32 s28, $0x1;
	[dreg:$0x2] =	wrdreg s3  }
0xa9: {  	[dreg:$0x3] =	wrdreg s5  }
0xaa: {  	[dreg:$0x4] =	wrdreg $0xC0  }
0xab: {  	_ =	task [dreg:s7], $0x5FFFF  }
0xac: {  	[dreg:$0x1] =	wrdreg $0xFFFFFFFF  }
0xad: {  	[dreg:$0x0] =	wrdreg $0x60  }
0xae: {  	[dreg:$0x2] =	wrdreg s2  }
0xaf: {  	[dreg:$0x3] =	wrdreg s24  }
0xb0: {  	[dreg:$0x4] =	wrdreg $0x9  }
0xb1: {  	_ =	task.clear_ibuf [dreg:s7], $0x5FFFF;
	_ =	strace $0x90000049  }
0xb2: {  	s29 =	simm.s32 $0x9;
	_ =	strace $0x8000004B  }
0xb3: {  	_ =	swait.ge [sflag:s29], $0x1  }
0xb4: {  	[sflag:s29] =	ssyncadd.s32 $0xFFFFFFFF  }
0xb5: {  	_ =	strace $0x9000004B  }
0xb6: {  	_ =	sfence  }
0xb7: {  	s30 =	sld [smem:$0x0];
	_ =	sdelay $0x2  }
0xb8: {  	s31 =	sshll.u32 s1, $0xD;
	s1 =	sshrl.u32 s1, $0x2  }
0xb9: {  	s3 =	sand.u32 $0x4000, s31;
	s1 =	sadd.s32 s1, s30  }
0xba: {  	s0 =	sor.u32 s3, s0;
	s1 =	sshll.u32 s1, $0x11  }
0xbb: {  	s0 =	sor.u32 s1, s0  }
0xbc: {  	s0 =	sadd.s32 $0x8F2B, s0  }
0xbd: {  	[sflag:s0] =	ssyncadd.remote.s32 $0x1  }
0xbe: {  	_ =	sfence.sel $0xFFFF  }
0xbf: {  	[dreg:$0x0] =	wrdreg $0xFFFFFFFF;
	(pc) =	sbr.abs _section_cstart, $3  }
0xc0: {  	[dreg:$0x1] =	wrdreg $0xFFFFFFFF  }
0xc1: {  	_ =	task.clear_ibuf [dreg:s7], $0x2FFFF;
	_ =	strace $0x9FFFFFFF  }
0xc2: {  	(tm) =	ssettm $0x7FFFFFFF  }
0xc3: {  	_ =	shalt  }
tec
execute0_lowered:
.L_overlay_start_1:
0x0: {  	(tag) =	ssettag $0x1  }
0x1: {  	s5 =	rddreg [dreg:$0x0];
	s1 =	srdreg.scid  }
0x2: {  	s0 =	stileid.u32;
	s4 =	rddreg [dreg:$0x1]  }
0x3: {  	s2 =	simm.s32 $0x0;
	s19 =	simm.s32 $0x4900;
	s20 =	simm.s32 $0x5100  }
0x4: {  	s21 =	simm.s32 $0x5900;
	s22 =	simm.s32 $0x6100;
	s23 =	simm.s32 $0x1  }
0x5: {  	s6 =	sand.u32 $0x1, s1;
	s3 =	sshll.u32 s0, $0x1;
	[smem:$0x7FF] =	sst s2  }
0x6: {  	s1 =	rddreg [dreg:$0x2];
	s7 =	sor.u32 s6, s3;
	_ =	strace $0x8000004A  }
0x7: {  	s3 =	sadd.s32 $0x1BE00, s4;
	s6 =	ssub.s32 $0x2, s6;
	s8 =	smul.u32 $0xD00, s7  }
0x8: {  	s9 =	smul.u32 $0x68, s7;
	s10 =	sshrl.u32 s6, $0x1;
	s12 =	sor.u32 $0x800, s7  }
0x9: {  	s10 =	ssub.s32 s6, s10;
	v1 =	vmov s12;
	s12 =	simm.s32 $0x1100;
	s8 =	sadd.s32 s8, s4  }
0xa: {  	s4 =	sadd.s32 $0x1C000, s4;
	s11 =	sshrl.u32 s9, $0x3;
	s13 =	sadd.s32 $0x10, s9  }
0xb: {  	s14 =	sadd.s32 $0x20, s9;
	s15 =	sadd.s32 $0x30, s9;
	s16 =	sadd.s32 $0x40, s9  }
0xc: {  	v10 =	vlaneseq.u32;
	s17 =	sadd.s32 $0x50, s9;
	s18 =	sadd.s32 $0x58, s9;
	s7 =	smax.u32 s10, $0x1  }
0xd: {  	vm0 =	vmmov $0xffff;
	v9 =	vshrl.u32 v10, $0x3;
	v0 =	vadd.s32 s9, v10;
	s9 =	simm.s32 $0x80;
	s10 =	simm.s32 $0x100;
	s5 =	sadd.s32 s5, s11  }
0xe: {  	v8 =	vand.u32 $0x7, v10;
	v9 =	vmul.u32 $0x8, v9;
	s6 =	sadd.s32 $0x1600, s8;
	s8 =	simm.s32 $0x2;
	s11 =	simm.s32 $0x900;
	v2 =	vadd.s32 s13, v10  }
0xf: {  	v3 =	vadd.s32 s14, v10;
	s13 =	simm.s32 $0x1900;
	s14 =	simm.s32 $0x2100;
	v4 =	vadd.s32 s15, v10;
	v5 =	vadd.s32 s16, v10;
	s15 =	simm.s32 $0x2900  }
0x10: {  	v6 =	vadd.s32 s17, v10;
	s16 =	simm.s32 $0x3100;
	s17 =	simm.s32 $0x3900;
	v7 =	vadd.s32 s18, v10;
	s18 =	simm.s32 $0x4100;
	v10 =	vor.u32 $0x8, v10  }
.LBB2_1:
0x11: {  	[tilespmem:s2], [sflag:$0x2] =	stream.linear.gather [hbm4b:s5+s2], $0x68, $0x38;
	[tilespmem:$0x6900] =	vst v63  }
0x12: {  	_ =	swait.ge [sflag:s8], $0x68  }
0x13: {  	[sflag:s8] =	ssyncset.done $0x0  }
0x14: {  	[sflag:s8] =	ssyncadd.s32 $0xFFFFFF98  }
0x15: {  	[tilespmem:s9], [sflag:$0x2] =	stream.linear.gather [hbm4b:s3+s2], $0x80, $0x38;
	[tilespmem:$0x6900] =	vst v63  }
0x16: {  	_ =	swait.ge [sflag:s8], $0x80  }
0x17: {  	[sflag:s8] =	ssyncset.done $0x0  }
0x18: {  	[sflag:s8] =	ssyncadd.s32 $0xFFFFFF80  }
0x19: {  	v11 =	vld [tilespmem:$0x80]  }
0x1a: {  	v12 =	vld [tilespmem:$0x50];
	_ =	sdelay $0x1  }
0x1b: {  	v13 =	vld [tilespmem:$0x0];
	_ =	sdelay $0x1  }
0x1c: {  	v14 =	vld [tilespmem:$0x10]  }
0x1d: {  	v15 =	vld [tilespmem:$0x20];
	vm1 =	vge.s32 v6, v11;
	vm2 =	vgt.u32 v12, $0x7FF  }
0x1e: {  	v16 =	vld [tilespmem:$0x30];
	vm1 =	vmor vm1, vm2  }
0x1f: {  	vm3 =	vgt.u32 v13, $0x7FF;
	vm2 =	vge.s32 v0, v11;
	v12 =	vsel vm1, v1, v12  }
0x20: {  	v17 =	vld [tilespmem:$0x40];
	vm1 =	vmor vm2, vm3;
	[tilespmem:$0x50] =	vst v12  }
0x21: {  	vm2 =	vgt.u32 v14, $0x7FF;
	v53 =	vsel vm1, v1, v13;
	vm1 =	vge.s32 v2, v11;
	v54 =	vld [tilespmem:$0x58]  }
0x22: {  	vm3 =	vgt.u32 v15, $0x7FF;
	vm1 =	vmor vm1, vm2;
	vm2 =	vge.s32 v3, v11  }
0x23: {  	vm4 =	vgt.u32 v16, $0x7FF;
	vm2 =	vmor vm2, vm3;
	vm3 =	vge.s32 v4, v11  }
0x24: {  	[tilespmem:$0x0] =	vst v53;
	v14 =	vsel vm1, v1, v14;
	v55 =	vsel vm2, v1, v15;
	vm1 =	vmor vm3, vm4  }
0x25: {  	[tilespmem:$0x10] =	vst v14;
	vm2 =	vgt.u32 v17, $0x7FF;
	v56 =	vsel vm1, v1, v16;
	vm1 =	vge.s32 v5, v11  }
0x26: {  	vm3 =	vge.s32 v7, v11;
	[tilespmem:$0x20] =	vst v55;
	vm1 =	vmor vm1, vm2;
	vm2 =	vgt.u32 v54, $0x7FF  }
0x27: {  	[tilespmem:$0x30] =	vst v56;
	v11 =	vsel vm1, v1, v17;
	vm1 =	vmor vm3, vm2  }
0x28: {  	[tilespmem:$0x40] =	vst v11;
	v11 =	vsel vm1, v1, v54  }
0x29: {  	[tilespmem:$0x58] =	vst v11  }
0x2a: {  	[tilespmem:s10], [sflag:$0x2] =	stream.linear.gather [hbm4b:s6+s2], $0x6800, $0x38;
	[tilespmem:$0x6900] =	vst v63  }
0x2b: {  	_ =	swait.ge [sflag:s8], $0x6800  }
0x2c: {  	[sflag:s8] =	ssyncset.done $0x0  }
0x2d: {  	[sflag:s8] =	ssyncadd.s32 $0xFFFF9800  }
0x2e: {  	v11 =	vld [tilespmem:$0x0];
	_ =	sdelay $0x4  }
0x2f: {  	v57 =	vshll.u32 v11, $0x1  }
0x30: {  	v11 =	vand.u32 $0x7, v11;
	v12 =	vand.u32 $0xFFFFFFF0, v57  }
0x31: {  	v11 =	vor.u32 v11, v12  }
0x32: {  	v12 =	vperm.xlane v11, v8;
	_ =	sdelay $0x1  }
0x33: {  	v11 =	vperm.xlane v11, v10;
	v12 =	vadd.s32 v9, v12;
	_ =	sdelay $0x1  }
0x34: {  	v11 =	vadd.s32 v9, v11;
	_ =	sdelay $0x2  }
0x35: {  	[hbm4b:s4+s2] =	stream.indirect_vreg.scatter [tilespmem:s10], [sflag:$0x1], $0x80, v12, vm0, $0xb8;
	[tilespmem:$0x6900] =	vst v63  }
0x36: {  	_ = 	snop  }
0x37: {  	[hbm4b:s4+s2] =	stream.indirect_vreg.scatter [tilespmem:s11], [sflag:$0x1], $0x80, v11, vm0, $0xb8;
	[tilespmem:$0x6900] =	vst v63  }
0x38: {  	v11 =	vld [tilespmem:$0x10];
	_ =	sdelay $0x4  }
0x39: {  	v58 =	vshll.u32 v11, $0x1  }
0x3a: {  	v11 =	vand.u32 $0x7, v11;
	v12 =	vand.u32 $0xFFFFFFF0, v58  }
0x3b: {  	v11 =	vor.u32 v11, v12  }
0x3c: {  	v12 =	vperm.xlane v11, v8;
	_ =	sdelay $0x1  }
0x3d: {  	v11 =	vperm.xlane v11, v10;
	v12 =	vadd.s32 v9, v12;
	_ =	sdelay $0x1  }
0x3e: {  	v11 =	vadd.s32 v9, v11;
	_ =	sdelay $0x2  }
0x3f: {  	[hbm4b:s4+s2] =	stream.indirect_vreg.scatter [tilespmem:s12], [sflag:$0x1], $0x80, v12, vm0, $0xb8;
	[tilespmem:$0x6900] =	vst v63  }
0x40: {  	_ = 	snop  }
0x41: {  	[hbm4b:s4+s2] =	stream.indirect_vreg.scatter [tilespmem:s13], [sflag:$0x1], $0x80, v11, vm0, $0xb8;
	[tilespmem:$0x6900] =	vst v63  }
0x42: {  	v11 =	vld [tilespmem:$0x20];
	_ =	sdelay $0x4  }
0x43: {  	v59 =	vshll.u32 v11, $0x1  }
0x44: {  	v11 =	vand.u32 $0x7, v11;
	v12 =	vand.u32 $0xFFFFFFF0, v59  }
0x45: {  	v11 =	vor.u32 v11, v12  }
0x46: {  	v12 =	vperm.xlane v11, v8;
	_ =	sdelay $0x1  }
0x47: {  	v11 =	vperm.xlane v11, v10;
	v12 =	vadd.s32 v9, v12;
	_ =	sdelay $0x1  }
0x48: {  	v11 =	vadd.s32 v9, v11;
	_ =	sdelay $0x2  }
0x49: {  	[hbm4b:s4+s2] =	stream.indirect_vreg.scatter [tilespmem:s14], [sflag:$0x1], $0x80, v12, vm0, $0xb8;
	[tilespmem:$0x6900] =	vst v63  }
0x4a: {  	_ = 	snop  }
0x4b: {  	[hbm4b:s4+s2] =	stream.indirect_vreg.scatter [tilespmem:s15], [sflag:$0x1], $0x80, v11, vm0, $0xb8;
	[tilespmem:$0x6900] =	vst v63  }
0x4c: {  	v11 =	vld [tilespmem:$0x30];
	_ =	sdelay $0x4  }
0x4d: {  	v60 =	vshll.u32 v11, $0x1  }
0x4e: {  	v11 =	vand.u32 $0x7, v11;
	v12 =	vand.u32 $0xFFFFFFF0, v60  }
0x4f: {  	v11 =	vor.u32 v11, v12  }
0x50: {  	v12 =	vperm.xlane v11, v8;
	_ =	sdelay $0x1  }
0x51: {  	v11 =	vperm.xlane v11, v10;
	v12 =	vadd.s32 v9, v12;
	_ =	sdelay $0x1  }
0x52: {  	v11 =	vadd.s32 v9, v11;
	_ =	sdelay $0x2  }
0x53: {  	[hbm4b:s4+s2] =	stream.indirect_vreg.scatter [tilespmem:s16], [sflag:$0x1], $0x80, v12, vm0, $0xb8;
	[tilespmem:$0x6900] =	vst v63  }
0x54: {  	_ = 	snop  }
0x55: {  	[hbm4b:s4+s2] =	stream.indirect_vreg.scatter [tilespmem:s17], [sflag:$0x1], $0x80, v11, vm0, $0xb8;
	[tilespmem:$0x6900] =	vst v63  }
0x56: {  	v11 =	vld [tilespmem:$0x40];
	_ =	sdelay $0x4  }
0x57: {  	v61 =	vshll.u32 v11, $0x1  }
0x58: {  	v11 =	vand.u32 $0x7, v11;
	v12 =	vand.u32 $0xFFFFFFF0, v61  }
0x59: {  	v11 =	vor.u32 v11, v12  }
0x5a: {  	v12 =	vperm.xlane v11, v8;
	_ =	sdelay $0x1  }
0x5b: {  	v11 =	vperm.xlane v11, v10;
	v12 =	vadd.s32 v9, v12;
	_ =	sdelay $0x1  }
0x5c: {  	v11 =	vadd.s32 v9, v11;
	_ =	sdelay $0x2  }
0x5d: {  	[hbm4b:s4+s2] =	stream.indirect_vreg.scatter [tilespmem:s18], [sflag:$0x1], $0x80, v12, vm0, $0xb8;
	[tilespmem:$0x6900] =	vst v63  }
0x5e: {  	_ = 	snop  }
0x5f: {  	[hbm4b:s4+s2] =	stream.indirect_vreg.scatter [tilespmem:s19], [sflag:$0x1], $0x80, v11, vm0, $0xb8;
	[tilespmem:$0x6900] =	vst v63  }
0x60: {  	v11 =	vld [tilespmem:$0x50];
	_ =	sdelay $0x4  }
0x61: {  	v62 =	vshll.u32 v11, $0x1  }
0x62: {  	v11 =	vand.u32 $0x7, v11;
	v12 =	vand.u32 $0xFFFFFFF0, v62  }
0x63: {  	v11 =	vor.u32 v11, v12  }
0x64: {  	v12 =	vperm.xlane v11, v8;
	_ =	sdelay $0x1  }
0x65: {  	v11 =	vperm.xlane v11, v10;
	v12 =	vadd.s32 v9, v12;
	_ =	sdelay $0x1  }
0x66: {  	v11 =	vadd.s32 v9, v11;
	_ =	sdelay $0x2  }
0x67: {  	[hbm4b:s4+s2] =	stream.indirect_vreg.scatter [tilespmem:s20], [sflag:$0x1], $0x80, v12, vm0, $0xb8;
	[tilespmem:$0x6900] =	vst v63  }
0x68: {  	_ = 	snop  }
0x69: {  	[hbm4b:s4+s2] =	stream.indirect_vreg.scatter [tilespmem:s21], [sflag:$0x1], $0x80, v11, vm0, $0xb8;
	[tilespmem:$0x6900] =	vst v63  }
0x6a: {  	v11 =	vld.msk [tilespmem:$0x60], $0xff;
	_ =	sdelay $0x4  }
0x6b: {  	v63 =	vshll.u32 v11, $0x1  }
0x6c: {  	v11 =	vand.u32 $0x7, v11;
	v12 =	vand.u32 $0xFFFFFFF0, v63  }
0x6d: {  	v11 =	vor.u32 v11, v12  }
0x6e: {  	v11 =	vperm.xlane v11, v8;
	_ =	sdelay $0x1  }
0x6f: {  	v11 =	vadd.s32 v9, v11;
	_ =	sdelay $0x2  }
0x70: {  	p0 =	sne.s32 s7, $0x1  }
.Ltmp0:
0x71: {  	_ = 	snop;
	(pc) =	sbr.rel @p0 .LBB2_1-.Ltmp0, $4  }
0x72: {  	[hbm4b:s4+s2] =	stream.indirect_vreg.scatter [tilespmem:s22], [sflag:$0x1], $0x80, v11, vm0, $0xb8;
	[tilespmem:$0x6900] =	vst v63  }
0x73: {  	_ =	swait.ge [sflag:s23], $0x6800  }
0x74: {  	[sflag:s23] =	ssyncset.done $0x0  }
0x75: {  	s7 =	sadd.s32 $0xFFFFFFFF, s7;
	[sflag:s23] =	ssyncadd.s32 $0xFFFF9800  }
0x76: {  	_ =	sfence.sel $0x180000  }
0x77: {  	[bflag:$0x0] =	sbarrier.arrive $0xFFFF  }
0x78: {  	p0 =	sne.s32 s0, $0x0;
	_ =	strace $0x9000004A  }
0x79: {  	s0 =	sadd.s32 @!p0 $0x100000, s1;
	[bflag:$0x2] =	sbarrier.arrive $0xFFFF  }
0x7a: {  	[sflag:s0] =	ssyncadd.tile.s32 @!p0 $0x1;
	_ =	shalt  }
.Lfunc_end2:
_tile_overlayer_lowered:
.L_overlay_start_2:
0x7b: {  	(tag) =	ssettag $0x2  }
0x7c: {  	s0 =	rddreg [dreg:$0x0];
	s2 =	stileid.u32  }
0x7d: {  	s1 =	rddreg [dreg:$0x1];
	p0 =	sne.s32 s2, $0x0  }
0x7e: {  	s3 =	rddreg [dreg:$0x2];
	[bflag:$0x3] =	sbarrier.arrive $0xFFFF;
	s2 =	simm.s32 @!p0 $0x1C02  }
0x7f: {  	[timem:s3], [sflag:s2] =	dma.local @!p0 [hbm:s0], s1  }
0x80: {  	s0 =	simm.s32 @!p0 $0x2  }
0x81: {  	_ =	swait.ge @!p0 [sflag:s0], s1  }
0x82: {  	s1 =	ssub.s32 @!p0 $0x0, s1;
	[sflag:s0] =	ssyncset.done @!p0 $0x0  }
0x83: {  	[sflag:s0] =	ssyncadd.s32 @!p0 s1  }
0x84: {  	[bflag:$0x3] =	sbarrier.arrive $0xFFFF  }
0x85: {  	_ =	shalt  }

</sc_bundles>
